<compile_context>
chip_gen: v7x
topology: tpu7x:2x2x1
jax: 0.10.2.dev20260603
libtpu: 0.0.44.dev20260713+nightly
codegen_flags: <defaults>
</compile_context>

<pallas_src>
import functools

import jax
import jax.numpy as jnp
from jax import lax
from jax.experimental import pallas as pl
from jax.experimental.pallas import tpu as pltpu
from jax.experimental.pallas import tpu_sc as plsc

NUM_CORES = 2
NUM_SUBCORES = 16
NUM_WORKERS = NUM_CORES * NUM_SUBCORES
LANES = 16
NBUF = 4
SUBCHUNKS = 4


def _sc_body(x_hbm, p_hbm, o_hbm, p_v, xbuf, obuf, lsem, ssem):
    B = x_hbm.shape[0]
    rows, D = p_v.shape
    chunk = rows // SUBCHUNKS
    wid = lax.axis_index("s") * NUM_CORES + lax.axis_index("c")
    base = wid * rows

    nchunks = B * SUBCHUNKS

    def load(g, k):
        b, s = g // SUBCHUNKS, g % SUBCHUNKS
        return pltpu.make_async_copy(
            x_hbm.at[b, pl.ds(base + s * chunk, chunk)], xbuf.at[k], lsem.at[k])

    def store(g, k):
        b, s = g // SUBCHUNKS, g % SUBCHUNKS
        return pltpu.make_async_copy(
            obuf.at[k], o_hbm.at[b, pl.ds(base + s * chunk, chunk)], ssem.at[k])

    for k in range(NBUF):
        load(k, k).start()

    pltpu.sync_copy(p_hbm.at[pl.ds(base, rows)], p_v)

    @pl.loop(0, nchunks, step=NBUF)
    def _ring(g0):
        for j in range(NBUF):
            g = g0 + j
            load(g, j).wait()

            @pl.when(g0 != 0)
            def _():
                store(g - NBUF, j).wait()

            off = (g % SUBCHUNKS) * chunk

            @plsc.parallel_loop(0, chunk, 1, unroll=4)
            def _add(r):
                for c in range(D // LANES):
                    sl = pl.ds(c * LANES, LANES)
                    obuf[j, r, sl] = xbuf[j, r, sl] + p_v[off + r, sl]

            store(g, j).start()

            @pl.when(g0 + NBUF < nchunks)
            def _():
                load(g + NBUF, j).start()

    for g in range(nchunks - NBUF, nchunks):
        store(g, g % NBUF).wait()


def kernel(x, pos_table):
    B, T, D = x.shape
    rows = T // NUM_WORKERS
    chunk = rows // SUBCHUNKS
    mesh = plsc.VectorSubcoreMesh(core_axis_name="c", subcore_axis_name="s")
    run = functools.partial(
        pl.kernel,
        mesh=mesh,
        out_type=jax.ShapeDtypeStruct((B, T, D), jnp.float32),
        scratch_types=[
            pltpu.VMEM((rows, D), jnp.float32),
            pltpu.VMEM((NBUF, chunk, D), jnp.float32),
            pltpu.VMEM((NBUF, chunk, D), jnp.float32),
            pltpu.SemaphoreType.DMA((NBUF,)),
            pltpu.SemaphoreType.DMA((NBUF,)),
        ],
    )(_sc_body)
    return run(x, pos_table)

# --- scband reference (transcript-rebuilt; emitter-appended) ---
"""Pipeline reference for scband-positional-embedding-10969346474798 (READ-ONLY COPY).

The authoritative reference and input builder live on the scoring server;
editing this copy changes nothing except your own understanding.
"""

import jax, jax.numpy as jnp
import numpy as np

EMBED_DIM = 128
NUM_TOKENS = 8192
BATCH = 4

def setup_inputs(seed: int = 0) -> dict:
    key = jax.random.key(seed)
    k1, k2 = jax.random.split(key)
    x = jax.random.normal(k1, (BATCH, NUM_TOKENS, EMBED_DIM), dtype=jnp.float32)
    # Keras Embedding default init: uniform(-0.05, 0.05)
    pos_table = jax.random.uniform(k2, (NUM_TOKENS, EMBED_DIM), dtype=jnp.float32, minval=-0.05, maxval=0.05)
    return {"x": x, "pos_table": pos_table}

def reference(x, pos_table):
    num_tokens = x.shape[1]
    positions = jnp.arange(0, num_tokens, 1)
    encoded_positions = jnp.take(pos_table, positions, axis=0)  # embedding lookup [num_tokens, EMBED_DIM]
    return x + encoded_positions  # broadcast over batch

if __name__ == "__main__":
    import jax
    _d = setup_inputs()
    print(jax.jit(kernel)(*tuple(_d.values())))

</pallas_src>

<mosaic_0001>
#map = affine_map<(d0, d1) -> (0, 0, 0)>
#map1 = affine_map<(d0, d1) -> (0, 0)>
module attributes {stable_mosaic.version = 14 : i64} {
  func.func @_sc_body(%arg0: i32, %arg1: i32, %arg2: memref<4x8192x128xf32, #tpu.memory_space<hbm>>, %arg3: memref<8192x128xf32, #tpu.memory_space<hbm>>, %arg4: memref<4x8192x128xf32, #tpu.memory_space<hbm>>, %arg5: memref<256x128xf32, #tpu.memory_space<vmem>>, %arg6: memref<4x64x128xf32, #tpu.memory_space<vmem>>, %arg7: memref<4x64x128xf32, #tpu.memory_space<vmem>>, %arg8: memref<4x!tpu.dma_semaphore, #tpu.memory_space<semaphore_mem>>, %arg9: memref<4x!tpu.dma_semaphore, #tpu.memory_space<semaphore_mem>>) attributes {dimension_semantics = [#tpu.dimension_semantics<core_parallel>, #tpu.dimension_semantics<subcore_parallel>], iteration_bounds = array<i64: 2, 16>, scalar_prefetch = 0 : i64, scratch_operands = 5 : i64, tpu.core_type = #tpu.core_type<sc_vector_subcore>, window_params = [{transform_indices = #map}, {transform_indices = #map1}, {transform_indices = #map}]} {
    %mul3A = arith.constant 2 : i32
    %mul3A_0 = arith.muli %arg1, %mul3A : i32
    %add3A = arith.addi %mul3A_0, %arg0 : i32
    %mul3A_1 = arith.constant 256 : i32
    %mul3A_2 = arith.muli %add3A, %mul3A_1 : i32
    %add3A_3 = arith.constant 0 : i32
    %add3A_4 = arith.addi %mul3A_2, %add3A_3 : i32
    %dma_start3A = arith.constant 0 : i32
    %dma_start3A_5 = arith.constant 0 : i32
    %dma_start3A_6 = arith.constant 0 : i32
    %dma_start3A_7 = arith.constant 0 : i32
    %dma_start3A_8 = arith.constant 0 : i32
    %dma_start3A_9 = tpu.memref_slice %arg6[%dma_start3A_5, %dma_start3A_7, %dma_start3A_8] : memref<4x64x128xf32, #tpu.memory_space<vmem>> -> memref<1x64x128xf32, #tpu.memory_space<vmem>>
    %dma_start3A_10 = tpu.memref_squeeze %dma_start3A_9 : memref<1x64x128xf32, #tpu.memory_space<vmem>> -> memref<64x128xf32, #tpu.memory_space<vmem>>
    %dma_start3A_11 = arith.constant 0 : i32
    %dma_start3A_12 = tpu.memref_slice %arg2[%dma_start3A, %add3A_4, %dma_start3A_11] : memref<4x8192x128xf32, #tpu.memory_space<hbm>> -> memref<1x64x128xf32, #tpu.memory_space<hbm>>
    %dma_start3A_13 = tpu.memref_squeeze %dma_start3A_12 : memref<1x64x128xf32, #tpu.memory_space<hbm>> -> memref<64x128xf32, #tpu.memory_space<hbm>>
    %dma_start3A_14 = tpu.memref_slice %arg8[%dma_start3A_6] : memref<4x!tpu.dma_semaphore, #tpu.memory_space<semaphore_mem>> -> memref<1x!tpu.dma_semaphore, #tpu.memory_space<semaphore_mem>>
    %dma_start3A_15 = tpu.memref_squeeze %dma_start3A_14 : memref<1x!tpu.dma_semaphore, #tpu.memory_space<semaphore_mem>> -> memref<!tpu.dma_semaphore, #tpu.memory_space<semaphore_mem>>
    %dma_start3A_16 = arith.constant 0 : i32
    %dma_start3A_17 = arith.constant 0 : i32
    %dma_start3A_18 = tpu.memref_slice %arg6[%dma_start3A_5, %dma_start3A_16, %dma_start3A_17] : memref<4x64x128xf32, #tpu.memory_space<vmem>> -> memref<1x64x128xf32, #tpu.memory_space<vmem>>
    %dma_start3A_19 = tpu.memref_squeeze %dma_start3A_18 : memref<1x64x128xf32, #tpu.memory_space<vmem>> -> memref<64x128xf32, #tpu.memory_space<vmem>>
    %dma_start3A_20 = arith.constant 0 : i32
    %dma_start3A_21 = tpu.memref_slice %arg2[%dma_start3A, %add3A_4, %dma_start3A_20] : memref<4x8192x128xf32, #tpu.memory_space<hbm>> -> memref<1x64x128xf32, #tpu.memory_space<hbm>>
    %dma_start3A_22 = tpu.memref_squeeze %dma_start3A_21 : memref<1x64x128xf32, #tpu.memory_space<hbm>> -> memref<64x128xf32, #tpu.memory_space<hbm>>
    tpu.enqueue_dma source(%dma_start3A_22 : memref<64x128xf32, #tpu.memory_space<hbm>>) target(%dma_start3A_19 : memref<64x128xf32, #tpu.memory_space<vmem>>) target_semaphore(%dma_start3A_15 : memref<!tpu.dma_semaphore, #tpu.memory_space<semaphore_mem>>)
    %add3A_23 = arith.constant 64 : i32
    %add3A_24 = arith.addi %mul3A_2, %add3A_23 : i32
    %dma_start3A_25 = arith.constant 0 : i32
    %dma_start3A_26 = arith.constant 1 : i32
    %dma_start3A_27 = arith.constant 1 : i32
    %dma_start3A_28 = arith.constant 0 : i32
    %dma_start3A_29 = arith.constant 0 : i32
    %dma_start3A_30 = tpu.memref_slice %arg6[%dma_start3A_26, %dma_start3A_28, %dma_start3A_29] : memref<4x64x128xf32, #tpu.memory_space<vmem>> -> memref<1x64x128xf32, #tpu.memory_space<vmem>>
    %dma_start3A_31 = tpu.memref_squeeze %dma_start3A_30 : memref<1x64x128xf32, #tpu.memory_space<vmem>> -> memref<64x128xf32, #tpu.memory_space<vmem>>
    %dma_start3A_32 = arith.constant 0 : i32
    %dma_start3A_33 = tpu.memref_slice %arg2[%dma_start3A_25, %add3A_24, %dma_start3A_32] : memref<4x8192x128xf32, #tpu.memory_space<hbm>> -> memref<1x64x128xf32, #tpu.memory_space<hbm>>
    %dma_start3A_34 = tpu.memref_squeeze %dma_start3A_33 : memref<1x64x128xf32, #tpu.memory_space<hbm>> -> memref<64x128xf32, #tpu.memory_space<hbm>>
    %dma_start3A_35 = tpu.memref_slice %arg8[%dma_start3A_27] : memref<4x!tpu.dma_semaphore, #tpu.memory_space<semaphore_mem>> -> memref<1x!tpu.dma_semaphore, #tpu.memory_space<semaphore_mem>>
    %dma_start3A_36 = tpu.memref_squeeze %dma_start3A_35 : memref<1x!tpu.dma_semaphore, #tpu.memory_space<semaphore_mem>> -> memref<!tpu.dma_semaphore, #tpu.memory_space<semaphore_mem>>
    %dma_start3A_37 = arith.constant 0 : i32
    %dma_start3A_38 = arith.constant 0 : i32
    %dma_start3A_39 = tpu.memref_slice %arg6[%dma_start3A_26, %dma_start3A_37, %dma_start3A_38] : memref<4x64x128xf32, #tpu.memory_space<vmem>> -> memref<1x64x128xf32, #tpu.memory_space<vmem>>
    %dma_start3A_40 = tpu.memref_squeeze %dma_start3A_39 : memref<1x64x128xf32, #tpu.memory_space<vmem>> -> memref<64x128xf32, #tpu.memory_space<vmem>>
    %dma_start3A_41 = arith.constant 0 : i32
    %dma_start3A_42 = tpu.memref_slice %arg2[%dma_start3A_25, %add3A_24, %dma_start3A_41] : memref<4x8192x128xf32, #tpu.memory_space<hbm>> -> memref<1x64x128xf32, #tpu.memory_space<hbm>>
    %dma_start3A_43 = tpu.memref_squeeze %dma_start3A_42 : memref<1x64x128xf32, #tpu.memory_space<hbm>> -> memref<64x128xf32, #tpu.memory_space<hbm>>
    tpu.enqueue_dma source(%dma_start3A_43 : memref<64x128xf32, #tpu.memory_space<hbm>>) target(%dma_start3A_40 : memref<64x128xf32, #tpu.memory_space<vmem>>) target_semaphore(%dma_start3A_36 : memref<!tpu.dma_semaphore, #tpu.memory_space<semaphore_mem>>)
    %add3A_44 = arith.constant 128 : i32
    %add3A_45 = arith.addi %mul3A_2, %add3A_44 : i32
    %dma_start3A_46 = arith.constant 0 : i32
    %dma_start3A_47 = arith.constant 2 : i32
    %dma_start3A_48 = arith.constant 2 : i32
    %dma_start3A_49 = arith.constant 0 : i32
    %dma_start3A_50 = arith.constant 0 : i32
    %dma_start3A_51 = tpu.memref_slice %arg6[%dma_start3A_47, %dma_start3A_49, %dma_start3A_50] : memref<4x64x128xf32, #tpu.memory_space<vmem>> -> memref<1x64x128xf32, #tpu.memory_space<vmem>>
    %dma_start3A_52 = tpu.memref_squeeze %dma_start3A_51 : memref<1x64x128xf32, #tpu.memory_space<vmem>> -> memref<64x128xf32, #tpu.memory_space<vmem>>
    %dma_start3A_53 = arith.constant 0 : i32
    %dma_start3A_54 = tpu.memref_slice %arg2[%dma_start3A_46, %add3A_45, %dma_start3A_53] : memref<4x8192x128xf32, #tpu.memory_space<hbm>> -> memref<1x64x128xf32, #tpu.memory_space<hbm>>
    %dma_start3A_55 = tpu.memref_squeeze %dma_start3A_54 : memref<1x64x128xf32, #tpu.memory_space<hbm>> -> memref<64x128xf32, #tpu.memory_space<hbm>>
    %dma_start3A_56 = tpu.memref_slice %arg8[%dma_start3A_48] : memref<4x!tpu.dma_semaphore, #tpu.memory_space<semaphore_mem>> -> memref<1x!tpu.dma_semaphore, #tpu.memory_space<semaphore_mem>>
    %dma_start3A_57 = tpu.memref_squeeze %dma_start3A_56 : memref<1x!tpu.dma_semaphore, #tpu.memory_space<semaphore_mem>> -> memref<!tpu.dma_semaphore, #tpu.memory_space<semaphore_mem>>
    %dma_start3A_58 = arith.constant 0 : i32
    %dma_start3A_59 = arith.constant 0 : i32
    %dma_start3A_60 = tpu.memref_slice %arg6[%dma_start3A_47, %dma_start3A_58, %dma_start3A_59] : memref<4x64x128xf32, #tpu.memory_space<vmem>> -> memref<1x64x128xf32, #tpu.memory_space<vmem>>
    %dma_start3A_61 = tpu.memref_squeeze %dma_start3A_60 : memref<1x64x128xf32, #tpu.memory_space<vmem>> -> memref<64x128xf32, #tpu.memory_space<vmem>>
    %dma_start3A_62 = arith.constant 0 : i32
    %dma_start3A_63 = tpu.memref_slice %arg2[%dma_start3A_46, %add3A_45, %dma_start3A_62] : memref<4x8192x128xf32, #tpu.memory_space<hbm>> -> memref<1x64x128xf32, #tpu.memory_space<hbm>>
    %dma_start3A_64 = tpu.memref_squeeze %dma_start3A_63 : memref<1x64x128xf32, #tpu.memory_space<hbm>> -> memref<64x128xf32, #tpu.memory_space<hbm>>
    tpu.enqueue_dma source(%dma_start3A_64 : memref<64x128xf32, #tpu.memory_space<hbm>>) target(%dma_start3A_61 : memref<64x128xf32, #tpu.memory_space<vmem>>) target_semaphore(%dma_start3A_57 : memref<!tpu.dma_semaphore, #tpu.memory_space<semaphore_mem>>)
    %add3A_65 = arith.constant 192 : i32
    %add3A_66 = arith.addi %mul3A_2, %add3A_65 : i32
    %dma_start3A_67 = arith.constant 0 : i32
    %dma_start3A_68 = arith.constant 3 : i32
    %dma_start3A_69 = arith.constant 3 : i32
    %dma_start3A_70 = arith.constant 0 : i32
    %dma_start3A_71 = arith.constant 0 : i32
    %dma_start3A_72 = tpu.memref_slice %arg6[%dma_start3A_68, %dma_start3A_70, %dma_start3A_71] : memref<4x64x128xf32, #tpu.memory_space<vmem>> -> memref<1x64x128xf32, #tpu.memory_space<vmem>>
    %dma_start3A_73 = tpu.memref_squeeze %dma_start3A_72 : memref<1x64x128xf32, #tpu.memory_space<vmem>> -> memref<64x128xf32, #tpu.memory_space<vmem>>
    %dma_start3A_74 = arith.constant 0 : i32
    %dma_start3A_75 = tpu.memref_slice %arg2[%dma_start3A_67, %add3A_66, %dma_start3A_74] : memref<4x8192x128xf32, #tpu.memory_space<hbm>> -> memref<1x64x128xf32, #tpu.memory_space<hbm>>
    %dma_start3A_76 = tpu.memref_squeeze %dma_start3A_75 : memref<1x64x128xf32, #tpu.memory_space<hbm>> -> memref<64x128xf32, #tpu.memory_space<hbm>>
    %dma_start3A_77 = tpu.memref_slice %arg8[%dma_start3A_69] : memref<4x!tpu.dma_semaphore, #tpu.memory_space<semaphore_mem>> -> memref<1x!tpu.dma_semaphore, #tpu.memory_space<semaphore_mem>>
    %dma_start3A_78 = tpu.memref_squeeze %dma_start3A_77 : memref<1x!tpu.dma_semaphore, #tpu.memory_space<semaphore_mem>> -> memref<!tpu.dma_semaphore, #tpu.memory_space<semaphore_mem>>
    %dma_start3A_79 = arith.constant 0 : i32
    %dma_start3A_80 = arith.constant 0 : i32
    %dma_start3A_81 = tpu.memref_slice %arg6[%dma_start3A_68, %dma_start3A_79, %dma_start3A_80] : memref<4x64x128xf32, #tpu.memory_space<vmem>> -> memref<1x64x128xf32, #tpu.memory_space<vmem>>
    %dma_start3A_82 = tpu.memref_squeeze %dma_start3A_81 : memref<1x64x128xf32, #tpu.memory_space<vmem>> -> memref<64x128xf32, #tpu.memory_space<vmem>>
    %dma_start3A_83 = arith.constant 0 : i32
    %dma_start3A_84 = tpu.memref_slice %arg2[%dma_start3A_67, %add3A_66, %dma_start3A_83] : memref<4x8192x128xf32, #tpu.memory_space<hbm>> -> memref<1x64x128xf32, #tpu.memory_space<hbm>>
    %dma_start3A_85 = tpu.memref_squeeze %dma_start3A_84 : memref<1x64x128xf32, #tpu.memory_space<hbm>> -> memref<64x128xf32, #tpu.memory_space<hbm>>
    tpu.enqueue_dma source(%dma_start3A_85 : memref<64x128xf32, #tpu.memory_space<hbm>>) target(%dma_start3A_82 : memref<64x128xf32, #tpu.memory_space<vmem>>) target_semaphore(%dma_start3A_78 : memref<!tpu.dma_semaphore, #tpu.memory_space<semaphore_mem>>)
    "tpu.region"() ({
      %run_scoped3A = tpu.sem_alloc : memref<!tpu.dma_semaphore, #tpu.memory_space<semaphore_mem>>
      %dma_start3A_173 = arith.constant 0 : i32
      %dma_start3A_174 = tpu.memref_slice %arg3[%mul3A_2, %dma_start3A_173] : memref<8192x128xf32, #tpu.memory_space<hbm>> -> memref<256x128xf32, #tpu.memory_space<hbm>>
      %dma_start3A_175 = arith.constant 0 : i32
      %dma_start3A_176 = tpu.memref_slice %arg3[%mul3A_2, %dma_start3A_175] : memref<8192x128xf32, #tpu.memory_space<hbm>> -> memref<256x128xf32, #tpu.memory_space<hbm>>
      tpu.enqueue_dma source(%dma_start3A_176 : memref<256x128xf32, #tpu.memory_space<hbm>>) target(%arg5 : memref<256x128xf32, #tpu.memory_space<vmem>>) target_semaphore(%run_scoped3A : memref<!tpu.dma_semaphore, #tpu.memory_space<semaphore_mem>>)
      %dma_wait3A_177 = arith.constant 0 : i32
      %dma_wait3A_178 = tpu.memref_slice %arg3[%mul3A_2, %dma_wait3A_177] : memref<8192x128xf32, #tpu.memory_space<hbm>> -> memref<256x128xf32, #tpu.memory_space<hbm>>
      %dma_wait3A_179 = arith.constant 0 : i32
      %dma_wait3A_180 = tpu.memref_slice %arg3[%mul3A_2, %dma_wait3A_179] : memref<8192x128xf32, #tpu.memory_space<hbm>> -> memref<256x128xf32, #tpu.memory_space<hbm>>
      tpu.wait_dma2 semaphore(%run_scoped3A : memref<!tpu.dma_semaphore, #tpu.memory_space<semaphore_mem>>) src(%dma_wait3A_180 : memref<256x128xf32, #tpu.memory_space<hbm>>) dst(%arg5 : memref<256x128xf32, #tpu.memory_space<vmem>>)
      tpu.yield
    }) : () -> ()
    %scan3A = arith.constant 0 : i32
    %scan3A_86 = arith.constant 4 : i32
    %scan3A_87 = arith.addi %scan3A, %scan3A_86 : i32
    %scan3A_88 = arith.constant 1 : i32
    scf.for %scan3A_173 = %scan3A to %scan3A_87 step %scan3A_88  : i32 {
      %mul3A_174 = arith.constant 4 : i32
      %mul3A_175 = arith.muli %scan3A_173, %mul3A_174 : i32
      %add3A_176 = arith.constant 0 : i32
      %add3A_177 = arith.addi %add3A_176, %mul3A_175 : i32
      %add3A_178 = arith.constant 0 : i32
      %add3A_179 = arith.addi %add3A_177, %add3A_178 : i32
      %jit3A = arith.constant 4 : i32
      %div3A = arith.divsi %add3A_179, %jit3A : i32
      %sign3A = arith.constant 0 : i32
      %sign3A_180 = arith.cmpi sgt, %add3A_179, %sign3A : i32
      %sign3A_181 = arith.extui %sign3A_180 : i1 to i32
      %sign3A_182 = arith.constant 0 : i32
      %sign3A_183 = arith.cmpi slt, %add3A_179, %sign3A_182 : i32
      %sign3A_184 = arith.extui %sign3A_183 : i1 to i32
      %sign3A_185 = arith.subi %sign3A_181, %sign3A_184 : i32
      %sign3A_186 = arith.constant 0 : i32
      %sign3A_187 = arith.cmpi sgt, %jit3A, %sign3A_186 : i32
      %sign3A_188 = arith.extui %sign3A_187 : i1 to i32
      %sign3A_189 = arith.constant 0 : i32
      %sign3A_190 = arith.cmpi slt, %jit3A, %sign3A_189 : i32
      %sign3A_191 = arith.extui %sign3A_190 : i1 to i32
      %sign3A_192 = arith.subi %sign3A_188, %sign3A_191 : i32
      %ne3A = arith.cmpi ne, %sign3A_185, %sign3A_192 : i32
      %rem3A = arith.remsi %add3A_179, %jit3A : i32
      %ne3A_193 = arith.constant 0 : i32
      %ne3A_194 = arith.cmpi ne, %rem3A, %ne3A_193 : i32
      %and3A = arith.andi %ne3A, %ne3A_194 : i1
      %sub3A = arith.constant 1 : i32
      %sub3A_195 = arith.subi %div3A, %sub3A : i32
      %select_n3A = arith.select %and3A, %sub3A_195, %div3A : i32
      %jit3A_196 = arith.constant 4 : i32
      %eq3A = arith.constant 0 : i32
      %eq3A_197 = arith.cmpi eq, %jit3A_196, %eq3A : i32
      %jit3A_198 = arith.constant 1 : i32
      %select_n3A_199 = arith.select %eq3A_197, %jit3A_198, %jit3A_196 : i32
      %rem3A_200 = arith.remsi %add3A_179, %select_n3A_199 : i32
      %ne3A_201 = arith.constant 0 : i32
      %ne3A_202 = arith.cmpi ne, %rem3A_200, %ne3A_201 : i32
      %lt3A = arith.constant 0 : i32
      %lt3A_203 = arith.cmpi slt, %rem3A_200, %lt3A : i32
      %lt3A_204 = arith.constant 0 : i32
      %lt3A_205 = arith.cmpi slt, %select_n3A_199, %lt3A_204 : i32
      %ne3A_206 = arith.xori %lt3A_203, %lt3A_205 : i1
      %and3A_207 = arith.andi %ne3A_206, %ne3A_202 : i1
      %add3A_208 = arith.addi %rem3A_200, %select_n3A_199 : i32
      %select_n3A_209 = arith.select %and3A_207, %add3A_208, %rem3A_200 : i32
      %mul3A_210 = arith.constant 64 : i32
      %mul3A_211 = arith.muli %select_n3A_209, %mul3A_210 : i32
      %add3A_212 = arith.addi %mul3A_2, %mul3A_211 : i32
      %dma_wait3A_213 = arith.constant 0 : i32
      %dma_wait3A_214 = arith.constant 0 : i32
      %dma_wait3A_215 = arith.constant 0 : i32
      %dma_wait3A_216 = arith.constant 0 : i32
      %dma_wait3A_217 = tpu.memref_slice %arg6[%dma_wait3A_213, %dma_wait3A_215, %dma_wait3A_216] : memref<4x64x128xf32, #tpu.memory_space<vmem>> -> memref<1x64x128xf32, #tpu.memory_space<vmem>>
      %dma_wait3A_218 = tpu.memref_squeeze %dma_wait3A_217 : memref<1x64x128xf32, #tpu.memory_space<vmem>> -> memref<64x128xf32, #tpu.memory_space<vmem>>
      %dma_wait3A_219 = arith.constant 0 : i32
      %dma_wait3A_220 = tpu.memref_slice %arg2[%select_n3A, %add3A_212, %dma_wait3A_219] : memref<4x8192x128xf32, #tpu.memory_space<hbm>> -> memref<1x64x128xf32, #tpu.memory_space<hbm>>
      %dma_wait3A_221 = tpu.memref_squeeze %dma_wait3A_220 : memref<1x64x128xf32, #tpu.memory_space<hbm>> -> memref<64x128xf32, #tpu.memory_space<hbm>>
      %dma_wait3A_222 = tpu.memref_slice %arg8[%dma_wait3A_214] : memref<4x!tpu.dma_semaphore, #tpu.memory_space<semaphore_mem>> -> memref<1x!tpu.dma_semaphore, #tpu.memory_space<semaphore_mem>>
      %dma_wait3A_223 = tpu.memref_squeeze %dma_wait3A_222 : memref<1x!tpu.dma_semaphore, #tpu.memory_space<semaphore_mem>> -> memref<!tpu.dma_semaphore, #tpu.memory_space<semaphore_mem>>
      %dma_wait3A_224 = arith.constant 0 : i32
      %dma_wait3A_225 = arith.constant 0 : i32
      %dma_wait3A_226 = tpu.memref_slice %arg6[%dma_wait3A_213, %dma_wait3A_224, %dma_wait3A_225] : memref<4x64x128xf32, #tpu.memory_space<vmem>> -> memref<1x64x128xf32, #tpu.memory_space<vmem>>
      %dma_wait3A_227 = tpu.memref_squeeze %dma_wait3A_226 : memref<1x64x128xf32, #tpu.memory_space<vmem>> -> memref<64x128xf32, #tpu.memory_space<vmem>>
      %dma_wait3A_228 = arith.constant 0 : i32
      %dma_wait3A_229 = tpu.memref_slice %arg2[%select_n3A, %add3A_212, %dma_wait3A_228] : memref<4x8192x128xf32, #tpu.memory_space<hbm>> -> memref<1x64x128xf32, #tpu.memory_space<hbm>>
      %dma_wait3A_230 = tpu.memref_squeeze %dma_wait3A_229 : memref<1x64x128xf32, #tpu.memory_space<hbm>> -> memref<64x128xf32, #tpu.memory_space<hbm>>
      tpu.wait_dma2 semaphore(%dma_wait3A_223 : memref<!tpu.dma_semaphore, #tpu.memory_space<semaphore_mem>>) src(%dma_wait3A_230 : memref<64x128xf32, #tpu.memory_space<hbm>>) dst(%dma_wait3A_227 : memref<64x128xf32, #tpu.memory_space<vmem>>)
      %ne3A_231 = arith.constant 0 : i32
      %ne3A_232 = arith.cmpi ne, %add3A_177, %ne3A_231 : i32
      %convert_element_type3A = arith.extui %ne3A_232 : i1 to i32
      %cond3A = arith.constant 0 : i32
      %cond3A_233 = arith.cmpi ne, %convert_element_type3A, %cond3A : i32
      scf.if %cond3A_233 {
        %sub3A_793 = arith.constant 4 : i32
        %sub3A_794 = arith.subi %add3A_179, %sub3A_793 : i32
        %jit3A_795 = arith.constant 4 : i32
        %div3A_796 = arith.divsi %sub3A_794, %jit3A_795 : i32
        %sign3A_797 = arith.constant 0 : i32
        %sign3A_798 = arith.cmpi sgt, %sub3A_794, %sign3A_797 : i32
        %sign3A_799 = arith.extui %sign3A_798 : i1 to i32
        %sign3A_800 = arith.constant 0 : i32
        %sign3A_801 = arith.cmpi slt, %sub3A_794, %sign3A_800 : i32
        %sign3A_802 = arith.extui %sign3A_801 : i1 to i32
        %sign3A_803 = arith.subi %sign3A_799, %sign3A_802 : i32
        %sign3A_804 = arith.constant 0 : i32
        %sign3A_805 = arith.cmpi sgt, %jit3A_795, %sign3A_804 : i32
        %sign3A_806 = arith.extui %sign3A_805 : i1 to i32
        %sign3A_807 = arith.constant 0 : i32
        %sign3A_808 = arith.cmpi slt, %jit3A_795, %sign3A_807 : i32
        %sign3A_809 = arith.extui %sign3A_808 : i1 to i32
        %sign3A_810 = arith.subi %sign3A_806, %sign3A_809 : i32
        %ne3A_811 = arith.cmpi ne, %sign3A_803, %sign3A_810 : i32
        %rem3A_812 = arith.remsi %sub3A_794, %jit3A_795 : i32
        %ne3A_813 = arith.constant 0 : i32
        %ne3A_814 = arith.cmpi ne, %rem3A_812, %ne3A_813 : i32
        %and3A_815 = arith.andi %ne3A_811, %ne3A_814 : i1
        %sub3A_816 = arith.constant 1 : i32
        %sub3A_817 = arith.subi %div3A_796, %sub3A_816 : i32
        %select_n3A_818 = arith.select %and3A_815, %sub3A_817, %div3A_796 : i32
        %jit3A_819 = arith.constant 4 : i32
        %eq3A_820 = arith.constant 0 : i32
        %eq3A_821 = arith.cmpi eq, %jit3A_819, %eq3A_820 : i32
        %jit3A_822 = arith.constant 1 : i32
        %select_n3A_823 = arith.select %eq3A_821, %jit3A_822, %jit3A_819 : i32
        %rem3A_824 = arith.remsi %sub3A_794, %select_n3A_823 : i32
        %ne3A_825 = arith.constant 0 : i32
        %ne3A_826 = arith.cmpi ne, %rem3A_824, %ne3A_825 : i32
        %lt3A_827 = arith.constant 0 : i32
        %lt3A_828 = arith.cmpi slt, %rem3A_824, %lt3A_827 : i32
        %lt3A_829 = arith.constant 0 : i32
        %lt3A_830 = arith.cmpi slt, %select_n3A_823, %lt3A_829 : i32
        %ne3A_831 = arith.xori %lt3A_828, %lt3A_830 : i1
        %and3A_832 = arith.andi %ne3A_831, %ne3A_826 : i1
        %add3A_833 = arith.addi %rem3A_824, %select_n3A_823 : i32
        %select_n3A_834 = arith.select %and3A_832, %add3A_833, %rem3A_824 : i32
        %mul3A_835 = arith.constant 64 : i32
        %mul3A_836 = arith.muli %select_n3A_834, %mul3A_835 : i32
        %add3A_837 = arith.addi %mul3A_2, %mul3A_836 : i32
        %dma_wait3A_838 = arith.constant 0 : i32
        %dma_wait3A_839 = arith.constant 0 : i32
        %dma_wait3A_840 = arith.constant 0 : i32
        %dma_wait3A_841 = arith.constant 0 : i32
        %dma_wait3A_842 = tpu.memref_slice %arg7[%dma_wait3A_838, %dma_wait3A_840, %dma_wait3A_841] : memref<4x64x128xf32, #tpu.memory_space<vmem>> -> memref<1x64x128xf32, #tpu.memory_space<vmem>>
        %dma_wait3A_843 = tpu.memref_squeeze %dma_wait3A_842 : memref<1x64x128xf32, #tpu.memory_space<vmem>> -> memref<64x128xf32, #tpu.memory_space<vmem>>
        %dma_wait3A_844 = arith.constant 0 : i32
        %dma_wait3A_845 = tpu.memref_slice %arg4[%select_n3A_818, %add3A_837, %dma_wait3A_844] : memref<4x8192x128xf32, #tpu.memory_space<hbm>> -> memref<1x64x128xf32, #tpu.memory_space<hbm>>
        %dma_wait3A_846 = tpu.memref_squeeze %dma_wait3A_845 : memref<1x64x128xf32, #tpu.memory_space<hbm>> -> memref<64x128xf32, #tpu.memory_space<hbm>>
        %dma_wait3A_847 = tpu.memref_slice %arg9[%dma_wait3A_839] : memref<4x!tpu.dma_semaphore, #tpu.memory_space<semaphore_mem>> -> memref<1x!tpu.dma_semaphore, #tpu.memory_space<semaphore_mem>>
        %dma_wait3A_848 = tpu.memref_squeeze %dma_wait3A_847 : memref<1x!tpu.dma_semaphore, #tpu.memory_space<semaphore_mem>> -> memref<!tpu.dma_semaphore, #tpu.memory_space<semaphore_mem>>
        %dma_wait3A_849 = arith.constant 0 : i32
        %dma_wait3A_850 = tpu.memref_slice %arg4[%select_n3A_818, %add3A_837, %dma_wait3A_849] : memref<4x8192x128xf32, #tpu.memory_space<hbm>> -> memref<1x64x128xf32, #tpu.memory_space<hbm>>
        %dma_wait3A_851 = tpu.memref_squeeze %dma_wait3A_850 : memref<1x64x128xf32, #tpu.memory_space<hbm>> -> memref<64x128xf32, #tpu.memory_space<hbm>>
        %dma_wait3A_852 = arith.constant 0 : i32
        %dma_wait3A_853 = arith.constant 0 : i32
        %dma_wait3A_854 = tpu.memref_slice %arg7[%dma_wait3A_838, %dma_wait3A_852, %dma_wait3A_853] : memref<4x64x128xf32, #tpu.memory_space<vmem>> -> memref<1x64x128xf32, #tpu.memory_space<vmem>>
        %dma_wait3A_855 = tpu.memref_squeeze %dma_wait3A_854 : memref<1x64x128xf32, #tpu.memory_space<vmem>> -> memref<64x128xf32, #tpu.memory_space<vmem>>
        tpu.wait_dma2 semaphore(%dma_wait3A_848 : memref<!tpu.dma_semaphore, #tpu.memory_space<semaphore_mem>>) src(%dma_wait3A_855 : memref<64x128xf32, #tpu.memory_space<vmem>>) dst(%dma_wait3A_851 : memref<64x128xf32, #tpu.memory_space<hbm>>)
      } else {
      }
      %jit3A_234 = arith.constant 4 : i32
      %eq3A_235 = arith.constant 0 : i32
      %eq3A_236 = arith.cmpi eq, %jit3A_234, %eq3A_235 : i32
      %jit3A_237 = arith.constant 1 : i32
      %select_n3A_238 = arith.select %eq3A_236, %jit3A_237, %jit3A_234 : i32
      %rem3A_239 = arith.remsi %add3A_179, %select_n3A_238 : i32
      %ne3A_240 = arith.constant 0 : i32
      %ne3A_241 = arith.cmpi ne, %rem3A_239, %ne3A_240 : i32
      %lt3A_242 = arith.constant 0 : i32
      %lt3A_243 = arith.cmpi slt, %rem3A_239, %lt3A_242 : i32
      %lt3A_244 = arith.constant 0 : i32
      %lt3A_245 = arith.cmpi slt, %select_n3A_238, %lt3A_244 : i32
      %ne3A_246 = arith.xori %lt3A_243, %lt3A_245 : i1
      %and3A_247 = arith.andi %ne3A_246, %ne3A_241 : i1
      %add3A_248 = arith.addi %rem3A_239, %select_n3A_238 : i32
      %select_n3A_249 = arith.select %and3A_247, %add3A_248, %rem3A_239 : i32
      %mul3A_250 = arith.constant 64 : i32
      %mul3A_251 = arith.muli %select_n3A_249, %mul3A_250 : i32
      %parallel_loop3A = arith.constant 0 : i32
      %parallel_loop3A_252 = arith.constant 64 : i32
      %parallel_loop3A_253 = arith.constant 1 : i32
      scf.for %parallel_loop3A_793 = %parallel_loop3A to %parallel_loop3A_252 step %parallel_loop3A_253  : i32 {
        %parallel_loop3A_794 = arith.constant 0 : i32
        %parallel_loop3A_795 = arith.index_cast %parallel_loop3A_794 : i32 to index
        %parallel_loop3A_796 = arith.index_cast %parallel_loop3A_793 : i32 to index
        %parallel_loop3A_797 = arith.constant 0 : index
        %parallel_loop3A_798 = tpu.vector_load %arg6[%parallel_loop3A_795, %parallel_loop3A_796, %parallel_loop3A_797] {strides = array<i32>} : memref<4x64x128xf32, #tpu.memory_space<vmem>>, vector<1x1x16xf32>,
        %parallel_loop3A_799 = vector.shape_cast %parallel_loop3A_798 : vector<1x1x16xf32> to vector<16xf32>
        %parallel_loop3A_800 = arith.addi %mul3A_251, %parallel_loop3A_793 : i32
        %parallel_loop3A_801 = arith.index_cast %parallel_loop3A_800 : i32 to index
        %parallel_loop3A_802 = arith.constant 0 : index
        %parallel_loop3A_803 = tpu.vector_load %arg5[%parallel_loop3A_801, %parallel_loop3A_802] {strides = array<i32>} : memref<256x128xf32, #tpu.memory_space<vmem>>, vector<1x16xf32>,
        %parallel_loop3A_804 = vector.shape_cast %parallel_loop3A_803 : vector<1x16xf32> to vector<16xf32>
        %parallel_loop3A_805 = arith.addf %parallel_loop3A_799, %parallel_loop3A_804 : vector<16xf32>
        %parallel_loop3A_806 = arith.constant 0 : i32
        %parallel_loop3A_807 = arith.index_cast %parallel_loop3A_806 : i32 to index
        %parallel_loop3A_808 = arith.index_cast %parallel_loop3A_793 : i32 to index
        %parallel_loop3A_809 = arith.constant 0 : index
        %parallel_loop3A_810 = tpu.vector_load %arg7[%parallel_loop3A_807, %parallel_loop3A_808, %parallel_loop3A_809] {strides = array<i32>} : memref<4x64x128xf32, #tpu.memory_space<vmem>>, vector<1x1x16xf32>,
        %parallel_loop3A_811 = vector.shape_cast %parallel_loop3A_810 : vector<1x1x16xf32> to vector<16xf32>
        %parallel_loop3A_812 = vector.shape_cast %parallel_loop3A_805 : vector<16xf32> to vector<1x1x16xf32>
        tpu.vector_store %arg7[%parallel_loop3A_807, %parallel_loop3A_808, %parallel_loop3A_809], %parallel_loop3A_812 {strides = array<i32>} : memref<4x64x128xf32, #tpu.memory_space<vmem>>, vector<1x1x16xf32>,
        %parallel_loop3A_813 = arith.constant 0 : i32
        %parallel_loop3A_814 = arith.index_cast %parallel_loop3A_813 : i32 to index
        %parallel_loop3A_815 = arith.index_cast %parallel_loop3A_793 : i32 to index
        %parallel_loop3A_816 = arith.constant 16 : index
        %parallel_loop3A_817 = tpu.vector_load %arg6[%parallel_loop3A_814, %parallel_loop3A_815, %parallel_loop3A_816] {strides = array<i32>} : memref<4x64x128xf32, #tpu.memory_space<vmem>>, vector<1x1x16xf32>,
        %parallel_loop3A_818 = vector.shape_cast %parallel_loop3A_817 : vector<1x1x16xf32> to vector<16xf32>
        %parallel_loop3A_819 = arith.addi %mul3A_251, %parallel_loop3A_793 : i32
        %parallel_loop3A_820 = arith.index_cast %parallel_loop3A_819 : i32 to index
        %parallel_loop3A_821 = arith.constant 16 : index
        %parallel_loop3A_822 = tpu.vector_load %arg5[%parallel_loop3A_820, %parallel_loop3A_821] {strides = array<i32>} : memref<256x128xf32, #tpu.memory_space<vmem>>, vector<1x16xf32>,
        %parallel_loop3A_823 = vector.shape_cast %parallel_loop3A_822 : vector<1x16xf32> to vector<16xf32>
        %parallel_loop3A_824 = arith.addf %parallel_loop3A_818, %parallel_loop3A_823 : vector<16xf32>
        %parallel_loop3A_825 = arith.constant 0 : i32
        %parallel_loop3A_826 = arith.index_cast %parallel_loop3A_825 : i32 to index
        %parallel_loop3A_827 = arith.index_cast %parallel_loop3A_793 : i32 to index
        %parallel_loop3A_828 = arith.constant 16 : index
        %parallel_loop3A_829 = tpu.vector_load %arg7[%parallel_loop3A_826, %parallel_loop3A_827, %parallel_loop3A_828] {strides = array<i32>} : memref<4x64x128xf32, #tpu.memory_space<vmem>>, vector<1x1x16xf32>,
        %parallel_loop3A_830 = vector.shape_cast %parallel_loop3A_829 : vector<1x1x16xf32> to vector<16xf32>
        %parallel_loop3A_831 = vector.shape_cast %parallel_loop3A_824 : vector<16xf32> to vector<1x1x16xf32>
        tpu.vector_store %arg7[%parallel_loop3A_826, %parallel_loop3A_827, %parallel_loop3A_828], %parallel_loop3A_831 {strides = array<i32>} : memref<4x64x128xf32, #tpu.memory_space<vmem>>, vector<1x1x16xf32>,
        %parallel_loop3A_832 = arith.constant 0 : i32
        %parallel_loop3A_833 = arith.index_cast %parallel_loop3A_832 : i32 to index
        %parallel_loop3A_834 = arith.index_cast %parallel_loop3A_793 : i32 to index
        %parallel_loop3A_835 = arith.constant 32 : index
        %parallel_loop3A_836 = tpu.vector_load %arg6[%parallel_loop3A_833, %parallel_loop3A_834, %parallel_loop3A_835] {strides = array<i32>} : memref<4x64x128xf32, #tpu.memory_space<vmem>>, vector<1x1x16xf32>,
        %parallel_loop3A_837 = vector.shape_cast %parallel_loop3A_836 : vector<1x1x16xf32> to vector<16xf32>
        %parallel_loop3A_838 = arith.addi %mul3A_251, %parallel_loop3A_793 : i32
        %parallel_loop3A_839 = arith.index_cast %parallel_loop3A_838 : i32 to index
        %parallel_loop3A_840 = arith.constant 32 : index
        %parallel_loop3A_841 = tpu.vector_load %arg5[%parallel_loop3A_839, %parallel_loop3A_840] {strides = array<i32>} : memref<256x128xf32, #tpu.memory_space<vmem>>, vector<1x16xf32>,
        %parallel_loop3A_842 = vector.shape_cast %parallel_loop3A_841 : vector<1x16xf32> to vector<16xf32>
        %parallel_loop3A_843 = arith.addf %parallel_loop3A_837, %parallel_loop3A_842 : vector<16xf32>
        %parallel_loop3A_844 = arith.constant 0 : i32
        %parallel_loop3A_845 = arith.index_cast %parallel_loop3A_844 : i32 to index
        %parallel_loop3A_846 = arith.index_cast %parallel_loop3A_793 : i32 to index
        %parallel_loop3A_847 = arith.constant 32 : index
        %parallel_loop3A_848 = tpu.vector_load %arg7[%parallel_loop3A_845, %parallel_loop3A_846, %parallel_loop3A_847] {strides = array<i32>} : memref<4x64x128xf32, #tpu.memory_space<vmem>>, vector<1x1x16xf32>,
        %parallel_loop3A_849 = vector.shape_cast %parallel_loop3A_848 : vector<1x1x16xf32> to vector<16xf32>
        %parallel_loop3A_850 = vector.shape_cast %parallel_loop3A_843 : vector<16xf32> to vector<1x1x16xf32>
        tpu.vector_store %arg7[%parallel_loop3A_845, %parallel_loop3A_846, %parallel_loop3A_847], %parallel_loop3A_850 {strides = array<i32>} : memref<4x64x128xf32, #tpu.memory_space<vmem>>, vector<1x1x16xf32>,
        %parallel_loop3A_851 = arith.constant 0 : i32
        %parallel_loop3A_852 = arith.index_cast %parallel_loop3A_851 : i32 to index
        %parallel_loop3A_853 = arith.index_cast %parallel_loop3A_793 : i32 to index
        %parallel_loop3A_854 = arith.constant 48 : index
        %parallel_loop3A_855 = tpu.vector_load %arg6[%parallel_loop3A_852, %parallel_loop3A_853, %parallel_loop3A_854] {strides = array<i32>} : memref<4x64x128xf32, #tpu.memory_space<vmem>>, vector<1x1x16xf32>,
        %parallel_loop3A_856 = vector.shape_cast %parallel_loop3A_855 : vector<1x1x16xf32> to vector<16xf32>
        %parallel_loop3A_857 = arith.addi %mul3A_251, %parallel_loop3A_793 : i32
        %parallel_loop3A_858 = arith.index_cast %parallel_loop3A_857 : i32 to index
        %parallel_loop3A_859 = arith.constant 48 : index
        %parallel_loop3A_860 = tpu.vector_load %arg5[%parallel_loop3A_858, %parallel_loop3A_859] {strides = array<i32>} : memref<256x128xf32, #tpu.memory_space<vmem>>, vector<1x16xf32>,
        %parallel_loop3A_861 = vector.shape_cast %parallel_loop3A_860 : vector<1x16xf32> to vector<16xf32>
        %parallel_loop3A_862 = arith.addf %parallel_loop3A_856, %parallel_loop3A_861 : vector<16xf32>
        %parallel_loop3A_863 = arith.constant 0 : i32
        %parallel_loop3A_864 = arith.index_cast %parallel_loop3A_863 : i32 to index
        %parallel_loop3A_865 = arith.index_cast %parallel_loop3A_793 : i32 to index
        %parallel_loop3A_866 = arith.constant 48 : index
        %parallel_loop3A_867 = tpu.vector_load %arg7[%parallel_loop3A_864, %parallel_loop3A_865, %parallel_loop3A_866] {strides = array<i32>} : memref<4x64x128xf32, #tpu.memory_space<vmem>>, vector<1x1x16xf32>,
        %parallel_loop3A_868 = vector.shape_cast %parallel_loop3A_867 : vector<1x1x16xf32> to vector<16xf32>
        %parallel_loop3A_869 = vector.shape_cast %parallel_loop3A_862 : vector<16xf32> to vector<1x1x16xf32>
        tpu.vector_store %arg7[%parallel_loop3A_864, %parallel_loop3A_865, %parallel_loop3A_866], %parallel_loop3A_869 {strides = array<i32>} : memref<4x64x128xf32, #tpu.memory_space<vmem>>, vector<1x1x16xf32>,
        %parallel_loop3A_870 = arith.constant 0 : i32
        %parallel_loop3A_871 = arith.index_cast %parallel_loop3A_870 : i32 to index
        %parallel_loop3A_872 = arith.index_cast %parallel_loop3A_793 : i32 to index
        %parallel_loop3A_873 = arith.constant 64 : index
        %parallel_loop3A_874 = tpu.vector_load %arg6[%parallel_loop3A_871, %parallel_loop3A_872, %parallel_loop3A_873] {strides = array<i32>} : memref<4x64x128xf32, #tpu.memory_space<vmem>>, vector<1x1x16xf32>,
        %parallel_loop3A_875 = vector.shape_cast %parallel_loop3A_874 : vector<1x1x16xf32> to vector<16xf32>
        %parallel_loop3A_876 = arith.addi %mul3A_251, %parallel_loop3A_793 : i32
        %parallel_loop3A_877 = arith.index_cast %parallel_loop3A_876 : i32 to index
        %parallel_loop3A_878 = arith.constant 64 : index
        %parallel_loop3A_879 = tpu.vector_load %arg5[%parallel_loop3A_877, %parallel_loop3A_878] {strides = array<i32>} : memref<256x128xf32, #tpu.memory_space<vmem>>, vector<1x16xf32>,
        %parallel_loop3A_880 = vector.shape_cast %parallel_loop3A_879 : vector<1x16xf32> to vector<16xf32>
        %parallel_loop3A_881 = arith.addf %parallel_loop3A_875, %parallel_loop3A_880 : vector<16xf32>
        %parallel_loop3A_882 = arith.constant 0 : i32
        %parallel_loop3A_883 = arith.index_cast %parallel_loop3A_882 : i32 to index
        %parallel_loop3A_884 = arith.index_cast %parallel_loop3A_793 : i32 to index
        %parallel_loop3A_885 = arith.constant 64 : index
        %parallel_loop3A_886 = tpu.vector_load %arg7[%parallel_loop3A_883, %parallel_loop3A_884, %parallel_loop3A_885] {strides = array<i32>} : memref<4x64x128xf32, #tpu.memory_space<vmem>>, vector<1x1x16xf32>,
        %parallel_loop3A_887 = vector.shape_cast %parallel_loop3A_886 : vector<1x1x16xf32> to vector<16xf32>
        %parallel_loop3A_888 = vector.shape_cast %parallel_loop3A_881 : vector<16xf32> to vector<1x1x16xf32>
        tpu.vector_store %arg7[%parallel_loop3A_883, %parallel_loop3A_884, %parallel_loop3A_885], %parallel_loop3A_888 {strides = array<i32>} : memref<4x64x128xf32, #tpu.memory_space<vmem>>, vector<1x1x16xf32>,
        %parallel_loop3A_889 = arith.constant 0 : i32
        %parallel_loop3A_890 = arith.index_cast %parallel_loop3A_889 : i32 to index
        %parallel_loop3A_891 = arith.index_cast %parallel_loop3A_793 : i32 to index
        %parallel_loop3A_892 = arith.constant 80 : index
        %parallel_loop3A_893 = tpu.vector_load %arg6[%parallel_loop3A_890, %parallel_loop3A_891, %parallel_loop3A_892] {strides = array<i32>} : memref<4x64x128xf32, #tpu.memory_space<vmem>>, vector<1x1x16xf32>,
        %parallel_loop3A_894 = vector.shape_cast %parallel_loop3A_893 : vector<1x1x16xf32> to vector<16xf32>
        %parallel_loop3A_895 = arith.addi %mul3A_251, %parallel_loop3A_793 : i32
        %parallel_loop3A_896 = arith.index_cast %parallel_loop3A_895 : i32 to index
        %parallel_loop3A_897 = arith.constant 80 : index
        %parallel_loop3A_898 = tpu.vector_load %arg5[%parallel_loop3A_896, %parallel_loop3A_897] {strides = array<i32>} : memref<256x128xf32, #tpu.memory_space<vmem>>, vector<1x16xf32>,
        %parallel_loop3A_899 = vector.shape_cast %parallel_loop3A_898 : vector<1x16xf32> to vector<16xf32>
        %parallel_loop3A_900 = arith.addf %parallel_loop3A_894, %parallel_loop3A_899 : vector<16xf32>
        %parallel_loop3A_901 = arith.constant 0 : i32
        %parallel_loop3A_902 = arith.index_cast %parallel_loop3A_901 : i32 to index
        %parallel_loop3A_903 = arith.index_cast %parallel_loop3A_793 : i32 to index
        %parallel_loop3A_904 = arith.constant 80 : index
        %parallel_loop3A_905 = tpu.vector_load %arg7[%parallel_loop3A_902, %parallel_loop3A_903, %parallel_loop3A_904] {strides = array<i32>} : memref<4x64x128xf32, #tpu.memory_space<vmem>>, vector<1x1x16xf32>,
        %parallel_loop3A_906 = vector.shape_cast %parallel_loop3A_905 : vector<1x1x16xf32> to vector<16xf32>
        %parallel_loop3A_907 = vector.shape_cast %parallel_loop3A_900 : vector<16xf32> to vector<1x1x16xf32>
        tpu.vector_store %arg7[%parallel_loop3A_902, %parallel_loop3A_903, %parallel_loop3A_904], %parallel_loop3A_907 {strides = array<i32>} : memref<4x64x128xf32, #tpu.memory_space<vmem>>, vector<1x1x16xf32>,
        %parallel_loop3A_908 = arith.constant 0 : i32
        %parallel_loop3A_909 = arith.index_cast %parallel_loop3A_908 : i32 to index
        %parallel_loop3A_910 = arith.index_cast %parallel_loop3A_793 : i32 to index
        %parallel_loop3A_911 = arith.constant 96 : index
        %parallel_loop3A_912 = tpu.vector_load %arg6[%parallel_loop3A_909, %parallel_loop3A_910, %parallel_loop3A_911] {strides = array<i32>} : memref<4x64x128xf32, #tpu.memory_space<vmem>>, vector<1x1x16xf32>,
        %parallel_loop3A_913 = vector.shape_cast %parallel_loop3A_912 : vector<1x1x16xf32> to vector<16xf32>
        %parallel_loop3A_914 = arith.addi %mul3A_251, %parallel_loop3A_793 : i32
        %parallel_loop3A_915 = arith.index_cast %parallel_loop3A_914 : i32 to index
        %parallel_loop3A_916 = arith.constant 96 : index
        %parallel_loop3A_917 = tpu.vector_load %arg5[%parallel_loop3A_915, %parallel_loop3A_916] {strides = array<i32>} : memref<256x128xf32, #tpu.memory_space<vmem>>, vector<1x16xf32>,
        %parallel_loop3A_918 = vector.shape_cast %parallel_loop3A_917 : vector<1x16xf32> to vector<16xf32>
        %parallel_loop3A_919 = arith.addf %parallel_loop3A_913, %parallel_loop3A_918 : vector<16xf32>
        %parallel_loop3A_920 = arith.constant 0 : i32
        %parallel_loop3A_921 = arith.index_cast %parallel_loop3A_920 : i32 to index
        %parallel_loop3A_922 = arith.index_cast %parallel_loop3A_793 : i32 to index
        %parallel_loop3A_923 = arith.constant 96 : index
        %parallel_loop3A_924 = tpu.vector_load %arg7[%parallel_loop3A_921, %parallel_loop3A_922, %parallel_loop3A_923] {strides = array<i32>} : memref<4x64x128xf32, #tpu.memory_space<vmem>>, vector<1x1x16xf32>,
        %parallel_loop3A_925 = vector.shape_cast %parallel_loop3A_924 : vector<1x1x16xf32> to vector<16xf32>
        %parallel_loop3A_926 = vector.shape_cast %parallel_loop3A_919 : vector<16xf32> to vector<1x1x16xf32>
        tpu.vector_store %arg7[%parallel_loop3A_921, %parallel_loop3A_922, %parallel_loop3A_923], %parallel_loop3A_926 {strides = array<i32>} : memref<4x64x128xf32, #tpu.memory_space<vmem>>, vector<1x1x16xf32>,
        %parallel_loop3A_927 = arith.constant 0 : i32
        %parallel_loop3A_928 = arith.index_cast %parallel_loop3A_927 : i32 to index
        %parallel_loop3A_929 = arith.index_cast %parallel_loop3A_793 : i32 to index
        %parallel_loop3A_930 = arith.constant 112 : index
        %parallel_loop3A_931 = tpu.vector_load %arg6[%parallel_loop3A_928, %parallel_loop3A_929, %parallel_loop3A_930] {strides = array<i32>} : memref<4x64x128xf32, #tpu.memory_space<vmem>>, vector<1x1x16xf32>,
        %parallel_loop3A_932 = vector.shape_cast %parallel_loop3A_931 : vector<1x1x16xf32> to vector<16xf32>
        %parallel_loop3A_933 = arith.addi %mul3A_251, %parallel_loop3A_793 : i32
        %parallel_loop3A_934 = arith.index_cast %parallel_loop3A_933 : i32 to index
        %parallel_loop3A_935 = arith.constant 112 : index
        %parallel_loop3A_936 = tpu.vector_load %arg5[%parallel_loop3A_934, %parallel_loop3A_935] {strides = array<i32>} : memref<256x128xf32, #tpu.memory_space<vmem>>, vector<1x16xf32>,
        %parallel_loop3A_937 = vector.shape_cast %parallel_loop3A_936 : vector<1x16xf32> to vector<16xf32>
        %parallel_loop3A_938 = arith.addf %parallel_loop3A_932, %parallel_loop3A_937 : vector<16xf32>
        %parallel_loop3A_939 = arith.constant 0 : i32
        %parallel_loop3A_940 = arith.index_cast %parallel_loop3A_939 : i32 to index
        %parallel_loop3A_941 = arith.index_cast %parallel_loop3A_793 : i32 to index
        %parallel_loop3A_942 = arith.constant 112 : index
        %parallel_loop3A_943 = tpu.vector_load %arg7[%parallel_loop3A_940, %parallel_loop3A_941, %parallel_loop3A_942] {strides = array<i32>} : memref<4x64x128xf32, #tpu.memory_space<vmem>>, vector<1x1x16xf32>,
        %parallel_loop3A_944 = vector.shape_cast %parallel_loop3A_943 : vector<1x1x16xf32> to vector<16xf32>
        %parallel_loop3A_945 = vector.shape_cast %parallel_loop3A_938 : vector<16xf32> to vector<1x1x16xf32>
        tpu.vector_store %arg7[%parallel_loop3A_940, %parallel_loop3A_941, %parallel_loop3A_942], %parallel_loop3A_945 {strides = array<i32>} : memref<4x64x128xf32, #tpu.memory_space<vmem>>, vector<1x1x16xf32>,
      } {sc.loop_unroll_factor = 4 : i64, sc.parallel_access}
      %jit3A_254 = arith.constant 4 : i32
      %div3A_255 = arith.divsi %add3A_179, %jit3A_254 : i32
      %sign3A_256 = arith.constant 0 : i32
      %sign3A_257 = arith.cmpi sgt, %add3A_179, %sign3A_256 : i32
      %sign3A_258 = arith.extui %sign3A_257 : i1 to i32
      %sign3A_259 = arith.constant 0 : i32
      %sign3A_260 = arith.cmpi slt, %add3A_179, %sign3A_259 : i32
      %sign3A_261 = arith.extui %sign3A_260 : i1 to i32
      %sign3A_262 = arith.subi %sign3A_258, %sign3A_261 : i32
      %sign3A_263 = arith.constant 0 : i32
      %sign3A_264 = arith.cmpi sgt, %jit3A_254, %sign3A_263 : i32
      %sign3A_265 = arith.extui %sign3A_264 : i1 to i32
      %sign3A_266 = arith.constant 0 : i32
      %sign3A_267 = arith.cmpi slt, %jit3A_254, %sign3A_266 : i32
      %sign3A_268 = arith.extui %sign3A_267 : i1 to i32
      %sign3A_269 = arith.subi %sign3A_265, %sign3A_268 : i32
      %ne3A_270 = arith.cmpi ne, %sign3A_262, %sign3A_269 : i32
      %rem3A_271 = arith.remsi %add3A_179, %jit3A_254 : i32
      %ne3A_272 = arith.constant 0 : i32
      %ne3A_273 = arith.cmpi ne, %rem3A_271, %ne3A_272 : i32
      %and3A_274 = arith.andi %ne3A_270, %ne3A_273 : i1
      %sub3A_275 = arith.constant 1 : i32
      %sub3A_276 = arith.subi %div3A_255, %sub3A_275 : i32
      %select_n3A_277 = arith.select %and3A_274, %sub3A_276, %div3A_255 : i32
      %jit3A_278 = arith.constant 4 : i32
      %eq3A_279 = arith.constant 0 : i32
      %eq3A_280 = arith.cmpi eq, %jit3A_278, %eq3A_279 : i32
      %jit3A_281 = arith.constant 1 : i32
      %select_n3A_282 = arith.select %eq3A_280, %jit3A_281, %jit3A_278 : i32
      %rem3A_283 = arith.remsi %add3A_179, %select_n3A_282 : i32
      %ne3A_284 = arith.constant 0 : i32
      %ne3A_285 = arith.cmpi ne, %rem3A_283, %ne3A_284 : i32
      %lt3A_286 = arith.constant 0 : i32
      %lt3A_287 = arith.cmpi slt, %rem3A_283, %lt3A_286 : i32
      %lt3A_288 = arith.constant 0 : i32
      %lt3A_289 = arith.cmpi slt, %select_n3A_282, %lt3A_288 : i32
      %ne3A_290 = arith.xori %lt3A_287, %lt3A_289 : i1
      %and3A_291 = arith.andi %ne3A_290, %ne3A_285 : i1
      %add3A_292 = arith.addi %rem3A_283, %select_n3A_282 : i32
      %select_n3A_293 = arith.select %and3A_291, %add3A_292, %rem3A_283 : i32
      %mul3A_294 = arith.constant 64 : i32
      %mul3A_295 = arith.muli %select_n3A_293, %mul3A_294 : i32
      %add3A_296 = arith.addi %mul3A_2, %mul3A_295 : i32
      %dma_start3A_297 = arith.constant 0 : i32
      %dma_start3A_298 = arith.constant 0 : i32
      %dma_start3A_299 = arith.constant 0 : i32
      %dma_start3A_300 = arith.constant 0 : i32
      %dma_start3A_301 = tpu.memref_slice %arg7[%dma_start3A_297, %dma_start3A_299, %dma_start3A_300] : memref<4x64x128xf32, #tpu.memory_space<vmem>> -> memref<1x64x128xf32, #tpu.memory_space<vmem>>
      %dma_start3A_302 = tpu.memref_squeeze %dma_start3A_301 : memref<1x64x128xf32, #tpu.memory_space<vmem>> -> memref<64x128xf32, #tpu.memory_space<vmem>>
      %dma_start3A_303 = arith.constant 0 : i32
      %dma_start3A_304 = tpu.memref_slice %arg4[%select_n3A_277, %add3A_296, %dma_start3A_303] : memref<4x8192x128xf32, #tpu.memory_space<hbm>> -> memref<1x64x128xf32, #tpu.memory_space<hbm>>
      %dma_start3A_305 = tpu.memref_squeeze %dma_start3A_304 : memref<1x64x128xf32, #tpu.memory_space<hbm>> -> memref<64x128xf32, #tpu.memory_space<hbm>>
      %dma_start3A_306 = tpu.memref_slice %arg9[%dma_start3A_298] : memref<4x!tpu.dma_semaphore, #tpu.memory_space<semaphore_mem>> -> memref<1x!tpu.dma_semaphore, #tpu.memory_space<semaphore_mem>>
      %dma_start3A_307 = tpu.memref_squeeze %dma_start3A_306 : memref<1x!tpu.dma_semaphore, #tpu.memory_space<semaphore_mem>> -> memref<!tpu.dma_semaphore, #tpu.memory_space<semaphore_mem>>
      %dma_start3A_308 = arith.constant 0 : i32
      %dma_start3A_309 = tpu.memref_slice %arg4[%select_n3A_277, %add3A_296, %dma_start3A_308] : memref<4x8192x128xf32, #tpu.memory_space<hbm>> -> memref<1x64x128xf32, #tpu.memory_space<hbm>>
      %dma_start3A_310 = tpu.memref_squeeze %dma_start3A_309 : memref<1x64x128xf32, #tpu.memory_space<hbm>> -> memref<64x128xf32, #tpu.memory_space<hbm>>
      %dma_start3A_311 = arith.constant 0 : i32
      %dma_start3A_312 = arith.constant 0 : i32
      %dma_start3A_313 = tpu.memref_slice %arg7[%dma_start3A_297, %dma_start3A_311, %dma_start3A_312] : memref<4x64x128xf32, #tpu.memory_space<vmem>> -> memref<1x64x128xf32, #tpu.memory_space<vmem>>
      %dma_start3A_314 = tpu.memref_squeeze %dma_start3A_313 : memref<1x64x128xf32, #tpu.memory_space<vmem>> -> memref<64x128xf32, #tpu.memory_space<vmem>>
      tpu.enqueue_dma source(%dma_start3A_314 : memref<64x128xf32, #tpu.memory_space<vmem>>) target(%dma_start3A_310 : memref<64x128xf32, #tpu.memory_space<hbm>>) target_semaphore(%dma_start3A_307 : memref<!tpu.dma_semaphore, #tpu.memory_space<semaphore_mem>>)
      %add3A_315 = arith.constant 4 : i32
      %add3A_316 = arith.addi %add3A_177, %add3A_315 : i32
      %lt3A_317 = arith.constant 16 : i32
      %lt3A_318 = arith.cmpi slt, %add3A_316, %lt3A_317 : i32
      %convert_element_type3A_319 = arith.extui %lt3A_318 : i1 to i32
      %cond3A_320 = arith.constant 0 : i32
      %cond3A_321 = arith.cmpi ne, %convert_element_type3A_319, %cond3A_320 : i32
      scf.if %cond3A_321 {
        %add3A_793 = arith.constant 4 : i32
        %add3A_794 = arith.addi %add3A_179, %add3A_793 : i32
        %jit3A_795 = arith.constant 4 : i32
        %div3A_796 = arith.divsi %add3A_794, %jit3A_795 : i32
        %sign3A_797 = arith.constant 0 : i32
        %sign3A_798 = arith.cmpi sgt, %add3A_794, %sign3A_797 : i32
        %sign3A_799 = arith.extui %sign3A_798 : i1 to i32
        %sign3A_800 = arith.constant 0 : i32
        %sign3A_801 = arith.cmpi slt, %add3A_794, %sign3A_800 : i32
        %sign3A_802 = arith.extui %sign3A_801 : i1 to i32
        %sign3A_803 = arith.subi %sign3A_799, %sign3A_802 : i32
        %sign3A_804 = arith.constant 0 : i32
        %sign3A_805 = arith.cmpi sgt, %jit3A_795, %sign3A_804 : i32
        %sign3A_806 = arith.extui %sign3A_805 : i1 to i32
        %sign3A_807 = arith.constant 0 : i32
        %sign3A_808 = arith.cmpi slt, %jit3A_795, %sign3A_807 : i32
        %sign3A_809 = arith.extui %sign3A_808 : i1 to i32
        %sign3A_810 = arith.subi %sign3A_806, %sign3A_809 : i32
        %ne3A_811 = arith.cmpi ne, %sign3A_803, %sign3A_810 : i32
        %rem3A_812 = arith.remsi %add3A_794, %jit3A_795 : i32
        %ne3A_813 = arith.constant 0 : i32
        %ne3A_814 = arith.cmpi ne, %rem3A_812, %ne3A_813 : i32
        %and3A_815 = arith.andi %ne3A_811, %ne3A_814 : i1
        %sub3A_816 = arith.constant 1 : i32
        %sub3A_817 = arith.subi %div3A_796, %sub3A_816 : i32
        %select_n3A_818 = arith.select %and3A_815, %sub3A_817, %div3A_796 : i32
        %jit3A_819 = arith.constant 4 : i32
        %eq3A_820 = arith.constant 0 : i32
        %eq3A_821 = arith.cmpi eq, %jit3A_819, %eq3A_820 : i32
        %jit3A_822 = arith.constant 1 : i32
        %select_n3A_823 = arith.select %eq3A_821, %jit3A_822, %jit3A_819 : i32
        %rem3A_824 = arith.remsi %add3A_794, %select_n3A_823 : i32
        %ne3A_825 = arith.constant 0 : i32
        %ne3A_826 = arith.cmpi ne, %rem3A_824, %ne3A_825 : i32
        %lt3A_827 = arith.constant 0 : i32
        %lt3A_828 = arith.cmpi slt, %rem3A_824, %lt3A_827 : i32
        %lt3A_829 = arith.constant 0 : i32
        %lt3A_830 = arith.cmpi slt, %select_n3A_823, %lt3A_829 : i32
        %ne3A_831 = arith.xori %lt3A_828, %lt3A_830 : i1
        %and3A_832 = arith.andi %ne3A_831, %ne3A_826 : i1
        %add3A_833 = arith.addi %rem3A_824, %select_n3A_823 : i32
        %select_n3A_834 = arith.select %and3A_832, %add3A_833, %rem3A_824 : i32
        %mul3A_835 = arith.constant 64 : i32
        %mul3A_836 = arith.muli %select_n3A_834, %mul3A_835 : i32
        %add3A_837 = arith.addi %mul3A_2, %mul3A_836 : i32
        %dma_start3A_838 = arith.constant 0 : i32
        %dma_start3A_839 = arith.constant 0 : i32
        %dma_start3A_840 = arith.constant 0 : i32
        %dma_start3A_841 = arith.constant 0 : i32
        %dma_start3A_842 = tpu.memref_slice %arg6[%dma_start3A_838, %dma_start3A_840, %dma_start3A_841] : memref<4x64x128xf32, #tpu.memory_space<vmem>> -> memref<1x64x128xf32, #tpu.memory_space<vmem>>
        %dma_start3A_843 = tpu.memref_squeeze %dma_start3A_842 : memref<1x64x128xf32, #tpu.memory_space<vmem>> -> memref<64x128xf32, #tpu.memory_space<vmem>>
        %dma_start3A_844 = arith.constant 0 : i32
        %dma_start3A_845 = tpu.memref_slice %arg2[%select_n3A_818, %add3A_837, %dma_start3A_844] : memref<4x8192x128xf32, #tpu.memory_space<hbm>> -> memref<1x64x128xf32, #tpu.memory_space<hbm>>
        %dma_start3A_846 = tpu.memref_squeeze %dma_start3A_845 : memref<1x64x128xf32, #tpu.memory_space<hbm>> -> memref<64x128xf32, #tpu.memory_space<hbm>>
        %dma_start3A_847 = tpu.memref_slice %arg8[%dma_start3A_839] : memref<4x!tpu.dma_semaphore, #tpu.memory_space<semaphore_mem>> -> memref<1x!tpu.dma_semaphore, #tpu.memory_space<semaphore_mem>>
        %dma_start3A_848 = tpu.memref_squeeze %dma_start3A_847 : memref<1x!tpu.dma_semaphore, #tpu.memory_space<semaphore_mem>> -> memref<!tpu.dma_semaphore, #tpu.memory_space<semaphore_mem>>
        %dma_start3A_849 = arith.constant 0 : i32
        %dma_start3A_850 = arith.constant 0 : i32
        %dma_start3A_851 = tpu.memref_slice %arg6[%dma_start3A_838, %dma_start3A_849, %dma_start3A_850] : memref<4x64x128xf32, #tpu.memory_space<vmem>> -> memref<1x64x128xf32, #tpu.memory_space<vmem>>
        %dma_start3A_852 = tpu.memref_squeeze %dma_start3A_851 : memref<1x64x128xf32, #tpu.memory_space<vmem>> -> memref<64x128xf32, #tpu.memory_space<vmem>>
        %dma_start3A_853 = arith.constant 0 : i32
        %dma_start3A_854 = tpu.memref_slice %arg2[%select_n3A_818, %add3A_837, %dma_start3A_853] : memref<4x8192x128xf32, #tpu.memory_space<hbm>> -> memref<1x64x128xf32, #tpu.memory_space<hbm>>
        %dma_start3A_855 = tpu.memref_squeeze %dma_start3A_854 : memref<1x64x128xf32, #tpu.memory_space<hbm>> -> memref<64x128xf32, #tpu.memory_space<hbm>>
        tpu.enqueue_dma source(%dma_start3A_855 : memref<64x128xf32, #tpu.memory_space<hbm>>) target(%dma_start3A_852 : memref<64x128xf32, #tpu.memory_space<vmem>>) target_semaphore(%dma_start3A_848 : memref<!tpu.dma_semaphore, #tpu.memory_space<semaphore_mem>>)
      } else {
      }
      %add3A_322 = arith.constant 1 : i32
      %add3A_323 = arith.addi %add3A_177, %add3A_322 : i32
      %jit3A_324 = arith.constant 4 : i32
      %div3A_325 = arith.divsi %add3A_323, %jit3A_324 : i32
      %sign3A_326 = arith.constant 0 : i32
      %sign3A_327 = arith.cmpi sgt, %add3A_323, %sign3A_326 : i32
      %sign3A_328 = arith.extui %sign3A_327 : i1 to i32
      %sign3A_329 = arith.constant 0 : i32
      %sign3A_330 = arith.cmpi slt, %add3A_323, %sign3A_329 : i32
      %sign3A_331 = arith.extui %sign3A_330 : i1 to i32
      %sign3A_332 = arith.subi %sign3A_328, %sign3A_331 : i32
      %sign3A_333 = arith.constant 0 : i32
      %sign3A_334 = arith.cmpi sgt, %jit3A_324, %sign3A_333 : i32
      %sign3A_335 = arith.extui %sign3A_334 : i1 to i32
      %sign3A_336 = arith.constant 0 : i32
      %sign3A_337 = arith.cmpi slt, %jit3A_324, %sign3A_336 : i32
      %sign3A_338 = arith.extui %sign3A_337 : i1 to i32
      %sign3A_339 = arith.subi %sign3A_335, %sign3A_338 : i32
      %ne3A_340 = arith.cmpi ne, %sign3A_332, %sign3A_339 : i32
      %rem3A_341 = arith.remsi %add3A_323, %jit3A_324 : i32
      %ne3A_342 = arith.constant 0 : i32
      %ne3A_343 = arith.cmpi ne, %rem3A_341, %ne3A_342 : i32
      %and3A_344 = arith.andi %ne3A_340, %ne3A_343 : i1
      %sub3A_345 = arith.constant 1 : i32
      %sub3A_346 = arith.subi %div3A_325, %sub3A_345 : i32
      %select_n3A_347 = arith.select %and3A_344, %sub3A_346, %div3A_325 : i32
      %jit3A_348 = arith.constant 4 : i32
      %eq3A_349 = arith.constant 0 : i32
      %eq3A_350 = arith.cmpi eq, %jit3A_348, %eq3A_349 : i32
      %jit3A_351 = arith.constant 1 : i32
      %select_n3A_352 = arith.select %eq3A_350, %jit3A_351, %jit3A_348 : i32
      %rem3A_353 = arith.remsi %add3A_323, %select_n3A_352 : i32
      %ne3A_354 = arith.constant 0 : i32
      %ne3A_355 = arith.cmpi ne, %rem3A_353, %ne3A_354 : i32
      %lt3A_356 = arith.constant 0 : i32
      %lt3A_357 = arith.cmpi slt, %rem3A_353, %lt3A_356 : i32
      %lt3A_358 = arith.constant 0 : i32
      %lt3A_359 = arith.cmpi slt, %select_n3A_352, %lt3A_358 : i32
      %ne3A_360 = arith.xori %lt3A_357, %lt3A_359 : i1
      %and3A_361 = arith.andi %ne3A_360, %ne3A_355 : i1
      %add3A_362 = arith.addi %rem3A_353, %select_n3A_352 : i32
      %select_n3A_363 = arith.select %and3A_361, %add3A_362, %rem3A_353 : i32
      %mul3A_364 = arith.constant 64 : i32
      %mul3A_365 = arith.muli %select_n3A_363, %mul3A_364 : i32
      %add3A_366 = arith.addi %mul3A_2, %mul3A_365 : i32
      %dma_wait3A_367 = arith.constant 1 : i32
      %dma_wait3A_368 = arith.constant 1 : i32
      %dma_wait3A_369 = arith.constant 0 : i32
      %dma_wait3A_370 = arith.constant 0 : i32
      %dma_wait3A_371 = tpu.memref_slice %arg6[%dma_wait3A_367, %dma_wait3A_369, %dma_wait3A_370] : memref<4x64x128xf32, #tpu.memory_space<vmem>> -> memref<1x64x128xf32, #tpu.memory_space<vmem>>
      %dma_wait3A_372 = tpu.memref_squeeze %dma_wait3A_371 : memref<1x64x128xf32, #tpu.memory_space<vmem>> -> memref<64x128xf32, #tpu.memory_space<vmem>>
      %dma_wait3A_373 = arith.constant 0 : i32
      %dma_wait3A_374 = tpu.memref_slice %arg2[%select_n3A_347, %add3A_366, %dma_wait3A_373] : memref<4x8192x128xf32, #tpu.memory_space<hbm>> -> memref<1x64x128xf32, #tpu.memory_space<hbm>>
      %dma_wait3A_375 = tpu.memref_squeeze %dma_wait3A_374 : memref<1x64x128xf32, #tpu.memory_space<hbm>> -> memref<64x128xf32, #tpu.memory_space<hbm>>
      %dma_wait3A_376 = tpu.memref_slice %arg8[%dma_wait3A_368] : memref<4x!tpu.dma_semaphore, #tpu.memory_space<semaphore_mem>> -> memref<1x!tpu.dma_semaphore, #tpu.memory_space<semaphore_mem>>
      %dma_wait3A_377 = tpu.memref_squeeze %dma_wait3A_376 : memref<1x!tpu.dma_semaphore, #tpu.memory_space<semaphore_mem>> -> memref<!tpu.dma_semaphore, #tpu.memory_space<semaphore_mem>>
      %dma_wait3A_378 = arith.constant 0 : i32
      %dma_wait3A_379 = arith.constant 0 : i32
      %dma_wait3A_380 = tpu.memref_slice %arg6[%dma_wait3A_367, %dma_wait3A_378, %dma_wait3A_379] : memref<4x64x128xf32, #tpu.memory_space<vmem>> -> memref<1x64x128xf32, #tpu.memory_space<vmem>>
      %dma_wait3A_381 = tpu.memref_squeeze %dma_wait3A_380 : memref<1x64x128xf32, #tpu.memory_space<vmem>> -> memref<64x128xf32, #tpu.memory_space<vmem>>
      %dma_wait3A_382 = arith.constant 0 : i32
      %dma_wait3A_383 = tpu.memref_slice %arg2[%select_n3A_347, %add3A_366, %dma_wait3A_382] : memref<4x8192x128xf32, #tpu.memory_space<hbm>> -> memref<1x64x128xf32, #tpu.memory_space<hbm>>
      %dma_wait3A_384 = tpu.memref_squeeze %dma_wait3A_383 : memref<1x64x128xf32, #tpu.memory_space<hbm>> -> memref<64x128xf32, #tpu.memory_space<hbm>>
      tpu.wait_dma2 semaphore(%dma_wait3A_377 : memref<!tpu.dma_semaphore, #tpu.memory_space<semaphore_mem>>) src(%dma_wait3A_384 : memref<64x128xf32, #tpu.memory_space<hbm>>) dst(%dma_wait3A_381 : memref<64x128xf32, #tpu.memory_space<vmem>>)
      %ne3A_385 = arith.constant 0 : i32
      %ne3A_386 = arith.cmpi ne, %add3A_177, %ne3A_385 : i32
      %convert_element_type3A_387 = arith.extui %ne3A_386 : i1 to i32
      %cond3A_388 = arith.constant 0 : i32
      %cond3A_389 = arith.cmpi ne, %convert_element_type3A_387, %cond3A_388 : i32
      scf.if %cond3A_389 {
        %sub3A_793 = arith.constant 4 : i32
        %sub3A_794 = arith.subi %add3A_323, %sub3A_793 : i32
        %jit3A_795 = arith.constant 4 : i32
        %div3A_796 = arith.divsi %sub3A_794, %jit3A_795 : i32
        %sign3A_797 = arith.constant 0 : i32
        %sign3A_798 = arith.cmpi sgt, %sub3A_794, %sign3A_797 : i32
        %sign3A_799 = arith.extui %sign3A_798 : i1 to i32
        %sign3A_800 = arith.constant 0 : i32
        %sign3A_801 = arith.cmpi slt, %sub3A_794, %sign3A_800 : i32
        %sign3A_802 = arith.extui %sign3A_801 : i1 to i32
        %sign3A_803 = arith.subi %sign3A_799, %sign3A_802 : i32
        %sign3A_804 = arith.constant 0 : i32
        %sign3A_805 = arith.cmpi sgt, %jit3A_795, %sign3A_804 : i32
        %sign3A_806 = arith.extui %sign3A_805 : i1 to i32
        %sign3A_807 = arith.constant 0 : i32
        %sign3A_808 = arith.cmpi slt, %jit3A_795, %sign3A_807 : i32
        %sign3A_809 = arith.extui %sign3A_808 : i1 to i32
        %sign3A_810 = arith.subi %sign3A_806, %sign3A_809 : i32
        %ne3A_811 = arith.cmpi ne, %sign3A_803, %sign3A_810 : i32
        %rem3A_812 = arith.remsi %sub3A_794, %jit3A_795 : i32
        %ne3A_813 = arith.constant 0 : i32
        %ne3A_814 = arith.cmpi ne, %rem3A_812, %ne3A_813 : i32
        %and3A_815 = arith.andi %ne3A_811, %ne3A_814 : i1
        %sub3A_816 = arith.constant 1 : i32
        %sub3A_817 = arith.subi %div3A_796, %sub3A_816 : i32
        %select_n3A_818 = arith.select %and3A_815, %sub3A_817, %div3A_796 : i32
        %jit3A_819 = arith.constant 4 : i32
        %eq3A_820 = arith.constant 0 : i32
        %eq3A_821 = arith.cmpi eq, %jit3A_819, %eq3A_820 : i32
        %jit3A_822 = arith.constant 1 : i32
        %select_n3A_823 = arith.select %eq3A_821, %jit3A_822, %jit3A_819 : i32
        %rem3A_824 = arith.remsi %sub3A_794, %select_n3A_823 : i32
        %ne3A_825 = arith.constant 0 : i32
        %ne3A_826 = arith.cmpi ne, %rem3A_824, %ne3A_825 : i32
        %lt3A_827 = arith.constant 0 : i32
        %lt3A_828 = arith.cmpi slt, %rem3A_824, %lt3A_827 : i32
        %lt3A_829 = arith.constant 0 : i32
        %lt3A_830 = arith.cmpi slt, %select_n3A_823, %lt3A_829 : i32
        %ne3A_831 = arith.xori %lt3A_828, %lt3A_830 : i1
        %and3A_832 = arith.andi %ne3A_831, %ne3A_826 : i1
        %add3A_833 = arith.addi %rem3A_824, %select_n3A_823 : i32
        %select_n3A_834 = arith.select %and3A_832, %add3A_833, %rem3A_824 : i32
        %mul3A_835 = arith.constant 64 : i32
        %mul3A_836 = arith.muli %select_n3A_834, %mul3A_835 : i32
        %add3A_837 = arith.addi %mul3A_2, %mul3A_836 : i32
        %dma_wait3A_838 = arith.constant 1 : i32
        %dma_wait3A_839 = arith.constant 1 : i32
        %dma_wait3A_840 = arith.constant 0 : i32
        %dma_wait3A_841 = arith.constant 0 : i32
        %dma_wait3A_842 = tpu.memref_slice %arg7[%dma_wait3A_838, %dma_wait3A_840, %dma_wait3A_841] : memref<4x64x128xf32, #tpu.memory_space<vmem>> -> memref<1x64x128xf32, #tpu.memory_space<vmem>>
        %dma_wait3A_843 = tpu.memref_squeeze %dma_wait3A_842 : memref<1x64x128xf32, #tpu.memory_space<vmem>> -> memref<64x128xf32, #tpu.memory_space<vmem>>
        %dma_wait3A_844 = arith.constant 0 : i32
        %dma_wait3A_845 = tpu.memref_slice %arg4[%select_n3A_818, %add3A_837, %dma_wait3A_844] : memref<4x8192x128xf32, #tpu.memory_space<hbm>> -> memref<1x64x128xf32, #tpu.memory_space<hbm>>
        %dma_wait3A_846 = tpu.memref_squeeze %dma_wait3A_845 : memref<1x64x128xf32, #tpu.memory_space<hbm>> -> memref<64x128xf32, #tpu.memory_space<hbm>>
        %dma_wait3A_847 = tpu.memref_slice %arg9[%dma_wait3A_839] : memref<4x!tpu.dma_semaphore, #tpu.memory_space<semaphore_mem>> -> memref<1x!tpu.dma_semaphore, #tpu.memory_space<semaphore_mem>>
        %dma_wait3A_848 = tpu.memref_squeeze %dma_wait3A_847 : memref<1x!tpu.dma_semaphore, #tpu.memory_space<semaphore_mem>> -> memref<!tpu.dma_semaphore, #tpu.memory_space<semaphore_mem>>
        %dma_wait3A_849 = arith.constant 0 : i32
        %dma_wait3A_850 = tpu.memref_slice %arg4[%select_n3A_818, %add3A_837, %dma_wait3A_849] : memref<4x8192x128xf32, #tpu.memory_space<hbm>> -> memref<1x64x128xf32, #tpu.memory_space<hbm>>
        %dma_wait3A_851 = tpu.memref_squeeze %dma_wait3A_850 : memref<1x64x128xf32, #tpu.memory_space<hbm>> -> memref<64x128xf32, #tpu.memory_space<hbm>>
        %dma_wait3A_852 = arith.constant 0 : i32
        %dma_wait3A_853 = arith.constant 0 : i32
        %dma_wait3A_854 = tpu.memref_slice %arg7[%dma_wait3A_838, %dma_wait3A_852, %dma_wait3A_853] : memref<4x64x128xf32, #tpu.memory_space<vmem>> -> memref<1x64x128xf32, #tpu.memory_space<vmem>>
        %dma_wait3A_855 = tpu.memref_squeeze %dma_wait3A_854 : memref<1x64x128xf32, #tpu.memory_space<vmem>> -> memref<64x128xf32, #tpu.memory_space<vmem>>
        tpu.wait_dma2 semaphore(%dma_wait3A_848 : memref<!tpu.dma_semaphore, #tpu.memory_space<semaphore_mem>>) src(%dma_wait3A_855 : memref<64x128xf32, #tpu.memory_space<vmem>>) dst(%dma_wait3A_851 : memref<64x128xf32, #tpu.memory_space<hbm>>)
      } else {
      }
      %jit3A_390 = arith.constant 4 : i32
      %eq3A_391 = arith.constant 0 : i32
      %eq3A_392 = arith.cmpi eq, %jit3A_390, %eq3A_391 : i32
      %jit3A_393 = arith.constant 1 : i32
      %select_n3A_394 = arith.select %eq3A_392, %jit3A_393, %jit3A_390 : i32
      %rem3A_395 = arith.remsi %add3A_323, %select_n3A_394 : i32
      %ne3A_396 = arith.constant 0 : i32
      %ne3A_397 = arith.cmpi ne, %rem3A_395, %ne3A_396 : i32
      %lt3A_398 = arith.constant 0 : i32
      %lt3A_399 = arith.cmpi slt, %rem3A_395, %lt3A_398 : i32
      %lt3A_400 = arith.constant 0 : i32
      %lt3A_401 = arith.cmpi slt, %select_n3A_394, %lt3A_400 : i32
      %ne3A_402 = arith.xori %lt3A_399, %lt3A_401 : i1
      %and3A_403 = arith.andi %ne3A_402, %ne3A_397 : i1
      %add3A_404 = arith.addi %rem3A_395, %select_n3A_394 : i32
      %select_n3A_405 = arith.select %and3A_403, %add3A_404, %rem3A_395 : i32
      %mul3A_406 = arith.constant 64 : i32
      %mul3A_407 = arith.muli %select_n3A_405, %mul3A_406 : i32
      %parallel_loop3A_408 = arith.constant 0 : i32
      %parallel_loop3A_409 = arith.constant 64 : i32
      %parallel_loop3A_410 = arith.constant 1 : i32
      scf.for %parallel_loop3A_793 = %parallel_loop3A_408 to %parallel_loop3A_409 step %parallel_loop3A_410  : i32 {
        %parallel_loop3A_794 = arith.constant 1 : i32
        %parallel_loop3A_795 = arith.index_cast %parallel_loop3A_794 : i32 to index
        %parallel_loop3A_796 = arith.index_cast %parallel_loop3A_793 : i32 to index
        %parallel_loop3A_797 = arith.constant 0 : index
        %parallel_loop3A_798 = tpu.vector_load %arg6[%parallel_loop3A_795, %parallel_loop3A_796, %parallel_loop3A_797] {strides = array<i32>} : memref<4x64x128xf32, #tpu.memory_space<vmem>>, vector<1x1x16xf32>,
        %parallel_loop3A_799 = vector.shape_cast %parallel_loop3A_798 : vector<1x1x16xf32> to vector<16xf32>
        %parallel_loop3A_800 = arith.addi %mul3A_407, %parallel_loop3A_793 : i32
        %parallel_loop3A_801 = arith.index_cast %parallel_loop3A_800 : i32 to index
        %parallel_loop3A_802 = arith.constant 0 : index
        %parallel_loop3A_803 = tpu.vector_load %arg5[%parallel_loop3A_801, %parallel_loop3A_802] {strides = array<i32>} : memref<256x128xf32, #tpu.memory_space<vmem>>, vector<1x16xf32>,
        %parallel_loop3A_804 = vector.shape_cast %parallel_loop3A_803 : vector<1x16xf32> to vector<16xf32>
        %parallel_loop3A_805 = arith.addf %parallel_loop3A_799, %parallel_loop3A_804 : vector<16xf32>
        %parallel_loop3A_806 = arith.constant 1 : i32
        %parallel_loop3A_807 = arith.index_cast %parallel_loop3A_806 : i32 to index
        %parallel_loop3A_808 = arith.index_cast %parallel_loop3A_793 : i32 to index
        %parallel_loop3A_809 = arith.constant 0 : index
        %parallel_loop3A_810 = tpu.vector_load %arg7[%parallel_loop3A_807, %parallel_loop3A_808, %parallel_loop3A_809] {strides = array<i32>} : memref<4x64x128xf32, #tpu.memory_space<vmem>>, vector<1x1x16xf32>,
        %parallel_loop3A_811 = vector.shape_cast %parallel_loop3A_810 : vector<1x1x16xf32> to vector<16xf32>
        %parallel_loop3A_812 = vector.shape_cast %parallel_loop3A_805 : vector<16xf32> to vector<1x1x16xf32>
        tpu.vector_store %arg7[%parallel_loop3A_807, %parallel_loop3A_808, %parallel_loop3A_809], %parallel_loop3A_812 {strides = array<i32>} : memref<4x64x128xf32, #tpu.memory_space<vmem>>, vector<1x1x16xf32>,
        %parallel_loop3A_813 = arith.constant 1 : i32
        %parallel_loop3A_814 = arith.index_cast %parallel_loop3A_813 : i32 to index
        %parallel_loop3A_815 = arith.index_cast %parallel_loop3A_793 : i32 to index
        %parallel_loop3A_816 = arith.constant 16 : index
        %parallel_loop3A_817 = tpu.vector_load %arg6[%parallel_loop3A_814, %parallel_loop3A_815, %parallel_loop3A_816] {strides = array<i32>} : memref<4x64x128xf32, #tpu.memory_space<vmem>>, vector<1x1x16xf32>,
        %parallel_loop3A_818 = vector.shape_cast %parallel_loop3A_817 : vector<1x1x16xf32> to vector<16xf32>
        %parallel_loop3A_819 = arith.addi %mul3A_407, %parallel_loop3A_793 : i32
        %parallel_loop3A_820 = arith.index_cast %parallel_loop3A_819 : i32 to index
        %parallel_loop3A_821 = arith.constant 16 : index
        %parallel_loop3A_822 = tpu.vector_load %arg5[%parallel_loop3A_820, %parallel_loop3A_821] {strides = array<i32>} : memref<256x128xf32, #tpu.memory_space<vmem>>, vector<1x16xf32>,
        %parallel_loop3A_823 = vector.shape_cast %parallel_loop3A_822 : vector<1x16xf32> to vector<16xf32>
        %parallel_loop3A_824 = arith.addf %parallel_loop3A_818, %parallel_loop3A_823 : vector<16xf32>
        %parallel_loop3A_825 = arith.constant 1 : i32
        %parallel_loop3A_826 = arith.index_cast %parallel_loop3A_825 : i32 to index
        %parallel_loop3A_827 = arith.index_cast %parallel_loop3A_793 : i32 to index
        %parallel_loop3A_828 = arith.constant 16 : index
        %parallel_loop3A_829 = tpu.vector_load %arg7[%parallel_loop3A_826, %parallel_loop3A_827, %parallel_loop3A_828] {strides = array<i32>} : memref<4x64x128xf32, #tpu.memory_space<vmem>>, vector<1x1x16xf32>,
        %parallel_loop3A_830 = vector.shape_cast %parallel_loop3A_829 : vector<1x1x16xf32> to vector<16xf32>
        %parallel_loop3A_831 = vector.shape_cast %parallel_loop3A_824 : vector<16xf32> to vector<1x1x16xf32>
        tpu.vector_store %arg7[%parallel_loop3A_826, %parallel_loop3A_827, %parallel_loop3A_828], %parallel_loop3A_831 {strides = array<i32>} : memref<4x64x128xf32, #tpu.memory_space<vmem>>, vector<1x1x16xf32>,
        %parallel_loop3A_832 = arith.constant 1 : i32
        %parallel_loop3A_833 = arith.index_cast %parallel_loop3A_832 : i32 to index
        %parallel_loop3A_834 = arith.index_cast %parallel_loop3A_793 : i32 to index
        %parallel_loop3A_835 = arith.constant 32 : index
        %parallel_loop3A_836 = tpu.vector_load %arg6[%parallel_loop3A_833, %parallel_loop3A_834, %parallel_loop3A_835] {strides = array<i32>} : memref<4x64x128xf32, #tpu.memory_space<vmem>>, vector<1x1x16xf32>,
        %parallel_loop3A_837 = vector.shape_cast %parallel_loop3A_836 : vector<1x1x16xf32> to vector<16xf32>
        %parallel_loop3A_838 = arith.addi %mul3A_407, %parallel_loop3A_793 : i32
        %parallel_loop3A_839 = arith.index_cast %parallel_loop3A_838 : i32 to index
        %parallel_loop3A_840 = arith.constant 32 : index
        %parallel_loop3A_841 = tpu.vector_load %arg5[%parallel_loop3A_839, %parallel_loop3A_840] {strides = array<i32>} : memref<256x128xf32, #tpu.memory_space<vmem>>, vector<1x16xf32>,
        %parallel_loop3A_842 = vector.shape_cast %parallel_loop3A_841 : vector<1x16xf32> to vector<16xf32>
        %parallel_loop3A_843 = arith.addf %parallel_loop3A_837, %parallel_loop3A_842 : vector<16xf32>
        %parallel_loop3A_844 = arith.constant 1 : i32
        %parallel_loop3A_845 = arith.index_cast %parallel_loop3A_844 : i32 to index
        %parallel_loop3A_846 = arith.index_cast %parallel_loop3A_793 : i32 to index
        %parallel_loop3A_847 = arith.constant 32 : index
        %parallel_loop3A_848 = tpu.vector_load %arg7[%parallel_loop3A_845, %parallel_loop3A_846, %parallel_loop3A_847] {strides = array<i32>} : memref<4x64x128xf32, #tpu.memory_space<vmem>>, vector<1x1x16xf32>,
        %parallel_loop3A_849 = vector.shape_cast %parallel_loop3A_848 : vector<1x1x16xf32> to vector<16xf32>
        %parallel_loop3A_850 = vector.shape_cast %parallel_loop3A_843 : vector<16xf32> to vector<1x1x16xf32>
        tpu.vector_store %arg7[%parallel_loop3A_845, %parallel_loop3A_846, %parallel_loop3A_847], %parallel_loop3A_850 {strides = array<i32>} : memref<4x64x128xf32, #tpu.memory_space<vmem>>, vector<1x1x16xf32>,
        %parallel_loop3A_851 = arith.constant 1 : i32
        %parallel_loop3A_852 = arith.index_cast %parallel_loop3A_851 : i32 to index
        %parallel_loop3A_853 = arith.index_cast %parallel_loop3A_793 : i32 to index
        %parallel_loop3A_854 = arith.constant 48 : index
        %parallel_loop3A_855 = tpu.vector_load %arg6[%parallel_loop3A_852, %parallel_loop3A_853, %parallel_loop3A_854] {strides = array<i32>} : memref<4x64x128xf32, #tpu.memory_space<vmem>>, vector<1x1x16xf32>,
        %parallel_loop3A_856 = vector.shape_cast %parallel_loop3A_855 : vector<1x1x16xf32> to vector<16xf32>
        %parallel_loop3A_857 = arith.addi %mul3A_407, %parallel_loop3A_793 : i32
        %parallel_loop3A_858 = arith.index_cast %parallel_loop3A_857 : i32 to index
        %parallel_loop3A_859 = arith.constant 48 : index
        %parallel_loop3A_860 = tpu.vector_load %arg5[%parallel_loop3A_858, %parallel_loop3A_859] {strides = array<i32>} : memref<256x128xf32, #tpu.memory_space<vmem>>, vector<1x16xf32>,
        %parallel_loop3A_861 = vector.shape_cast %parallel_loop3A_860 : vector<1x16xf32> to vector<16xf32>
        %parallel_loop3A_862 = arith.addf %parallel_loop3A_856, %parallel_loop3A_861 : vector<16xf32>
        %parallel_loop3A_863 = arith.constant 1 : i32
        %parallel_loop3A_864 = arith.index_cast %parallel_loop3A_863 : i32 to index
        %parallel_loop3A_865 = arith.index_cast %parallel_loop3A_793 : i32 to index
        %parallel_loop3A_866 = arith.constant 48 : index
        %parallel_loop3A_867 = tpu.vector_load %arg7[%parallel_loop3A_864, %parallel_loop3A_865, %parallel_loop3A_866] {strides = array<i32>} : memref<4x64x128xf32, #tpu.memory_space<vmem>>, vector<1x1x16xf32>,
        %parallel_loop3A_868 = vector.shape_cast %parallel_loop3A_867 : vector<1x1x16xf32> to vector<16xf32>
        %parallel_loop3A_869 = vector.shape_cast %parallel_loop3A_862 : vector<16xf32> to vector<1x1x16xf32>
        tpu.vector_store %arg7[%parallel_loop3A_864, %parallel_loop3A_865, %parallel_loop3A_866], %parallel_loop3A_869 {strides = array<i32>} : memref<4x64x128xf32, #tpu.memory_space<vmem>>, vector<1x1x16xf32>,
        %parallel_loop3A_870 = arith.constant 1 : i32
        %parallel_loop3A_871 = arith.index_cast %parallel_loop3A_870 : i32 to index
        %parallel_loop3A_872 = arith.index_cast %parallel_loop3A_793 : i32 to index
        %parallel_loop3A_873 = arith.constant 64 : index
        %parallel_loop3A_874 = tpu.vector_load %arg6[%parallel_loop3A_871, %parallel_loop3A_872, %parallel_loop3A_873] {strides = array<i32>} : memref<4x64x128xf32, #tpu.memory_space<vmem>>, vector<1x1x16xf32>,
        %parallel_loop3A_875 = vector.shape_cast %parallel_loop3A_874 : vector<1x1x16xf32> to vector<16xf32>
        %parallel_loop3A_876 = arith.addi %mul3A_407, %parallel_loop3A_793 : i32
        %parallel_loop3A_877 = arith.index_cast %parallel_loop3A_876 : i32 to index
        %parallel_loop3A_878 = arith.constant 64 : index
        %parallel_loop3A_879 = tpu.vector_load %arg5[%parallel_loop3A_877, %parallel_loop3A_878] {strides = array<i32>} : memref<256x128xf32, #tpu.memory_space<vmem>>, vector<1x16xf32>,
        %parallel_loop3A_880 = vector.shape_cast %parallel_loop3A_879 : vector<1x16xf32> to vector<16xf32>
        %parallel_loop3A_881 = arith.addf %parallel_loop3A_875, %parallel_loop3A_880 : vector<16xf32>
        %parallel_loop3A_882 = arith.constant 1 : i32
        %parallel_loop3A_883 = arith.index_cast %parallel_loop3A_882 : i32 to index
        %parallel_loop3A_884 = arith.index_cast %parallel_loop3A_793 : i32 to index
        %parallel_loop3A_885 = arith.constant 64 : index
        %parallel_loop3A_886 = tpu.vector_load %arg7[%parallel_loop3A_883, %parallel_loop3A_884, %parallel_loop3A_885] {strides = array<i32>} : memref<4x64x128xf32, #tpu.memory_space<vmem>>, vector<1x1x16xf32>,
        %parallel_loop3A_887 = vector.shape_cast %parallel_loop3A_886 : vector<1x1x16xf32> to vector<16xf32>
        %parallel_loop3A_888 = vector.shape_cast %parallel_loop3A_881 : vector<16xf32> to vector<1x1x16xf32>
        tpu.vector_store %arg7[%parallel_loop3A_883, %parallel_loop3A_884, %parallel_loop3A_885], %parallel_loop3A_888 {strides = array<i32>} : memref<4x64x128xf32, #tpu.memory_space<vmem>>, vector<1x1x16xf32>,
        %parallel_loop3A_889 = arith.constant 1 : i32
        %parallel_loop3A_890 = arith.index_cast %parallel_loop3A_889 : i32 to index
        %parallel_loop3A_891 = arith.index_cast %parallel_loop3A_793 : i32 to index
        %parallel_loop3A_892 = arith.constant 80 : index
        %parallel_loop3A_893 = tpu.vector_load %arg6[%parallel_loop3A_890, %parallel_loop3A_891, %parallel_loop3A_892] {strides = array<i32>} : memref<4x64x128xf32, #tpu.memory_space<vmem>>, vector<1x1x16xf32>,
        %parallel_loop3A_894 = vector.shape_cast %parallel_loop3A_893 : vector<1x1x16xf32> to vector<16xf32>
        %parallel_loop3A_895 = arith.addi %mul3A_407, %parallel_loop3A_793 : i32
        %parallel_loop3A_896 = arith.index_cast %parallel_loop3A_895 : i32 to index
        %parallel_loop3A_897 = arith.constant 80 : index
        %parallel_loop3A_898 = tpu.vector_load %arg5[%parallel_loop3A_896, %parallel_loop3A_897] {strides = array<i32>} : memref<256x128xf32, #tpu.memory_space<vmem>>, vector<1x16xf32>,
        %parallel_loop3A_899 = vector.shape_cast %parallel_loop3A_898 : vector<1x16xf32> to vector<16xf32>
        %parallel_loop3A_900 = arith.addf %parallel_loop3A_894, %parallel_loop3A_899 : vector<16xf32>
        %parallel_loop3A_901 = arith.constant 1 : i32
        %parallel_loop3A_902 = arith.index_cast %parallel_loop3A_901 : i32 to index
        %parallel_loop3A_903 = arith.index_cast %parallel_loop3A_793 : i32 to index
        %parallel_loop3A_904 = arith.constant 80 : index
        %parallel_loop3A_905 = tpu.vector_load %arg7[%parallel_loop3A_902, %parallel_loop3A_903, %parallel_loop3A_904] {strides = array<i32>} : memref<4x64x128xf32, #tpu.memory_space<vmem>>, vector<1x1x16xf32>,
        %parallel_loop3A_906 = vector.shape_cast %parallel_loop3A_905 : vector<1x1x16xf32> to vector<16xf32>
        %parallel_loop3A_907 = vector.shape_cast %parallel_loop3A_900 : vector<16xf32> to vector<1x1x16xf32>
        tpu.vector_store %arg7[%parallel_loop3A_902, %parallel_loop3A_903, %parallel_loop3A_904], %parallel_loop3A_907 {strides = array<i32>} : memref<4x64x128xf32, #tpu.memory_space<vmem>>, vector<1x1x16xf32>,
        %parallel_loop3A_908 = arith.constant 1 : i32
        %parallel_loop3A_909 = arith.index_cast %parallel_loop3A_908 : i32 to index
        %parallel_loop3A_910 = arith.index_cast %parallel_loop3A_793 : i32 to index
        %parallel_loop3A_911 = arith.constant 96 : index
        %parallel_loop3A_912 = tpu.vector_load %arg6[%parallel_loop3A_909, %parallel_loop3A_910, %parallel_loop3A_911] {strides = array<i32>} : memref<4x64x128xf32, #tpu.memory_space<vmem>>, vector<1x1x16xf32>,
        %parallel_loop3A_913 = vector.shape_cast %parallel_loop3A_912 : vector<1x1x16xf32> to vector<16xf32>
        %parallel_loop3A_914 = arith.addi %mul3A_407, %parallel_loop3A_793 : i32
        %parallel_loop3A_915 = arith.index_cast %parallel_loop3A_914 : i32 to index
        %parallel_loop3A_916 = arith.constant 96 : index
        %parallel_loop3A_917 = tpu.vector_load %arg5[%parallel_loop3A_915, %parallel_loop3A_916] {strides = array<i32>} : memref<256x128xf32, #tpu.memory_space<vmem>>, vector<1x16xf32>,
        %parallel_loop3A_918 = vector.shape_cast %parallel_loop3A_917 : vector<1x16xf32> to vector<16xf32>
        %parallel_loop3A_919 = arith.addf %parallel_loop3A_913, %parallel_loop3A_918 : vector<16xf32>
        %parallel_loop3A_920 = arith.constant 1 : i32
        %parallel_loop3A_921 = arith.index_cast %parallel_loop3A_920 : i32 to index
        %parallel_loop3A_922 = arith.index_cast %parallel_loop3A_793 : i32 to index
        %parallel_loop3A_923 = arith.constant 96 : index
        %parallel_loop3A_924 = tpu.vector_load %arg7[%parallel_loop3A_921, %parallel_loop3A_922, %parallel_loop3A_923] {strides = array<i32>} : memref<4x64x128xf32, #tpu.memory_space<vmem>>, vector<1x1x16xf32>,
        %parallel_loop3A_925 = vector.shape_cast %parallel_loop3A_924 : vector<1x1x16xf32> to vector<16xf32>
        %parallel_loop3A_926 = vector.shape_cast %parallel_loop3A_919 : vector<16xf32> to vector<1x1x16xf32>
        tpu.vector_store %arg7[%parallel_loop3A_921, %parallel_loop3A_922, %parallel_loop3A_923], %parallel_loop3A_926 {strides = array<i32>} : memref<4x64x128xf32, #tpu.memory_space<vmem>>, vector<1x1x16xf32>,
        %parallel_loop3A_927 = arith.constant 1 : i32
        %parallel_loop3A_928 = arith.index_cast %parallel_loop3A_927 : i32 to index
        %parallel_loop3A_929 = arith.index_cast %parallel_loop3A_793 : i32 to index
        %parallel_loop3A_930 = arith.constant 112 : index
        %parallel_loop3A_931 = tpu.vector_load %arg6[%parallel_loop3A_928, %parallel_loop3A_929, %parallel_loop3A_930] {strides = array<i32>} : memref<4x64x128xf32, #tpu.memory_space<vmem>>, vector<1x1x16xf32>,
        %parallel_loop3A_932 = vector.shape_cast %parallel_loop3A_931 : vector<1x1x16xf32> to vector<16xf32>
        %parallel_loop3A_933 = arith.addi %mul3A_407, %parallel_loop3A_793 : i32
        %parallel_loop3A_934 = arith.index_cast %parallel_loop3A_933 : i32 to index
        %parallel_loop3A_935 = arith.constant 112 : index
        %parallel_loop3A_936 = tpu.vector_load %arg5[%parallel_loop3A_934, %parallel_loop3A_935] {strides = array<i32>} : memref<256x128xf32, #tpu.memory_space<vmem>>, vector<1x16xf32>,
        %parallel_loop3A_937 = vector.shape_cast %parallel_loop3A_936 : vector<1x16xf32> to vector<16xf32>
        %parallel_loop3A_938 = arith.addf %parallel_loop3A_932, %parallel_loop3A_937 : vector<16xf32>
        %parallel_loop3A_939 = arith.constant 1 : i32
        %parallel_loop3A_940 = arith.index_cast %parallel_loop3A_939 : i32 to index
        %parallel_loop3A_941 = arith.index_cast %parallel_loop3A_793 : i32 to index
        %parallel_loop3A_942 = arith.constant 112 : index
        %parallel_loop3A_943 = tpu.vector_load %arg7[%parallel_loop3A_940, %parallel_loop3A_941, %parallel_loop3A_942] {strides = array<i32>} : memref<4x64x128xf32, #tpu.memory_space<vmem>>, vector<1x1x16xf32>,
        %parallel_loop3A_944 = vector.shape_cast %parallel_loop3A_943 : vector<1x1x16xf32> to vector<16xf32>
        %parallel_loop3A_945 = vector.shape_cast %parallel_loop3A_938 : vector<16xf32> to vector<1x1x16xf32>
        tpu.vector_store %arg7[%parallel_loop3A_940, %parallel_loop3A_941, %parallel_loop3A_942], %parallel_loop3A_945 {strides = array<i32>} : memref<4x64x128xf32, #tpu.memory_space<vmem>>, vector<1x1x16xf32>,
      } {sc.loop_unroll_factor = 4 : i64, sc.parallel_access}
      %jit3A_411 = arith.constant 4 : i32
      %div3A_412 = arith.divsi %add3A_323, %jit3A_411 : i32
      %sign3A_413 = arith.constant 0 : i32
      %sign3A_414 = arith.cmpi sgt, %add3A_323, %sign3A_413 : i32
      %sign3A_415 = arith.extui %sign3A_414 : i1 to i32
      %sign3A_416 = arith.constant 0 : i32
      %sign3A_417 = arith.cmpi slt, %add3A_323, %sign3A_416 : i32
      %sign3A_418 = arith.extui %sign3A_417 : i1 to i32
      %sign3A_419 = arith.subi %sign3A_415, %sign3A_418 : i32
      %sign3A_420 = arith.constant 0 : i32
      %sign3A_421 = arith.cmpi sgt, %jit3A_411, %sign3A_420 : i32
      %sign3A_422 = arith.extui %sign3A_421 : i1 to i32
      %sign3A_423 = arith.constant 0 : i32
      %sign3A_424 = arith.cmpi slt, %jit3A_411, %sign3A_423 : i32
      %sign3A_425 = arith.extui %sign3A_424 : i1 to i32
      %sign3A_426 = arith.subi %sign3A_422, %sign3A_425 : i32
      %ne3A_427 = arith.cmpi ne, %sign3A_419, %sign3A_426 : i32
      %rem3A_428 = arith.remsi %add3A_323, %jit3A_411 : i32
      %ne3A_429 = arith.constant 0 : i32
      %ne3A_430 = arith.cmpi ne, %rem3A_428, %ne3A_429 : i32
      %and3A_431 = arith.andi %ne3A_427, %ne3A_430 : i1
      %sub3A_432 = arith.constant 1 : i32
      %sub3A_433 = arith.subi %div3A_412, %sub3A_432 : i32
      %select_n3A_434 = arith.select %and3A_431, %sub3A_433, %div3A_412 : i32
      %jit3A_435 = arith.constant 4 : i32
      %eq3A_436 = arith.constant 0 : i32
      %eq3A_437 = arith.cmpi eq, %jit3A_435, %eq3A_436 : i32
      %jit3A_438 = arith.constant 1 : i32
      %select_n3A_439 = arith.select %eq3A_437, %jit3A_438, %jit3A_435 : i32
      %rem3A_440 = arith.remsi %add3A_323, %select_n3A_439 : i32
      %ne3A_441 = arith.constant 0 : i32
      %ne3A_442 = arith.cmpi ne, %rem3A_440, %ne3A_441 : i32
      %lt3A_443 = arith.constant 0 : i32
      %lt3A_444 = arith.cmpi slt, %rem3A_440, %lt3A_443 : i32
      %lt3A_445 = arith.constant 0 : i32
      %lt3A_446 = arith.cmpi slt, %select_n3A_439, %lt3A_445 : i32
      %ne3A_447 = arith.xori %lt3A_444, %lt3A_446 : i1
      %and3A_448 = arith.andi %ne3A_447, %ne3A_442 : i1
      %add3A_449 = arith.addi %rem3A_440, %select_n3A_439 : i32
      %select_n3A_450 = arith.select %and3A_448, %add3A_449, %rem3A_440 : i32
      %mul3A_451 = arith.constant 64 : i32
      %mul3A_452 = arith.muli %select_n3A_450, %mul3A_451 : i32
      %add3A_453 = arith.addi %mul3A_2, %mul3A_452 : i32
      %dma_start3A_454 = arith.constant 1 : i32
      %dma_start3A_455 = arith.constant 1 : i32
      %dma_start3A_456 = arith.constant 0 : i32
      %dma_start3A_457 = arith.constant 0 : i32
      %dma_start3A_458 = tpu.memref_slice %arg7[%dma_start3A_454, %dma_start3A_456, %dma_start3A_457] : memref<4x64x128xf32, #tpu.memory_space<vmem>> -> memref<1x64x128xf32, #tpu.memory_space<vmem>>
      %dma_start3A_459 = tpu.memref_squeeze %dma_start3A_458 : memref<1x64x128xf32, #tpu.memory_space<vmem>> -> memref<64x128xf32, #tpu.memory_space<vmem>>
      %dma_start3A_460 = arith.constant 0 : i32
      %dma_start3A_461 = tpu.memref_slice %arg4[%select_n3A_434, %add3A_453, %dma_start3A_460] : memref<4x8192x128xf32, #tpu.memory_space<hbm>> -> memref<1x64x128xf32, #tpu.memory_space<hbm>>
      %dma_start3A_462 = tpu.memref_squeeze %dma_start3A_461 : memref<1x64x128xf32, #tpu.memory_space<hbm>> -> memref<64x128xf32, #tpu.memory_space<hbm>>
      %dma_start3A_463 = tpu.memref_slice %arg9[%dma_start3A_455] : memref<4x!tpu.dma_semaphore, #tpu.memory_space<semaphore_mem>> -> memref<1x!tpu.dma_semaphore, #tpu.memory_space<semaphore_mem>>
      %dma_start3A_464 = tpu.memref_squeeze %dma_start3A_463 : memref<1x!tpu.dma_semaphore, #tpu.memory_space<semaphore_mem>> -> memref<!tpu.dma_semaphore, #tpu.memory_space<semaphore_mem>>
      %dma_start3A_465 = arith.constant 0 : i32
      %dma_start3A_466 = tpu.memref_slice %arg4[%select_n3A_434, %add3A_453, %dma_start3A_465] : memref<4x8192x128xf32, #tpu.memory_space<hbm>> -> memref<1x64x128xf32, #tpu.memory_space<hbm>>
      %dma_start3A_467 = tpu.memref_squeeze %dma_start3A_466 : memref<1x64x128xf32, #tpu.memory_space<hbm>> -> memref<64x128xf32, #tpu.memory_space<hbm>>
      %dma_start3A_468 = arith.constant 0 : i32
      %dma_start3A_469 = arith.constant 0 : i32
      %dma_start3A_470 = tpu.memref_slice %arg7[%dma_start3A_454, %dma_start3A_468, %dma_start3A_469] : memref<4x64x128xf32, #tpu.memory_space<vmem>> -> memref<1x64x128xf32, #tpu.memory_space<vmem>>
      %dma_start3A_471 = tpu.memref_squeeze %dma_start3A_470 : memref<1x64x128xf32, #tpu.memory_space<vmem>> -> memref<64x128xf32, #tpu.memory_space<vmem>>
      tpu.enqueue_dma source(%dma_start3A_471 : memref<64x128xf32, #tpu.memory_space<vmem>>) target(%dma_start3A_467 : memref<64x128xf32, #tpu.memory_space<hbm>>) target_semaphore(%dma_start3A_464 : memref<!tpu.dma_semaphore, #tpu.memory_space<semaphore_mem>>)
      %add3A_472 = arith.constant 4 : i32
      %add3A_473 = arith.addi %add3A_177, %add3A_472 : i32
      %lt3A_474 = arith.constant 16 : i32
      %lt3A_475 = arith.cmpi slt, %add3A_473, %lt3A_474 : i32
      %convert_element_type3A_476 = arith.extui %lt3A_475 : i1 to i32
      %cond3A_477 = arith.constant 0 : i32
      %cond3A_478 = arith.cmpi ne, %convert_element_type3A_476, %cond3A_477 : i32
      scf.if %cond3A_478 {
        %add3A_793 = arith.constant 4 : i32
        %add3A_794 = arith.addi %add3A_323, %add3A_793 : i32
        %jit3A_795 = arith.constant 4 : i32
        %div3A_796 = arith.divsi %add3A_794, %jit3A_795 : i32
        %sign3A_797 = arith.constant 0 : i32
        %sign3A_798 = arith.cmpi sgt, %add3A_794, %sign3A_797 : i32
        %sign3A_799 = arith.extui %sign3A_798 : i1 to i32
        %sign3A_800 = arith.constant 0 : i32
        %sign3A_801 = arith.cmpi slt, %add3A_794, %sign3A_800 : i32
        %sign3A_802 = arith.extui %sign3A_801 : i1 to i32
        %sign3A_803 = arith.subi %sign3A_799, %sign3A_802 : i32
        %sign3A_804 = arith.constant 0 : i32
        %sign3A_805 = arith.cmpi sgt, %jit3A_795, %sign3A_804 : i32
        %sign3A_806 = arith.extui %sign3A_805 : i1 to i32
        %sign3A_807 = arith.constant 0 : i32
        %sign3A_808 = arith.cmpi slt, %jit3A_795, %sign3A_807 : i32
        %sign3A_809 = arith.extui %sign3A_808 : i1 to i32
        %sign3A_810 = arith.subi %sign3A_806, %sign3A_809 : i32
        %ne3A_811 = arith.cmpi ne, %sign3A_803, %sign3A_810 : i32
        %rem3A_812 = arith.remsi %add3A_794, %jit3A_795 : i32
        %ne3A_813 = arith.constant 0 : i32
        %ne3A_814 = arith.cmpi ne, %rem3A_812, %ne3A_813 : i32
        %and3A_815 = arith.andi %ne3A_811, %ne3A_814 : i1
        %sub3A_816 = arith.constant 1 : i32
        %sub3A_817 = arith.subi %div3A_796, %sub3A_816 : i32
        %select_n3A_818 = arith.select %and3A_815, %sub3A_817, %div3A_796 : i32
        %jit3A_819 = arith.constant 4 : i32
        %eq3A_820 = arith.constant 0 : i32
        %eq3A_821 = arith.cmpi eq, %jit3A_819, %eq3A_820 : i32
        %jit3A_822 = arith.constant 1 : i32
        %select_n3A_823 = arith.select %eq3A_821, %jit3A_822, %jit3A_819 : i32
        %rem3A_824 = arith.remsi %add3A_794, %select_n3A_823 : i32
        %ne3A_825 = arith.constant 0 : i32
        %ne3A_826 = arith.cmpi ne, %rem3A_824, %ne3A_825 : i32
        %lt3A_827 = arith.constant 0 : i32
        %lt3A_828 = arith.cmpi slt, %rem3A_824, %lt3A_827 : i32
        %lt3A_829 = arith.constant 0 : i32
        %lt3A_830 = arith.cmpi slt, %select_n3A_823, %lt3A_829 : i32
        %ne3A_831 = arith.xori %lt3A_828, %lt3A_830 : i1
        %and3A_832 = arith.andi %ne3A_831, %ne3A_826 : i1
        %add3A_833 = arith.addi %rem3A_824, %select_n3A_823 : i32
        %select_n3A_834 = arith.select %and3A_832, %add3A_833, %rem3A_824 : i32
        %mul3A_835 = arith.constant 64 : i32
        %mul3A_836 = arith.muli %select_n3A_834, %mul3A_835 : i32
        %add3A_837 = arith.addi %mul3A_2, %mul3A_836 : i32
        %dma_start3A_838 = arith.constant 1 : i32
        %dma_start3A_839 = arith.constant 1 : i32
        %dma_start3A_840 = arith.constant 0 : i32
        %dma_start3A_841 = arith.constant 0 : i32
        %dma_start3A_842 = tpu.memref_slice %arg6[%dma_start3A_838, %dma_start3A_840, %dma_start3A_841] : memref<4x64x128xf32, #tpu.memory_space<vmem>> -> memref<1x64x128xf32, #tpu.memory_space<vmem>>
        %dma_start3A_843 = tpu.memref_squeeze %dma_start3A_842 : memref<1x64x128xf32, #tpu.memory_space<vmem>> -> memref<64x128xf32, #tpu.memory_space<vmem>>
        %dma_start3A_844 = arith.constant 0 : i32
        %dma_start3A_845 = tpu.memref_slice %arg2[%select_n3A_818, %add3A_837, %dma_start3A_844] : memref<4x8192x128xf32, #tpu.memory_space<hbm>> -> memref<1x64x128xf32, #tpu.memory_space<hbm>>
        %dma_start3A_846 = tpu.memref_squeeze %dma_start3A_845 : memref<1x64x128xf32, #tpu.memory_space<hbm>> -> memref<64x128xf32, #tpu.memory_space<hbm>>
        %dma_start3A_847 = tpu.memref_slice %arg8[%dma_start3A_839] : memref<4x!tpu.dma_semaphore, #tpu.memory_space<semaphore_mem>> -> memref<1x!tpu.dma_semaphore, #tpu.memory_space<semaphore_mem>>
        %dma_start3A_848 = tpu.memref_squeeze %dma_start3A_847 : memref<1x!tpu.dma_semaphore, #tpu.memory_space<semaphore_mem>> -> memref<!tpu.dma_semaphore, #tpu.memory_space<semaphore_mem>>
        %dma_start3A_849 = arith.constant 0 : i32
        %dma_start3A_850 = arith.constant 0 : i32
        %dma_start3A_851 = tpu.memref_slice %arg6[%dma_start3A_838, %dma_start3A_849, %dma_start3A_850] : memref<4x64x128xf32, #tpu.memory_space<vmem>> -> memref<1x64x128xf32, #tpu.memory_space<vmem>>
        %dma_start3A_852 = tpu.memref_squeeze %dma_start3A_851 : memref<1x64x128xf32, #tpu.memory_space<vmem>> -> memref<64x128xf32, #tpu.memory_space<vmem>>
        %dma_start3A_853 = arith.constant 0 : i32
        %dma_start3A_854 = tpu.memref_slice %arg2[%select_n3A_818, %add3A_837, %dma_start3A_853] : memref<4x8192x128xf32, #tpu.memory_space<hbm>> -> memref<1x64x128xf32, #tpu.memory_space<hbm>>
        %dma_start3A_855 = tpu.memref_squeeze %dma_start3A_854 : memref<1x64x128xf32, #tpu.memory_space<hbm>> -> memref<64x128xf32, #tpu.memory_space<hbm>>
        tpu.enqueue_dma source(%dma_start3A_855 : memref<64x128xf32, #tpu.memory_space<hbm>>) target(%dma_start3A_852 : memref<64x128xf32, #tpu.memory_space<vmem>>) target_semaphore(%dma_start3A_848 : memref<!tpu.dma_semaphore, #tpu.memory_space<semaphore_mem>>)
      } else {
      }
      %add3A_479 = arith.constant 2 : i32
      %add3A_480 = arith.addi %add3A_177, %add3A_479 : i32
      %jit3A_481 = arith.constant 4 : i32
      %div3A_482 = arith.divsi %add3A_480, %jit3A_481 : i32
      %sign3A_483 = arith.constant 0 : i32
      %sign3A_484 = arith.cmpi sgt, %add3A_480, %sign3A_483 : i32
      %sign3A_485 = arith.extui %sign3A_484 : i1 to i32
      %sign3A_486 = arith.constant 0 : i32
      %sign3A_487 = arith.cmpi slt, %add3A_480, %sign3A_486 : i32
      %sign3A_488 = arith.extui %sign3A_487 : i1 to i32
      %sign3A_489 = arith.subi %sign3A_485, %sign3A_488 : i32
      %sign3A_490 = arith.constant 0 : i32
      %sign3A_491 = arith.cmpi sgt, %jit3A_481, %sign3A_490 : i32
      %sign3A_492 = arith.extui %sign3A_491 : i1 to i32
      %sign3A_493 = arith.constant 0 : i32
      %sign3A_494 = arith.cmpi slt, %jit3A_481, %sign3A_493 : i32
      %sign3A_495 = arith.extui %sign3A_494 : i1 to i32
      %sign3A_496 = arith.subi %sign3A_492, %sign3A_495 : i32
      %ne3A_497 = arith.cmpi ne, %sign3A_489, %sign3A_496 : i32
      %rem3A_498 = arith.remsi %add3A_480, %jit3A_481 : i32
      %ne3A_499 = arith.constant 0 : i32
      %ne3A_500 = arith.cmpi ne, %rem3A_498, %ne3A_499 : i32
      %and3A_501 = arith.andi %ne3A_497, %ne3A_500 : i1
      %sub3A_502 = arith.constant 1 : i32
      %sub3A_503 = arith.subi %div3A_482, %sub3A_502 : i32
      %select_n3A_504 = arith.select %and3A_501, %sub3A_503, %div3A_482 : i32
      %jit3A_505 = arith.constant 4 : i32
      %eq3A_506 = arith.constant 0 : i32
      %eq3A_507 = arith.cmpi eq, %jit3A_505, %eq3A_506 : i32
      %jit3A_508 = arith.constant 1 : i32
      %select_n3A_509 = arith.select %eq3A_507, %jit3A_508, %jit3A_505 : i32
      %rem3A_510 = arith.remsi %add3A_480, %select_n3A_509 : i32
      %ne3A_511 = arith.constant 0 : i32
      %ne3A_512 = arith.cmpi ne, %rem3A_510, %ne3A_511 : i32
      %lt3A_513 = arith.constant 0 : i32
      %lt3A_514 = arith.cmpi slt, %rem3A_510, %lt3A_513 : i32
      %lt3A_515 = arith.constant 0 : i32
      %lt3A_516 = arith.cmpi slt, %select_n3A_509, %lt3A_515 : i32
      %ne3A_517 = arith.xori %lt3A_514, %lt3A_516 : i1
      %and3A_518 = arith.andi %ne3A_517, %ne3A_512 : i1
      %add3A_519 = arith.addi %rem3A_510, %select_n3A_509 : i32
      %select_n3A_520 = arith.select %and3A_518, %add3A_519, %rem3A_510 : i32
      %mul3A_521 = arith.constant 64 : i32
      %mul3A_522 = arith.muli %select_n3A_520, %mul3A_521 : i32
      %add3A_523 = arith.addi %mul3A_2, %mul3A_522 : i32
      %dma_wait3A_524 = arith.constant 2 : i32
      %dma_wait3A_525 = arith.constant 2 : i32
      %dma_wait3A_526 = arith.constant 0 : i32
      %dma_wait3A_527 = arith.constant 0 : i32
      %dma_wait3A_528 = tpu.memref_slice %arg6[%dma_wait3A_524, %dma_wait3A_526, %dma_wait3A_527] : memref<4x64x128xf32, #tpu.memory_space<vmem>> -> memref<1x64x128xf32, #tpu.memory_space<vmem>>
      %dma_wait3A_529 = tpu.memref_squeeze %dma_wait3A_528 : memref<1x64x128xf32, #tpu.memory_space<vmem>> -> memref<64x128xf32, #tpu.memory_space<vmem>>
      %dma_wait3A_530 = arith.constant 0 : i32
      %dma_wait3A_531 = tpu.memref_slice %arg2[%select_n3A_504, %add3A_523, %dma_wait3A_530] : memref<4x8192x128xf32, #tpu.memory_space<hbm>> -> memref<1x64x128xf32, #tpu.memory_space<hbm>>
      %dma_wait3A_532 = tpu.memref_squeeze %dma_wait3A_531 : memref<1x64x128xf32, #tpu.memory_space<hbm>> -> memref<64x128xf32, #tpu.memory_space<hbm>>
      %dma_wait3A_533 = tpu.memref_slice %arg8[%dma_wait3A_525] : memref<4x!tpu.dma_semaphore, #tpu.memory_space<semaphore_mem>> -> memref<1x!tpu.dma_semaphore, #tpu.memory_space<semaphore_mem>>
      %dma_wait3A_534 = tpu.memref_squeeze %dma_wait3A_533 : memref<1x!tpu.dma_semaphore, #tpu.memory_space<semaphore_mem>> -> memref<!tpu.dma_semaphore, #tpu.memory_space<semaphore_mem>>
      %dma_wait3A_535 = arith.constant 0 : i32
      %dma_wait3A_536 = arith.constant 0 : i32
      %dma_wait3A_537 = tpu.memref_slice %arg6[%dma_wait3A_524, %dma_wait3A_535, %dma_wait3A_536] : memref<4x64x128xf32, #tpu.memory_space<vmem>> -> memref<1x64x128xf32, #tpu.memory_space<vmem>>
      %dma_wait3A_538 = tpu.memref_squeeze %dma_wait3A_537 : memref<1x64x128xf32, #tpu.memory_space<vmem>> -> memref<64x128xf32, #tpu.memory_space<vmem>>
      %dma_wait3A_539 = arith.constant 0 : i32
      %dma_wait3A_540 = tpu.memref_slice %arg2[%select_n3A_504, %add3A_523, %dma_wait3A_539] : memref<4x8192x128xf32, #tpu.memory_space<hbm>> -> memref<1x64x128xf32, #tpu.memory_space<hbm>>
      %dma_wait3A_541 = tpu.memref_squeeze %dma_wait3A_540 : memref<1x64x128xf32, #tpu.memory_space<hbm>> -> memref<64x128xf32, #tpu.memory_space<hbm>>
      tpu.wait_dma2 semaphore(%dma_wait3A_534 : memref<!tpu.dma_semaphore, #tpu.memory_space<semaphore_mem>>) src(%dma_wait3A_541 : memref<64x128xf32, #tpu.memory_space<hbm>>) dst(%dma_wait3A_538 : memref<64x128xf32, #tpu.memory_space<vmem>>)
      %ne3A_542 = arith.constant 0 : i32
      %ne3A_543 = arith.cmpi ne, %add3A_177, %ne3A_542 : i32
      %convert_element_type3A_544 = arith.extui %ne3A_543 : i1 to i32
      %cond3A_545 = arith.constant 0 : i32
      %cond3A_546 = arith.cmpi ne, %convert_element_type3A_544, %cond3A_545 : i32
      scf.if %cond3A_546 {
        %sub3A_793 = arith.constant 4 : i32
        %sub3A_794 = arith.subi %add3A_480, %sub3A_793 : i32
        %jit3A_795 = arith.constant 4 : i32
        %div3A_796 = arith.divsi %sub3A_794, %jit3A_795 : i32
        %sign3A_797 = arith.constant 0 : i32
        %sign3A_798 = arith.cmpi sgt, %sub3A_794, %sign3A_797 : i32
        %sign3A_799 = arith.extui %sign3A_798 : i1 to i32
        %sign3A_800 = arith.constant 0 : i32
        %sign3A_801 = arith.cmpi slt, %sub3A_794, %sign3A_800 : i32
        %sign3A_802 = arith.extui %sign3A_801 : i1 to i32
        %sign3A_803 = arith.subi %sign3A_799, %sign3A_802 : i32
        %sign3A_804 = arith.constant 0 : i32
        %sign3A_805 = arith.cmpi sgt, %jit3A_795, %sign3A_804 : i32
        %sign3A_806 = arith.extui %sign3A_805 : i1 to i32
        %sign3A_807 = arith.constant 0 : i32
        %sign3A_808 = arith.cmpi slt, %jit3A_795, %sign3A_807 : i32
        %sign3A_809 = arith.extui %sign3A_808 : i1 to i32
        %sign3A_810 = arith.subi %sign3A_806, %sign3A_809 : i32
        %ne3A_811 = arith.cmpi ne, %sign3A_803, %sign3A_810 : i32
        %rem3A_812 = arith.remsi %sub3A_794, %jit3A_795 : i32
        %ne3A_813 = arith.constant 0 : i32
        %ne3A_814 = arith.cmpi ne, %rem3A_812, %ne3A_813 : i32
        %and3A_815 = arith.andi %ne3A_811, %ne3A_814 : i1
        %sub3A_816 = arith.constant 1 : i32
        %sub3A_817 = arith.subi %div3A_796, %sub3A_816 : i32
        %select_n3A_818 = arith.select %and3A_815, %sub3A_817, %div3A_796 : i32
        %jit3A_819 = arith.constant 4 : i32
        %eq3A_820 = arith.constant 0 : i32
        %eq3A_821 = arith.cmpi eq, %jit3A_819, %eq3A_820 : i32
        %jit3A_822 = arith.constant 1 : i32
        %select_n3A_823 = arith.select %eq3A_821, %jit3A_822, %jit3A_819 : i32
        %rem3A_824 = arith.remsi %sub3A_794, %select_n3A_823 : i32
        %ne3A_825 = arith.constant 0 : i32
        %ne3A_826 = arith.cmpi ne, %rem3A_824, %ne3A_825 : i32
        %lt3A_827 = arith.constant 0 : i32
        %lt3A_828 = arith.cmpi slt, %rem3A_824, %lt3A_827 : i32
        %lt3A_829 = arith.constant 0 : i32
        %lt3A_830 = arith.cmpi slt, %select_n3A_823, %lt3A_829 : i32
        %ne3A_831 = arith.xori %lt3A_828, %lt3A_830 : i1
        %and3A_832 = arith.andi %ne3A_831, %ne3A_826 : i1
        %add3A_833 = arith.addi %rem3A_824, %select_n3A_823 : i32
        %select_n3A_834 = arith.select %and3A_832, %add3A_833, %rem3A_824 : i32
        %mul3A_835 = arith.constant 64 : i32
        %mul3A_836 = arith.muli %select_n3A_834, %mul3A_835 : i32
        %add3A_837 = arith.addi %mul3A_2, %mul3A_836 : i32
        %dma_wait3A_838 = arith.constant 2 : i32
        %dma_wait3A_839 = arith.constant 2 : i32
        %dma_wait3A_840 = arith.constant 0 : i32
        %dma_wait3A_841 = arith.constant 0 : i32
        %dma_wait3A_842 = tpu.memref_slice %arg7[%dma_wait3A_838, %dma_wait3A_840, %dma_wait3A_841] : memref<4x64x128xf32, #tpu.memory_space<vmem>> -> memref<1x64x128xf32, #tpu.memory_space<vmem>>
        %dma_wait3A_843 = tpu.memref_squeeze %dma_wait3A_842 : memref<1x64x128xf32, #tpu.memory_space<vmem>> -> memref<64x128xf32, #tpu.memory_space<vmem>>
        %dma_wait3A_844 = arith.constant 0 : i32
        %dma_wait3A_845 = tpu.memref_slice %arg4[%select_n3A_818, %add3A_837, %dma_wait3A_844] : memref<4x8192x128xf32, #tpu.memory_space<hbm>> -> memref<1x64x128xf32, #tpu.memory_space<hbm>>
        %dma_wait3A_846 = tpu.memref_squeeze %dma_wait3A_845 : memref<1x64x128xf32, #tpu.memory_space<hbm>> -> memref<64x128xf32, #tpu.memory_space<hbm>>
        %dma_wait3A_847 = tpu.memref_slice %arg9[%dma_wait3A_839] : memref<4x!tpu.dma_semaphore, #tpu.memory_space<semaphore_mem>> -> memref<1x!tpu.dma_semaphore, #tpu.memory_space<semaphore_mem>>
        %dma_wait3A_848 = tpu.memref_squeeze %dma_wait3A_847 : memref<1x!tpu.dma_semaphore, #tpu.memory_space<semaphore_mem>> -> memref<!tpu.dma_semaphore, #tpu.memory_space<semaphore_mem>>
        %dma_wait3A_849 = arith.constant 0 : i32
        %dma_wait3A_850 = tpu.memref_slice %arg4[%select_n3A_818, %add3A_837, %dma_wait3A_849] : memref<4x8192x128xf32, #tpu.memory_space<hbm>> -> memref<1x64x128xf32, #tpu.memory_space<hbm>>
        %dma_wait3A_851 = tpu.memref_squeeze %dma_wait3A_850 : memref<1x64x128xf32, #tpu.memory_space<hbm>> -> memref<64x128xf32, #tpu.memory_space<hbm>>
        %dma_wait3A_852 = arith.constant 0 : i32
        %dma_wait3A_853 = arith.constant 0 : i32
        %dma_wait3A_854 = tpu.memref_slice %arg7[%dma_wait3A_838, %dma_wait3A_852, %dma_wait3A_853] : memref<4x64x128xf32, #tpu.memory_space<vmem>> -> memref<1x64x128xf32, #tpu.memory_space<vmem>>
        %dma_wait3A_855 = tpu.memref_squeeze %dma_wait3A_854 : memref<1x64x128xf32, #tpu.memory_space<vmem>> -> memref<64x128xf32, #tpu.memory_space<vmem>>
        tpu.wait_dma2 semaphore(%dma_wait3A_848 : memref<!tpu.dma_semaphore, #tpu.memory_space<semaphore_mem>>) src(%dma_wait3A_855 : memref<64x128xf32, #tpu.memory_space<vmem>>) dst(%dma_wait3A_851 : memref<64x128xf32, #tpu.memory_space<hbm>>)
      } else {
      }
      %jit3A_547 = arith.constant 4 : i32
      %eq3A_548 = arith.constant 0 : i32
      %eq3A_549 = arith.cmpi eq, %jit3A_547, %eq3A_548 : i32
      %jit3A_550 = arith.constant 1 : i32
      %select_n3A_551 = arith.select %eq3A_549, %jit3A_550, %jit3A_547 : i32
      %rem3A_552 = arith.remsi %add3A_480, %select_n3A_551 : i32
      %ne3A_553 = arith.constant 0 : i32
      %ne3A_554 = arith.cmpi ne, %rem3A_552, %ne3A_553 : i32
      %lt3A_555 = arith.constant 0 : i32
      %lt3A_556 = arith.cmpi slt, %rem3A_552, %lt3A_555 : i32
      %lt3A_557 = arith.constant 0 : i32
      %lt3A_558 = arith.cmpi slt, %select_n3A_551, %lt3A_557 : i32
      %ne3A_559 = arith.xori %lt3A_556, %lt3A_558 : i1
      %and3A_560 = arith.andi %ne3A_559, %ne3A_554 : i1
      %add3A_561 = arith.addi %rem3A_552, %select_n3A_551 : i32
      %select_n3A_562 = arith.select %and3A_560, %add3A_561, %rem3A_552 : i32
      %mul3A_563 = arith.constant 64 : i32
      %mul3A_564 = arith.muli %select_n3A_562, %mul3A_563 : i32
      %parallel_loop3A_565 = arith.constant 0 : i32
      %parallel_loop3A_566 = arith.constant 64 : i32
      %parallel_loop3A_567 = arith.constant 1 : i32
      scf.for %parallel_loop3A_793 = %parallel_loop3A_565 to %parallel_loop3A_566 step %parallel_loop3A_567  : i32 {
        %parallel_loop3A_794 = arith.constant 2 : i32
        %parallel_loop3A_795 = arith.index_cast %parallel_loop3A_794 : i32 to index
        %parallel_loop3A_796 = arith.index_cast %parallel_loop3A_793 : i32 to index
        %parallel_loop3A_797 = arith.constant 0 : index
        %parallel_loop3A_798 = tpu.vector_load %arg6[%parallel_loop3A_795, %parallel_loop3A_796, %parallel_loop3A_797] {strides = array<i32>} : memref<4x64x128xf32, #tpu.memory_space<vmem>>, vector<1x1x16xf32>,
        %parallel_loop3A_799 = vector.shape_cast %parallel_loop3A_798 : vector<1x1x16xf32> to vector<16xf32>
        %parallel_loop3A_800 = arith.addi %mul3A_564, %parallel_loop3A_793 : i32
        %parallel_loop3A_801 = arith.index_cast %parallel_loop3A_800 : i32 to index
        %parallel_loop3A_802 = arith.constant 0 : index
        %parallel_loop3A_803 = tpu.vector_load %arg5[%parallel_loop3A_801, %parallel_loop3A_802] {strides = array<i32>} : memref<256x128xf32, #tpu.memory_space<vmem>>, vector<1x16xf32>,
        %parallel_loop3A_804 = vector.shape_cast %parallel_loop3A_803 : vector<1x16xf32> to vector<16xf32>
        %parallel_loop3A_805 = arith.addf %parallel_loop3A_799, %parallel_loop3A_804 : vector<16xf32>
        %parallel_loop3A_806 = arith.constant 2 : i32
        %parallel_loop3A_807 = arith.index_cast %parallel_loop3A_806 : i32 to index
        %parallel_loop3A_808 = arith.index_cast %parallel_loop3A_793 : i32 to index
        %parallel_loop3A_809 = arith.constant 0 : index
        %parallel_loop3A_810 = tpu.vector_load %arg7[%parallel_loop3A_807, %parallel_loop3A_808, %parallel_loop3A_809] {strides = array<i32>} : memref<4x64x128xf32, #tpu.memory_space<vmem>>, vector<1x1x16xf32>,
        %parallel_loop3A_811 = vector.shape_cast %parallel_loop3A_810 : vector<1x1x16xf32> to vector<16xf32>
        %parallel_loop3A_812 = vector.shape_cast %parallel_loop3A_805 : vector<16xf32> to vector<1x1x16xf32>
        tpu.vector_store %arg7[%parallel_loop3A_807, %parallel_loop3A_808, %parallel_loop3A_809], %parallel_loop3A_812 {strides = array<i32>} : memref<4x64x128xf32, #tpu.memory_space<vmem>>, vector<1x1x16xf32>,
        %parallel_loop3A_813 = arith.constant 2 : i32
        %parallel_loop3A_814 = arith.index_cast %parallel_loop3A_813 : i32 to index
        %parallel_loop3A_815 = arith.index_cast %parallel_loop3A_793 : i32 to index
        %parallel_loop3A_816 = arith.constant 16 : index
        %parallel_loop3A_817 = tpu.vector_load %arg6[%parallel_loop3A_814, %parallel_loop3A_815, %parallel_loop3A_816] {strides = array<i32>} : memref<4x64x128xf32, #tpu.memory_space<vmem>>, vector<1x1x16xf32>,
        %parallel_loop3A_818 = vector.shape_cast %parallel_loop3A_817 : vector<1x1x16xf32> to vector<16xf32>
        %parallel_loop3A_819 = arith.addi %mul3A_564, %parallel_loop3A_793 : i32
        %parallel_loop3A_820 = arith.index_cast %parallel_loop3A_819 : i32 to index
        %parallel_loop3A_821 = arith.constant 16 : index
        %parallel_loop3A_822 = tpu.vector_load %arg5[%parallel_loop3A_820, %parallel_loop3A_821] {strides = array<i32>} : memref<256x128xf32, #tpu.memory_space<vmem>>, vector<1x16xf32>,
        %parallel_loop3A_823 = vector.shape_cast %parallel_loop3A_822 : vector<1x16xf32> to vector<16xf32>
        %parallel_loop3A_824 = arith.addf %parallel_loop3A_818, %parallel_loop3A_823 : vector<16xf32>
        %parallel_loop3A_825 = arith.constant 2 : i32
        %parallel_loop3A_826 = arith.index_cast %parallel_loop3A_825 : i32 to index
        %parallel_loop3A_827 = arith.index_cast %parallel_loop3A_793 : i32 to index
        %parallel_loop3A_828 = arith.constant 16 : index
        %parallel_loop3A_829 = tpu.vector_load %arg7[%parallel_loop3A_826, %parallel_loop3A_827, %parallel_loop3A_828] {strides = array<i32>} : memref<4x64x128xf32, #tpu.memory_space<vmem>>, vector<1x1x16xf32>,
        %parallel_loop3A_830 = vector.shape_cast %parallel_loop3A_829 : vector<1x1x16xf32> to vector<16xf32>
        %parallel_loop3A_831 = vector.shape_cast %parallel_loop3A_824 : vector<16xf32> to vector<1x1x16xf32>
        tpu.vector_store %arg7[%parallel_loop3A_826, %parallel_loop3A_827, %parallel_loop3A_828], %parallel_loop3A_831 {strides = array<i32>} : memref<4x64x128xf32, #tpu.memory_space<vmem>>, vector<1x1x16xf32>,
        %parallel_loop3A_832 = arith.constant 2 : i32
        %parallel_loop3A_833 = arith.index_cast %parallel_loop3A_832 : i32 to index
        %parallel_loop3A_834 = arith.index_cast %parallel_loop3A_793 : i32 to index
        %parallel_loop3A_835 = arith.constant 32 : index
        %parallel_loop3A_836 = tpu.vector_load %arg6[%parallel_loop3A_833, %parallel_loop3A_834, %parallel_loop3A_835] {strides = array<i32>} : memref<4x64x128xf32, #tpu.memory_space<vmem>>, vector<1x1x16xf32>,
        %parallel_loop3A_837 = vector.shape_cast %parallel_loop3A_836 : vector<1x1x16xf32> to vector<16xf32>
        %parallel_loop3A_838 = arith.addi %mul3A_564, %parallel_loop3A_793 : i32
        %parallel_loop3A_839 = arith.index_cast %parallel_loop3A_838 : i32 to index
        %parallel_loop3A_840 = arith.constant 32 : index
        %parallel_loop3A_841 = tpu.vector_load %arg5[%parallel_loop3A_839, %parallel_loop3A_840] {strides = array<i32>} : memref<256x128xf32, #tpu.memory_space<vmem>>, vector<1x16xf32>,
        %parallel_loop3A_842 = vector.shape_cast %parallel_loop3A_841 : vector<1x16xf32> to vector<16xf32>
        %parallel_loop3A_843 = arith.addf %parallel_loop3A_837, %parallel_loop3A_842 : vector<16xf32>
        %parallel_loop3A_844 = arith.constant 2 : i32
        %parallel_loop3A_845 = arith.index_cast %parallel_loop3A_844 : i32 to index
        %parallel_loop3A_846 = arith.index_cast %parallel_loop3A_793 : i32 to index
        %parallel_loop3A_847 = arith.constant 32 : index
        %parallel_loop3A_848 = tpu.vector_load %arg7[%parallel_loop3A_845, %parallel_loop3A_846, %parallel_loop3A_847] {strides = array<i32>} : memref<4x64x128xf32, #tpu.memory_space<vmem>>, vector<1x1x16xf32>,
        %parallel_loop3A_849 = vector.shape_cast %parallel_loop3A_848 : vector<1x1x16xf32> to vector<16xf32>
        %parallel_loop3A_850 = vector.shape_cast %parallel_loop3A_843 : vector<16xf32> to vector<1x1x16xf32>
        tpu.vector_store %arg7[%parallel_loop3A_845, %parallel_loop3A_846, %parallel_loop3A_847], %parallel_loop3A_850 {strides = array<i32>} : memref<4x64x128xf32, #tpu.memory_space<vmem>>, vector<1x1x16xf32>,
        %parallel_loop3A_851 = arith.constant 2 : i32
        %parallel_loop3A_852 = arith.index_cast %parallel_loop3A_851 : i32 to index
        %parallel_loop3A_853 = arith.index_cast %parallel_loop3A_793 : i32 to index
        %parallel_loop3A_854 = arith.constant 48 : index
        %parallel_loop3A_855 = tpu.vector_load %arg6[%parallel_loop3A_852, %parallel_loop3A_853, %parallel_loop3A_854] {strides = array<i32>} : memref<4x64x128xf32, #tpu.memory_space<vmem>>, vector<1x1x16xf32>,
        %parallel_loop3A_856 = vector.shape_cast %parallel_loop3A_855 : vector<1x1x16xf32> to vector<16xf32>
        %parallel_loop3A_857 = arith.addi %mul3A_564, %parallel_loop3A_793 : i32
        %parallel_loop3A_858 = arith.index_cast %parallel_loop3A_857 : i32 to index
        %parallel_loop3A_859 = arith.constant 48 : index
        %parallel_loop3A_860 = tpu.vector_load %arg5[%parallel_loop3A_858, %parallel_loop3A_859] {strides = array<i32>} : memref<256x128xf32, #tpu.memory_space<vmem>>, vector<1x16xf32>,
        %parallel_loop3A_861 = vector.shape_cast %parallel_loop3A_860 : vector<1x16xf32> to vector<16xf32>
        %parallel_loop3A_862 = arith.addf %parallel_loop3A_856, %parallel_loop3A_861 : vector<16xf32>
        %parallel_loop3A_863 = arith.constant 2 : i32
        %parallel_loop3A_864 = arith.index_cast %parallel_loop3A_863 : i32 to index
        %parallel_loop3A_865 = arith.index_cast %parallel_loop3A_793 : i32 to index
        %parallel_loop3A_866 = arith.constant 48 : index
        %parallel_loop3A_867 = tpu.vector_load %arg7[%parallel_loop3A_864, %parallel_loop3A_865, %parallel_loop3A_866] {strides = array<i32>} : memref<4x64x128xf32, #tpu.memory_space<vmem>>, vector<1x1x16xf32>,
        %parallel_loop3A_868 = vector.shape_cast %parallel_loop3A_867 : vector<1x1x16xf32> to vector<16xf32>
        %parallel_loop3A_869 = vector.shape_cast %parallel_loop3A_862 : vector<16xf32> to vector<1x1x16xf32>
        tpu.vector_store %arg7[%parallel_loop3A_864, %parallel_loop3A_865, %parallel_loop3A_866], %parallel_loop3A_869 {strides = array<i32>} : memref<4x64x128xf32, #tpu.memory_space<vmem>>, vector<1x1x16xf32>,
        %parallel_loop3A_870 = arith.constant 2 : i32
        %parallel_loop3A_871 = arith.index_cast %parallel_loop3A_870 : i32 to index
        %parallel_loop3A_872 = arith.index_cast %parallel_loop3A_793 : i32 to index
        %parallel_loop3A_873 = arith.constant 64 : index
        %parallel_loop3A_874 = tpu.vector_load %arg6[%parallel_loop3A_871, %parallel_loop3A_872, %parallel_loop3A_873] {strides = array<i32>} : memref<4x64x128xf32, #tpu.memory_space<vmem>>, vector<1x1x16xf32>,
        %parallel_loop3A_875 = vector.shape_cast %parallel_loop3A_874 : vector<1x1x16xf32> to vector<16xf32>
        %parallel_loop3A_876 = arith.addi %mul3A_564, %parallel_loop3A_793 : i32
        %parallel_loop3A_877 = arith.index_cast %parallel_loop3A_876 : i32 to index
        %parallel_loop3A_878 = arith.constant 64 : index
        %parallel_loop3A_879 = tpu.vector_load %arg5[%parallel_loop3A_877, %parallel_loop3A_878] {strides = array<i32>} : memref<256x128xf32, #tpu.memory_space<vmem>>, vector<1x16xf32>,
        %parallel_loop3A_880 = vector.shape_cast %parallel_loop3A_879 : vector<1x16xf32> to vector<16xf32>
        %parallel_loop3A_881 = arith.addf %parallel_loop3A_875, %parallel_loop3A_880 : vector<16xf32>
        %parallel_loop3A_882 = arith.constant 2 : i32
        %parallel_loop3A_883 = arith.index_cast %parallel_loop3A_882 : i32 to index
        %parallel_loop3A_884 = arith.index_cast %parallel_loop3A_793 : i32 to index
        %parallel_loop3A_885 = arith.constant 64 : index
        %parallel_loop3A_886 = tpu.vector_load %arg7[%parallel_loop3A_883, %parallel_loop3A_884, %parallel_loop3A_885] {strides = array<i32>} : memref<4x64x128xf32, #tpu.memory_space<vmem>>, vector<1x1x16xf32>,
        %parallel_loop3A_887 = vector.shape_cast %parallel_loop3A_886 : vector<1x1x16xf32> to vector<16xf32>
        %parallel_loop3A_888 = vector.shape_cast %parallel_loop3A_881 : vector<16xf32> to vector<1x1x16xf32>
        tpu.vector_store %arg7[%parallel_loop3A_883, %parallel_loop3A_884, %parallel_loop3A_885], %parallel_loop3A_888 {strides = array<i32>} : memref<4x64x128xf32, #tpu.memory_space<vmem>>, vector<1x1x16xf32>,
        %parallel_loop3A_889 = arith.constant 2 : i32
        %parallel_loop3A_890 = arith.index_cast %parallel_loop3A_889 : i32 to index
        %parallel_loop3A_891 = arith.index_cast %parallel_loop3A_793 : i32 to index
        %parallel_loop3A_892 = arith.constant 80 : index
        %parallel_loop3A_893 = tpu.vector_load %arg6[%parallel_loop3A_890, %parallel_loop3A_891, %parallel_loop3A_892] {strides = array<i32>} : memref<4x64x128xf32, #tpu.memory_space<vmem>>, vector<1x1x16xf32>,
        %parallel_loop3A_894 = vector.shape_cast %parallel_loop3A_893 : vector<1x1x16xf32> to vector<16xf32>
        %parallel_loop3A_895 = arith.addi %mul3A_564, %parallel_loop3A_793 : i32
        %parallel_loop3A_896 = arith.index_cast %parallel_loop3A_895 : i32 to index
        %parallel_loop3A_897 = arith.constant 80 : index
        %parallel_loop3A_898 = tpu.vector_load %arg5[%parallel_loop3A_896, %parallel_loop3A_897] {strides = array<i32>} : memref<256x128xf32, #tpu.memory_space<vmem>>, vector<1x16xf32>,
        %parallel_loop3A_899 = vector.shape_cast %parallel_loop3A_898 : vector<1x16xf32> to vector<16xf32>
        %parallel_loop3A_900 = arith.addf %parallel_loop3A_894, %parallel_loop3A_899 : vector<16xf32>
        %parallel_loop3A_901 = arith.constant 2 : i32
        %parallel_loop3A_902 = arith.index_cast %parallel_loop3A_901 : i32 to index
        %parallel_loop3A_903 = arith.index_cast %parallel_loop3A_793 : i32 to index
        %parallel_loop3A_904 = arith.constant 80 : index
        %parallel_loop3A_905 = tpu.vector_load %arg7[%parallel_loop3A_902, %parallel_loop3A_903, %parallel_loop3A_904] {strides = array<i32>} : memref<4x64x128xf32, #tpu.memory_space<vmem>>, vector<1x1x16xf32>,
        %parallel_loop3A_906 = vector.shape_cast %parallel_loop3A_905 : vector<1x1x16xf32> to vector<16xf32>
        %parallel_loop3A_907 = vector.shape_cast %parallel_loop3A_900 : vector<16xf32> to vector<1x1x16xf32>
        tpu.vector_store %arg7[%parallel_loop3A_902, %parallel_loop3A_903, %parallel_loop3A_904], %parallel_loop3A_907 {strides = array<i32>} : memref<4x64x128xf32, #tpu.memory_space<vmem>>, vector<1x1x16xf32>,
        %parallel_loop3A_908 = arith.constant 2 : i32
        %parallel_loop3A_909 = arith.index_cast %parallel_loop3A_908 : i32 to index
        %parallel_loop3A_910 = arith.index_cast %parallel_loop3A_793 : i32 to index
        %parallel_loop3A_911 = arith.constant 96 : index
        %parallel_loop3A_912 = tpu.vector_load %arg6[%parallel_loop3A_909, %parallel_loop3A_910, %parallel_loop3A_911] {strides = array<i32>} : memref<4x64x128xf32, #tpu.memory_space<vmem>>, vector<1x1x16xf32>,
        %parallel_loop3A_913 = vector.shape_cast %parallel_loop3A_912 : vector<1x1x16xf32> to vector<16xf32>
        %parallel_loop3A_914 = arith.addi %mul3A_564, %parallel_loop3A_793 : i32
        %parallel_loop3A_915 = arith.index_cast %parallel_loop3A_914 : i32 to index
        %parallel_loop3A_916 = arith.constant 96 : index
        %parallel_loop3A_917 = tpu.vector_load %arg5[%parallel_loop3A_915, %parallel_loop3A_916] {strides = array<i32>} : memref<256x128xf32, #tpu.memory_space<vmem>>, vector<1x16xf32>,
        %parallel_loop3A_918 = vector.shape_cast %parallel_loop3A_917 : vector<1x16xf32> to vector<16xf32>
        %parallel_loop3A_919 = arith.addf %parallel_loop3A_913, %parallel_loop3A_918 : vector<16xf32>
        %parallel_loop3A_920 = arith.constant 2 : i32
        %parallel_loop3A_921 = arith.index_cast %parallel_loop3A_920 : i32 to index
        %parallel_loop3A_922 = arith.index_cast %parallel_loop3A_793 : i32 to index
        %parallel_loop3A_923 = arith.constant 96 : index
        %parallel_loop3A_924 = tpu.vector_load %arg7[%parallel_loop3A_921, %parallel_loop3A_922, %parallel_loop3A_923] {strides = array<i32>} : memref<4x64x128xf32, #tpu.memory_space<vmem>>, vector<1x1x16xf32>,
        %parallel_loop3A_925 = vector.shape_cast %parallel_loop3A_924 : vector<1x1x16xf32> to vector<16xf32>
        %parallel_loop3A_926 = vector.shape_cast %parallel_loop3A_919 : vector<16xf32> to vector<1x1x16xf32>
        tpu.vector_store %arg7[%parallel_loop3A_921, %parallel_loop3A_922, %parallel_loop3A_923], %parallel_loop3A_926 {strides = array<i32>} : memref<4x64x128xf32, #tpu.memory_space<vmem>>, vector<1x1x16xf32>,
        %parallel_loop3A_927 = arith.constant 2 : i32
        %parallel_loop3A_928 = arith.index_cast %parallel_loop3A_927 : i32 to index
        %parallel_loop3A_929 = arith.index_cast %parallel_loop3A_793 : i32 to index
        %parallel_loop3A_930 = arith.constant 112 : index
        %parallel_loop3A_931 = tpu.vector_load %arg6[%parallel_loop3A_928, %parallel_loop3A_929, %parallel_loop3A_930] {strides = array<i32>} : memref<4x64x128xf32, #tpu.memory_space<vmem>>, vector<1x1x16xf32>,
        %parallel_loop3A_932 = vector.shape_cast %parallel_loop3A_931 : vector<1x1x16xf32> to vector<16xf32>
        %parallel_loop3A_933 = arith.addi %mul3A_564, %parallel_loop3A_793 : i32
        %parallel_loop3A_934 = arith.index_cast %parallel_loop3A_933 : i32 to index
        %parallel_loop3A_935 = arith.constant 112 : index
        %parallel_loop3A_936 = tpu.vector_load %arg5[%parallel_loop3A_934, %parallel_loop3A_935] {strides = array<i32>} : memref<256x128xf32, #tpu.memory_space<vmem>>, vector<1x16xf32>,
        %parallel_loop3A_937 = vector.shape_cast %parallel_loop3A_936 : vector<1x16xf32> to vector<16xf32>
        %parallel_loop3A_938 = arith.addf %parallel_loop3A_932, %parallel_loop3A_937 : vector<16xf32>
        %parallel_loop3A_939 = arith.constant 2 : i32
        %parallel_loop3A_940 = arith.index_cast %parallel_loop3A_939 : i32 to index
        %parallel_loop3A_941 = arith.index_cast %parallel_loop3A_793 : i32 to index
        %parallel_loop3A_942 = arith.constant 112 : index
        %parallel_loop3A_943 = tpu.vector_load %arg7[%parallel_loop3A_940, %parallel_loop3A_941, %parallel_loop3A_942] {strides = array<i32>} : memref<4x64x128xf32, #tpu.memory_space<vmem>>, vector<1x1x16xf32>,
        %parallel_loop3A_944 = vector.shape_cast %parallel_loop3A_943 : vector<1x1x16xf32> to vector<16xf32>
        %parallel_loop3A_945 = vector.shape_cast %parallel_loop3A_938 : vector<16xf32> to vector<1x1x16xf32>
        tpu.vector_store %arg7[%parallel_loop3A_940, %parallel_loop3A_941, %parallel_loop3A_942], %parallel_loop3A_945 {strides = array<i32>} : memref<4x64x128xf32, #tpu.memory_space<vmem>>, vector<1x1x16xf32>,
      } {sc.loop_unroll_factor = 4 : i64, sc.parallel_access}
      %jit3A_568 = arith.constant 4 : i32
      %div3A_569 = arith.divsi %add3A_480, %jit3A_568 : i32
      %sign3A_570 = arith.constant 0 : i32
      %sign3A_571 = arith.cmpi sgt, %add3A_480, %sign3A_570 : i32
      %sign3A_572 = arith.extui %sign3A_571 : i1 to i32
      %sign3A_573 = arith.constant 0 : i32
      %sign3A_574 = arith.cmpi slt, %add3A_480, %sign3A_573 : i32
      %sign3A_575 = arith.extui %sign3A_574 : i1 to i32
      %sign3A_576 = arith.subi %sign3A_572, %sign3A_575 : i32
      %sign3A_577 = arith.constant 0 : i32
      %sign3A_578 = arith.cmpi sgt, %jit3A_568, %sign3A_577 : i32
      %sign3A_579 = arith.extui %sign3A_578 : i1 to i32
      %sign3A_580 = arith.constant 0 : i32
      %sign3A_581 = arith.cmpi slt, %jit3A_568, %sign3A_580 : i32
      %sign3A_582 = arith.extui %sign3A_581 : i1 to i32
      %sign3A_583 = arith.subi %sign3A_579, %sign3A_582 : i32
      %ne3A_584 = arith.cmpi ne, %sign3A_576, %sign3A_583 : i32
      %rem3A_585 = arith.remsi %add3A_480, %jit3A_568 : i32
      %ne3A_586 = arith.constant 0 : i32
      %ne3A_587 = arith.cmpi ne, %rem3A_585, %ne3A_586 : i32
      %and3A_588 = arith.andi %ne3A_584, %ne3A_587 : i1
      %sub3A_589 = arith.constant 1 : i32
      %sub3A_590 = arith.subi %div3A_569, %sub3A_589 : i32
      %select_n3A_591 = arith.select %and3A_588, %sub3A_590, %div3A_569 : i32
      %jit3A_592 = arith.constant 4 : i32
      %eq3A_593 = arith.constant 0 : i32
      %eq3A_594 = arith.cmpi eq, %jit3A_592, %eq3A_593 : i32
      %jit3A_595 = arith.constant 1 : i32
      %select_n3A_596 = arith.select %eq3A_594, %jit3A_595, %jit3A_592 : i32
      %rem3A_597 = arith.remsi %add3A_480, %select_n3A_596 : i32
      %ne3A_598 = arith.constant 0 : i32
      %ne3A_599 = arith.cmpi ne, %rem3A_597, %ne3A_598 : i32
      %lt3A_600 = arith.constant 0 : i32
      %lt3A_601 = arith.cmpi slt, %rem3A_597, %lt3A_600 : i32
      %lt3A_602 = arith.constant 0 : i32
      %lt3A_603 = arith.cmpi slt, %select_n3A_596, %lt3A_602 : i32
      %ne3A_604 = arith.xori %lt3A_601, %lt3A_603 : i1
      %and3A_605 = arith.andi %ne3A_604, %ne3A_599 : i1
      %add3A_606 = arith.addi %rem3A_597, %select_n3A_596 : i32
      %select_n3A_607 = arith.select %and3A_605, %add3A_606, %rem3A_597 : i32
      %mul3A_608 = arith.constant 64 : i32
      %mul3A_609 = arith.muli %select_n3A_607, %mul3A_608 : i32
      %add3A_610 = arith.addi %mul3A_2, %mul3A_609 : i32
      %dma_start3A_611 = arith.constant 2 : i32
      %dma_start3A_612 = arith.constant 2 : i32
      %dma_start3A_613 = arith.constant 0 : i32
      %dma_start3A_614 = arith.constant 0 : i32
      %dma_start3A_615 = tpu.memref_slice %arg7[%dma_start3A_611, %dma_start3A_613, %dma_start3A_614] : memref<4x64x128xf32, #tpu.memory_space<vmem>> -> memref<1x64x128xf32, #tpu.memory_space<vmem>>
      %dma_start3A_616 = tpu.memref_squeeze %dma_start3A_615 : memref<1x64x128xf32, #tpu.memory_space<vmem>> -> memref<64x128xf32, #tpu.memory_space<vmem>>
      %dma_start3A_617 = arith.constant 0 : i32
      %dma_start3A_618 = tpu.memref_slice %arg4[%select_n3A_591, %add3A_610, %dma_start3A_617] : memref<4x8192x128xf32, #tpu.memory_space<hbm>> -> memref<1x64x128xf32, #tpu.memory_space<hbm>>
      %dma_start3A_619 = tpu.memref_squeeze %dma_start3A_618 : memref<1x64x128xf32, #tpu.memory_space<hbm>> -> memref<64x128xf32, #tpu.memory_space<hbm>>
      %dma_start3A_620 = tpu.memref_slice %arg9[%dma_start3A_612] : memref<4x!tpu.dma_semaphore, #tpu.memory_space<semaphore_mem>> -> memref<1x!tpu.dma_semaphore, #tpu.memory_space<semaphore_mem>>
      %dma_start3A_621 = tpu.memref_squeeze %dma_start3A_620 : memref<1x!tpu.dma_semaphore, #tpu.memory_space<semaphore_mem>> -> memref<!tpu.dma_semaphore, #tpu.memory_space<semaphore_mem>>
      %dma_start3A_622 = arith.constant 0 : i32
      %dma_start3A_623 = tpu.memref_slice %arg4[%select_n3A_591, %add3A_610, %dma_start3A_622] : memref<4x8192x128xf32, #tpu.memory_space<hbm>> -> memref<1x64x128xf32, #tpu.memory_space<hbm>>
      %dma_start3A_624 = tpu.memref_squeeze %dma_start3A_623 : memref<1x64x128xf32, #tpu.memory_space<hbm>> -> memref<64x128xf32, #tpu.memory_space<hbm>>
      %dma_start3A_625 = arith.constant 0 : i32
      %dma_start3A_626 = arith.constant 0 : i32
      %dma_start3A_627 = tpu.memref_slice %arg7[%dma_start3A_611, %dma_start3A_625, %dma_start3A_626] : memref<4x64x128xf32, #tpu.memory_space<vmem>> -> memref<1x64x128xf32, #tpu.memory_space<vmem>>
      %dma_start3A_628 = tpu.memref_squeeze %dma_start3A_627 : memref<1x64x128xf32, #tpu.memory_space<vmem>> -> memref<64x128xf32, #tpu.memory_space<vmem>>
      tpu.enqueue_dma source(%dma_start3A_628 : memref<64x128xf32, #tpu.memory_space<vmem>>) target(%dma_start3A_624 : memref<64x128xf32, #tpu.memory_space<hbm>>) target_semaphore(%dma_start3A_621 : memref<!tpu.dma_semaphore, #tpu.memory_space<semaphore_mem>>)
      %add3A_629 = arith.constant 4 : i32
      %add3A_630 = arith.addi %add3A_177, %add3A_629 : i32
      %lt3A_631 = arith.constant 16 : i32
      %lt3A_632 = arith.cmpi slt, %add3A_630, %lt3A_631 : i32
      %convert_element_type3A_633 = arith.extui %lt3A_632 : i1 to i32
      %cond3A_634 = arith.constant 0 : i32
      %cond3A_635 = arith.cmpi ne, %convert_element_type3A_633, %cond3A_634 : i32
      scf.if %cond3A_635 {
        %add3A_793 = arith.constant 4 : i32
        %add3A_794 = arith.addi %add3A_480, %add3A_793 : i32
        %jit3A_795 = arith.constant 4 : i32
        %div3A_796 = arith.divsi %add3A_794, %jit3A_795 : i32
        %sign3A_797 = arith.constant 0 : i32
        %sign3A_798 = arith.cmpi sgt, %add3A_794, %sign3A_797 : i32
        %sign3A_799 = arith.extui %sign3A_798 : i1 to i32
        %sign3A_800 = arith.constant 0 : i32
        %sign3A_801 = arith.cmpi slt, %add3A_794, %sign3A_800 : i32
        %sign3A_802 = arith.extui %sign3A_801 : i1 to i32
        %sign3A_803 = arith.subi %sign3A_799, %sign3A_802 : i32
        %sign3A_804 = arith.constant 0 : i32
        %sign3A_805 = arith.cmpi sgt, %jit3A_795, %sign3A_804 : i32
        %sign3A_806 = arith.extui %sign3A_805 : i1 to i32
        %sign3A_807 = arith.constant 0 : i32
        %sign3A_808 = arith.cmpi slt, %jit3A_795, %sign3A_807 : i32
        %sign3A_809 = arith.extui %sign3A_808 : i1 to i32
        %sign3A_810 = arith.subi %sign3A_806, %sign3A_809 : i32
        %ne3A_811 = arith.cmpi ne, %sign3A_803, %sign3A_810 : i32
        %rem3A_812 = arith.remsi %add3A_794, %jit3A_795 : i32
        %ne3A_813 = arith.constant 0 : i32
        %ne3A_814 = arith.cmpi ne, %rem3A_812, %ne3A_813 : i32
        %and3A_815 = arith.andi %ne3A_811, %ne3A_814 : i1
        %sub3A_816 = arith.constant 1 : i32
        %sub3A_817 = arith.subi %div3A_796, %sub3A_816 : i32
        %select_n3A_818 = arith.select %and3A_815, %sub3A_817, %div3A_796 : i32
        %jit3A_819 = arith.constant 4 : i32
        %eq3A_820 = arith.constant 0 : i32
        %eq3A_821 = arith.cmpi eq, %jit3A_819, %eq3A_820 : i32
        %jit3A_822 = arith.constant 1 : i32
        %select_n3A_823 = arith.select %eq3A_821, %jit3A_822, %jit3A_819 : i32
        %rem3A_824 = arith.remsi %add3A_794, %select_n3A_823 : i32
        %ne3A_825 = arith.constant 0 : i32
        %ne3A_826 = arith.cmpi ne, %rem3A_824, %ne3A_825 : i32
        %lt3A_827 = arith.constant 0 : i32
        %lt3A_828 = arith.cmpi slt, %rem3A_824, %lt3A_827 : i32
        %lt3A_829 = arith.constant 0 : i32
        %lt3A_830 = arith.cmpi slt, %select_n3A_823, %lt3A_829 : i32
        %ne3A_831 = arith.xori %lt3A_828, %lt3A_830 : i1
        %and3A_832 = arith.andi %ne3A_831, %ne3A_826 : i1
        %add3A_833 = arith.addi %rem3A_824, %select_n3A_823 : i32
        %select_n3A_834 = arith.select %and3A_832, %add3A_833, %rem3A_824 : i32
        %mul3A_835 = arith.constant 64 : i32
        %mul3A_836 = arith.muli %select_n3A_834, %mul3A_835 : i32
        %add3A_837 = arith.addi %mul3A_2, %mul3A_836 : i32
        %dma_start3A_838 = arith.constant 2 : i32
        %dma_start3A_839 = arith.constant 2 : i32
        %dma_start3A_840 = arith.constant 0 : i32
        %dma_start3A_841 = arith.constant 0 : i32
        %dma_start3A_842 = tpu.memref_slice %arg6[%dma_start3A_838, %dma_start3A_840, %dma_start3A_841] : memref<4x64x128xf32, #tpu.memory_space<vmem>> -> memref<1x64x128xf32, #tpu.memory_space<vmem>>
        %dma_start3A_843 = tpu.memref_squeeze %dma_start3A_842 : memref<1x64x128xf32, #tpu.memory_space<vmem>> -> memref<64x128xf32, #tpu.memory_space<vmem>>
        %dma_start3A_844 = arith.constant 0 : i32
        %dma_start3A_845 = tpu.memref_slice %arg2[%select_n3A_818, %add3A_837, %dma_start3A_844] : memref<4x8192x128xf32, #tpu.memory_space<hbm>> -> memref<1x64x128xf32, #tpu.memory_space<hbm>>
        %dma_start3A_846 = tpu.memref_squeeze %dma_start3A_845 : memref<1x64x128xf32, #tpu.memory_space<hbm>> -> memref<64x128xf32, #tpu.memory_space<hbm>>
        %dma_start3A_847 = tpu.memref_slice %arg8[%dma_start3A_839] : memref<4x!tpu.dma_semaphore, #tpu.memory_space<semaphore_mem>> -> memref<1x!tpu.dma_semaphore, #tpu.memory_space<semaphore_mem>>
        %dma_start3A_848 = tpu.memref_squeeze %dma_start3A_847 : memref<1x!tpu.dma_semaphore, #tpu.memory_space<semaphore_mem>> -> memref<!tpu.dma_semaphore, #tpu.memory_space<semaphore_mem>>
        %dma_start3A_849 = arith.constant 0 : i32
        %dma_start3A_850 = arith.constant 0 : i32
        %dma_start3A_851 = tpu.memref_slice %arg6[%dma_start3A_838, %dma_start3A_849, %dma_start3A_850] : memref<4x64x128xf32, #tpu.memory_space<vmem>> -> memref<1x64x128xf32, #tpu.memory_space<vmem>>
        %dma_start3A_852 = tpu.memref_squeeze %dma_start3A_851 : memref<1x64x128xf32, #tpu.memory_space<vmem>> -> memref<64x128xf32, #tpu.memory_space<vmem>>
        %dma_start3A_853 = arith.constant 0 : i32
        %dma_start3A_854 = tpu.memref_slice %arg2[%select_n3A_818, %add3A_837, %dma_start3A_853] : memref<4x8192x128xf32, #tpu.memory_space<hbm>> -> memref<1x64x128xf32, #tpu.memory_space<hbm>>
        %dma_start3A_855 = tpu.memref_squeeze %dma_start3A_854 : memref<1x64x128xf32, #tpu.memory_space<hbm>> -> memref<64x128xf32, #tpu.memory_space<hbm>>
        tpu.enqueue_dma source(%dma_start3A_855 : memref<64x128xf32, #tpu.memory_space<hbm>>) target(%dma_start3A_852 : memref<64x128xf32, #tpu.memory_space<vmem>>) target_semaphore(%dma_start3A_848 : memref<!tpu.dma_semaphore, #tpu.memory_space<semaphore_mem>>)
      } else {
      }
      %add3A_636 = arith.constant 3 : i32
      %add3A_637 = arith.addi %add3A_177, %add3A_636 : i32
      %jit3A_638 = arith.constant 4 : i32
      %div3A_639 = arith.divsi %add3A_637, %jit3A_638 : i32
      %sign3A_640 = arith.constant 0 : i32
      %sign3A_641 = arith.cmpi sgt, %add3A_637, %sign3A_640 : i32
      %sign3A_642 = arith.extui %sign3A_641 : i1 to i32
      %sign3A_643 = arith.constant 0 : i32
      %sign3A_644 = arith.cmpi slt, %add3A_637, %sign3A_643 : i32
      %sign3A_645 = arith.extui %sign3A_644 : i1 to i32
      %sign3A_646 = arith.subi %sign3A_642, %sign3A_645 : i32
      %sign3A_647 = arith.constant 0 : i32
      %sign3A_648 = arith.cmpi sgt, %jit3A_638, %sign3A_647 : i32
      %sign3A_649 = arith.extui %sign3A_648 : i1 to i32
      %sign3A_650 = arith.constant 0 : i32
      %sign3A_651 = arith.cmpi slt, %jit3A_638, %sign3A_650 : i32
      %sign3A_652 = arith.extui %sign3A_651 : i1 to i32
      %sign3A_653 = arith.subi %sign3A_649, %sign3A_652 : i32
      %ne3A_654 = arith.cmpi ne, %sign3A_646, %sign3A_653 : i32
      %rem3A_655 = arith.remsi %add3A_637, %jit3A_638 : i32
      %ne3A_656 = arith.constant 0 : i32
      %ne3A_657 = arith.cmpi ne, %rem3A_655, %ne3A_656 : i32
      %and3A_658 = arith.andi %ne3A_654, %ne3A_657 : i1
      %sub3A_659 = arith.constant 1 : i32
      %sub3A_660 = arith.subi %div3A_639, %sub3A_659 : i32
      %select_n3A_661 = arith.select %and3A_658, %sub3A_660, %div3A_639 : i32
      %jit3A_662 = arith.constant 4 : i32
      %eq3A_663 = arith.constant 0 : i32
      %eq3A_664 = arith.cmpi eq, %jit3A_662, %eq3A_663 : i32
      %jit3A_665 = arith.constant 1 : i32
      %select_n3A_666 = arith.select %eq3A_664, %jit3A_665, %jit3A_662 : i32
      %rem3A_667 = arith.remsi %add3A_637, %select_n3A_666 : i32
      %ne3A_668 = arith.constant 0 : i32
      %ne3A_669 = arith.cmpi ne, %rem3A_667, %ne3A_668 : i32
      %lt3A_670 = arith.constant 0 : i32
      %lt3A_671 = arith.cmpi slt, %rem3A_667, %lt3A_670 : i32
      %lt3A_672 = arith.constant 0 : i32
      %lt3A_673 = arith.cmpi slt, %select_n3A_666, %lt3A_672 : i32
      %ne3A_674 = arith.xori %lt3A_671, %lt3A_673 : i1
      %and3A_675 = arith.andi %ne3A_674, %ne3A_669 : i1
      %add3A_676 = arith.addi %rem3A_667, %select_n3A_666 : i32
      %select_n3A_677 = arith.select %and3A_675, %add3A_676, %rem3A_667 : i32
      %mul3A_678 = arith.constant 64 : i32
      %mul3A_679 = arith.muli %select_n3A_677, %mul3A_678 : i32
      %add3A_680 = arith.addi %mul3A_2, %mul3A_679 : i32
      %dma_wait3A_681 = arith.constant 3 : i32
      %dma_wait3A_682 = arith.constant 3 : i32
      %dma_wait3A_683 = arith.constant 0 : i32
      %dma_wait3A_684 = arith.constant 0 : i32
      %dma_wait3A_685 = tpu.memref_slice %arg6[%dma_wait3A_681, %dma_wait3A_683, %dma_wait3A_684] : memref<4x64x128xf32, #tpu.memory_space<vmem>> -> memref<1x64x128xf32, #tpu.memory_space<vmem>>
      %dma_wait3A_686 = tpu.memref_squeeze %dma_wait3A_685 : memref<1x64x128xf32, #tpu.memory_space<vmem>> -> memref<64x128xf32, #tpu.memory_space<vmem>>
      %dma_wait3A_687 = arith.constant 0 : i32
      %dma_wait3A_688 = tpu.memref_slice %arg2[%select_n3A_661, %add3A_680, %dma_wait3A_687] : memref<4x8192x128xf32, #tpu.memory_space<hbm>> -> memref<1x64x128xf32, #tpu.memory_space<hbm>>
      %dma_wait3A_689 = tpu.memref_squeeze %dma_wait3A_688 : memref<1x64x128xf32, #tpu.memory_space<hbm>> -> memref<64x128xf32, #tpu.memory_space<hbm>>
      %dma_wait3A_690 = tpu.memref_slice %arg8[%dma_wait3A_682] : memref<4x!tpu.dma_semaphore, #tpu.memory_space<semaphore_mem>> -> memref<1x!tpu.dma_semaphore, #tpu.memory_space<semaphore_mem>>
      %dma_wait3A_691 = tpu.memref_squeeze %dma_wait3A_690 : memref<1x!tpu.dma_semaphore, #tpu.memory_space<semaphore_mem>> -> memref<!tpu.dma_semaphore, #tpu.memory_space<semaphore_mem>>
      %dma_wait3A_692 = arith.constant 0 : i32
      %dma_wait3A_693 = arith.constant 0 : i32
      %dma_wait3A_694 = tpu.memref_slice %arg6[%dma_wait3A_681, %dma_wait3A_692, %dma_wait3A_693] : memref<4x64x128xf32, #tpu.memory_space<vmem>> -> memref<1x64x128xf32, #tpu.memory_space<vmem>>
      %dma_wait3A_695 = tpu.memref_squeeze %dma_wait3A_694 : memref<1x64x128xf32, #tpu.memory_space<vmem>> -> memref<64x128xf32, #tpu.memory_space<vmem>>
      %dma_wait3A_696 = arith.constant 0 : i32
      %dma_wait3A_697 = tpu.memref_slice %arg2[%select_n3A_661, %add3A_680, %dma_wait3A_696] : memref<4x8192x128xf32, #tpu.memory_space<hbm>> -> memref<1x64x128xf32, #tpu.memory_space<hbm>>
      %dma_wait3A_698 = tpu.memref_squeeze %dma_wait3A_697 : memref<1x64x128xf32, #tpu.memory_space<hbm>> -> memref<64x128xf32, #tpu.memory_space<hbm>>
      tpu.wait_dma2 semaphore(%dma_wait3A_691 : memref<!tpu.dma_semaphore, #tpu.memory_space<semaphore_mem>>) src(%dma_wait3A_698 : memref<64x128xf32, #tpu.memory_space<hbm>>) dst(%dma_wait3A_695 : memref<64x128xf32, #tpu.memory_space<vmem>>)
      %ne3A_699 = arith.constant 0 : i32
      %ne3A_700 = arith.cmpi ne, %add3A_177, %ne3A_699 : i32
      %convert_element_type3A_701 = arith.extui %ne3A_700 : i1 to i32
      %cond3A_702 = arith.constant 0 : i32
      %cond3A_703 = arith.cmpi ne, %convert_element_type3A_701, %cond3A_702 : i32
      scf.if %cond3A_703 {
        %sub3A_793 = arith.constant 4 : i32
        %sub3A_794 = arith.subi %add3A_637, %sub3A_793 : i32
        %jit3A_795 = arith.constant 4 : i32
        %div3A_796 = arith.divsi %sub3A_794, %jit3A_795 : i32
        %sign3A_797 = arith.constant 0 : i32
        %sign3A_798 = arith.cmpi sgt, %sub3A_794, %sign3A_797 : i32
        %sign3A_799 = arith.extui %sign3A_798 : i1 to i32
        %sign3A_800 = arith.constant 0 : i32
        %sign3A_801 = arith.cmpi slt, %sub3A_794, %sign3A_800 : i32
        %sign3A_802 = arith.extui %sign3A_801 : i1 to i32
        %sign3A_803 = arith.subi %sign3A_799, %sign3A_802 : i32
        %sign3A_804 = arith.constant 0 : i32
        %sign3A_805 = arith.cmpi sgt, %jit3A_795, %sign3A_804 : i32
        %sign3A_806 = arith.extui %sign3A_805 : i1 to i32
        %sign3A_807 = arith.constant 0 : i32
        %sign3A_808 = arith.cmpi slt, %jit3A_795, %sign3A_807 : i32
        %sign3A_809 = arith.extui %sign3A_808 : i1 to i32
        %sign3A_810 = arith.subi %sign3A_806, %sign3A_809 : i32
        %ne3A_811 = arith.cmpi ne, %sign3A_803, %sign3A_810 : i32
        %rem3A_812 = arith.remsi %sub3A_794, %jit3A_795 : i32
        %ne3A_813 = arith.constant 0 : i32
        %ne3A_814 = arith.cmpi ne, %rem3A_812, %ne3A_813 : i32
        %and3A_815 = arith.andi %ne3A_811, %ne3A_814 : i1
        %sub3A_816 = arith.constant 1 : i32
        %sub3A_817 = arith.subi %div3A_796, %sub3A_816 : i32
        %select_n3A_818 = arith.select %and3A_815, %sub3A_817, %div3A_796 : i32
        %jit3A_819 = arith.constant 4 : i32
        %eq3A_820 = arith.constant 0 : i32
        %eq3A_821 = arith.cmpi eq, %jit3A_819, %eq3A_820 : i32
        %jit3A_822 = arith.constant 1 : i32
        %select_n3A_823 = arith.select %eq3A_821, %jit3A_822, %jit3A_819 : i32
        %rem3A_824 = arith.remsi %sub3A_794, %select_n3A_823 : i32
        %ne3A_825 = arith.constant 0 : i32
        %ne3A_826 = arith.cmpi ne, %rem3A_824, %ne3A_825 : i32
        %lt3A_827 = arith.constant 0 : i32
        %lt3A_828 = arith.cmpi slt, %rem3A_824, %lt3A_827 : i32
        %lt3A_829 = arith.constant 0 : i32
        %lt3A_830 = arith.cmpi slt, %select_n3A_823, %lt3A_829 : i32
        %ne3A_831 = arith.xori %lt3A_828, %lt3A_830 : i1
        %and3A_832 = arith.andi %ne3A_831, %ne3A_826 : i1
        %add3A_833 = arith.addi %rem3A_824, %select_n3A_823 : i32
        %select_n3A_834 = arith.select %and3A_832, %add3A_833, %rem3A_824 : i32
        %mul3A_835 = arith.constant 64 : i32
        %mul3A_836 = arith.muli %select_n3A_834, %mul3A_835 : i32
        %add3A_837 = arith.addi %mul3A_2, %mul3A_836 : i32
        %dma_wait3A_838 = arith.constant 3 : i32
        %dma_wait3A_839 = arith.constant 3 : i32
        %dma_wait3A_840 = arith.constant 0 : i32
        %dma_wait3A_841 = arith.constant 0 : i32
        %dma_wait3A_842 = tpu.memref_slice %arg7[%dma_wait3A_838, %dma_wait3A_840, %dma_wait3A_841] : memref<4x64x128xf32, #tpu.memory_space<vmem>> -> memref<1x64x128xf32, #tpu.memory_space<vmem>>
        %dma_wait3A_843 = tpu.memref_squeeze %dma_wait3A_842 : memref<1x64x128xf32, #tpu.memory_space<vmem>> -> memref<64x128xf32, #tpu.memory_space<vmem>>
        %dma_wait3A_844 = arith.constant 0 : i32
        %dma_wait3A_845 = tpu.memref_slice %arg4[%select_n3A_818, %add3A_837, %dma_wait3A_844] : memref<4x8192x128xf32, #tpu.memory_space<hbm>> -> memref<1x64x128xf32, #tpu.memory_space<hbm>>
        %dma_wait3A_846 = tpu.memref_squeeze %dma_wait3A_845 : memref<1x64x128xf32, #tpu.memory_space<hbm>> -> memref<64x128xf32, #tpu.memory_space<hbm>>
        %dma_wait3A_847 = tpu.memref_slice %arg9[%dma_wait3A_839] : memref<4x!tpu.dma_semaphore, #tpu.memory_space<semaphore_mem>> -> memref<1x!tpu.dma_semaphore, #tpu.memory_space<semaphore_mem>>
        %dma_wait3A_848 = tpu.memref_squeeze %dma_wait3A_847 : memref<1x!tpu.dma_semaphore, #tpu.memory_space<semaphore_mem>> -> memref<!tpu.dma_semaphore, #tpu.memory_space<semaphore_mem>>
        %dma_wait3A_849 = arith.constant 0 : i32
        %dma_wait3A_850 = tpu.memref_slice %arg4[%select_n3A_818, %add3A_837, %dma_wait3A_849] : memref<4x8192x128xf32, #tpu.memory_space<hbm>> -> memref<1x64x128xf32, #tpu.memory_space<hbm>>
        %dma_wait3A_851 = tpu.memref_squeeze %dma_wait3A_850 : memref<1x64x128xf32, #tpu.memory_space<hbm>> -> memref<64x128xf32, #tpu.memory_space<hbm>>
        %dma_wait3A_852 = arith.constant 0 : i32
        %dma_wait3A_853 = arith.constant 0 : i32
        %dma_wait3A_854 = tpu.memref_slice %arg7[%dma_wait3A_838, %dma_wait3A_852, %dma_wait3A_853] : memref<4x64x128xf32, #tpu.memory_space<vmem>> -> memref<1x64x128xf32, #tpu.memory_space<vmem>>
        %dma_wait3A_855 = tpu.memref_squeeze %dma_wait3A_854 : memref<1x64x128xf32, #tpu.memory_space<vmem>> -> memref<64x128xf32, #tpu.memory_space<vmem>>
        tpu.wait_dma2 semaphore(%dma_wait3A_848 : memref<!tpu.dma_semaphore, #tpu.memory_space<semaphore_mem>>) src(%dma_wait3A_855 : memref<64x128xf32, #tpu.memory_space<vmem>>) dst(%dma_wait3A_851 : memref<64x128xf32, #tpu.memory_space<hbm>>)
      } else {
      }
      %jit3A_704 = arith.constant 4 : i32
      %eq3A_705 = arith.constant 0 : i32
      %eq3A_706 = arith.cmpi eq, %jit3A_704, %eq3A_705 : i32
      %jit3A_707 = arith.constant 1 : i32
      %select_n3A_708 = arith.select %eq3A_706, %jit3A_707, %jit3A_704 : i32
      %rem3A_709 = arith.remsi %add3A_637, %select_n3A_708 : i32
      %ne3A_710 = arith.constant 0 : i32
      %ne3A_711 = arith.cmpi ne, %rem3A_709, %ne3A_710 : i32
      %lt3A_712 = arith.constant 0 : i32
      %lt3A_713 = arith.cmpi slt, %rem3A_709, %lt3A_712 : i32
      %lt3A_714 = arith.constant 0 : i32
      %lt3A_715 = arith.cmpi slt, %select_n3A_708, %lt3A_714 : i32
      %ne3A_716 = arith.xori %lt3A_713, %lt3A_715 : i1
      %and3A_717 = arith.andi %ne3A_716, %ne3A_711 : i1
      %add3A_718 = arith.addi %rem3A_709, %select_n3A_708 : i32
      %select_n3A_719 = arith.select %and3A_717, %add3A_718, %rem3A_709 : i32
      %mul3A_720 = arith.constant 64 : i32
      %mul3A_721 = arith.muli %select_n3A_719, %mul3A_720 : i32
      %parallel_loop3A_722 = arith.constant 0 : i32
      %parallel_loop3A_723 = arith.constant 64 : i32
      %parallel_loop3A_724 = arith.constant 1 : i32
      scf.for %parallel_loop3A_793 = %parallel_loop3A_722 to %parallel_loop3A_723 step %parallel_loop3A_724  : i32 {
        %parallel_loop3A_794 = arith.constant 3 : i32
        %parallel_loop3A_795 = arith.index_cast %parallel_loop3A_794 : i32 to index
        %parallel_loop3A_796 = arith.index_cast %parallel_loop3A_793 : i32 to index
        %parallel_loop3A_797 = arith.constant 0 : index
        %parallel_loop3A_798 = tpu.vector_load %arg6[%parallel_loop3A_795, %parallel_loop3A_796, %parallel_loop3A_797] {strides = array<i32>} : memref<4x64x128xf32, #tpu.memory_space<vmem>>, vector<1x1x16xf32>,
        %parallel_loop3A_799 = vector.shape_cast %parallel_loop3A_798 : vector<1x1x16xf32> to vector<16xf32>
        %parallel_loop3A_800 = arith.addi %mul3A_721, %parallel_loop3A_793 : i32
        %parallel_loop3A_801 = arith.index_cast %parallel_loop3A_800 : i32 to index
        %parallel_loop3A_802 = arith.constant 0 : index
        %parallel_loop3A_803 = tpu.vector_load %arg5[%parallel_loop3A_801, %parallel_loop3A_802] {strides = array<i32>} : memref<256x128xf32, #tpu.memory_space<vmem>>, vector<1x16xf32>,
        %parallel_loop3A_804 = vector.shape_cast %parallel_loop3A_803 : vector<1x16xf32> to vector<16xf32>
        %parallel_loop3A_805 = arith.addf %parallel_loop3A_799, %parallel_loop3A_804 : vector<16xf32>
        %parallel_loop3A_806 = arith.constant 3 : i32
        %parallel_loop3A_807 = arith.index_cast %parallel_loop3A_806 : i32 to index
        %parallel_loop3A_808 = arith.index_cast %parallel_loop3A_793 : i32 to index
        %parallel_loop3A_809 = arith.constant 0 : index
        %parallel_loop3A_810 = tpu.vector_load %arg7[%parallel_loop3A_807, %parallel_loop3A_808, %parallel_loop3A_809] {strides = array<i32>} : memref<4x64x128xf32, #tpu.memory_space<vmem>>, vector<1x1x16xf32>,
        %parallel_loop3A_811 = vector.shape_cast %parallel_loop3A_810 : vector<1x1x16xf32> to vector<16xf32>
        %parallel_loop3A_812 = vector.shape_cast %parallel_loop3A_805 : vector<16xf32> to vector<1x1x16xf32>
        tpu.vector_store %arg7[%parallel_loop3A_807, %parallel_loop3A_808, %parallel_loop3A_809], %parallel_loop3A_812 {strides = array<i32>} : memref<4x64x128xf32, #tpu.memory_space<vmem>>, vector<1x1x16xf32>,
        %parallel_loop3A_813 = arith.constant 3 : i32
        %parallel_loop3A_814 = arith.index_cast %parallel_loop3A_813 : i32 to index
        %parallel_loop3A_815 = arith.index_cast %parallel_loop3A_793 : i32 to index
        %parallel_loop3A_816 = arith.constant 16 : index
        %parallel_loop3A_817 = tpu.vector_load %arg6[%parallel_loop3A_814, %parallel_loop3A_815, %parallel_loop3A_816] {strides = array<i32>} : memref<4x64x128xf32, #tpu.memory_space<vmem>>, vector<1x1x16xf32>,
        %parallel_loop3A_818 = vector.shape_cast %parallel_loop3A_817 : vector<1x1x16xf32> to vector<16xf32>
        %parallel_loop3A_819 = arith.addi %mul3A_721, %parallel_loop3A_793 : i32
        %parallel_loop3A_820 = arith.index_cast %parallel_loop3A_819 : i32 to index
        %parallel_loop3A_821 = arith.constant 16 : index
        %parallel_loop3A_822 = tpu.vector_load %arg5[%parallel_loop3A_820, %parallel_loop3A_821] {strides = array<i32>} : memref<256x128xf32, #tpu.memory_space<vmem>>, vector<1x16xf32>,
        %parallel_loop3A_823 = vector.shape_cast %parallel_loop3A_822 : vector<1x16xf32> to vector<16xf32>
        %parallel_loop3A_824 = arith.addf %parallel_loop3A_818, %parallel_loop3A_823 : vector<16xf32>
        %parallel_loop3A_825 = arith.constant 3 : i32
        %parallel_loop3A_826 = arith.index_cast %parallel_loop3A_825 : i32 to index
        %parallel_loop3A_827 = arith.index_cast %parallel_loop3A_793 : i32 to index
        %parallel_loop3A_828 = arith.constant 16 : index
        %parallel_loop3A_829 = tpu.vector_load %arg7[%parallel_loop3A_826, %parallel_loop3A_827, %parallel_loop3A_828] {strides = array<i32>} : memref<4x64x128xf32, #tpu.memory_space<vmem>>, vector<1x1x16xf32>,
        %parallel_loop3A_830 = vector.shape_cast %parallel_loop3A_829 : vector<1x1x16xf32> to vector<16xf32>
        %parallel_loop3A_831 = vector.shape_cast %parallel_loop3A_824 : vector<16xf32> to vector<1x1x16xf32>
        tpu.vector_store %arg7[%parallel_loop3A_826, %parallel_loop3A_827, %parallel_loop3A_828], %parallel_loop3A_831 {strides = array<i32>} : memref<4x64x128xf32, #tpu.memory_space<vmem>>, vector<1x1x16xf32>,
        %parallel_loop3A_832 = arith.constant 3 : i32
        %parallel_loop3A_833 = arith.index_cast %parallel_loop3A_832 : i32 to index
        %parallel_loop3A_834 = arith.index_cast %parallel_loop3A_793 : i32 to index
        %parallel_loop3A_835 = arith.constant 32 : index
        %parallel_loop3A_836 = tpu.vector_load %arg6[%parallel_loop3A_833, %parallel_loop3A_834, %parallel_loop3A_835] {strides = array<i32>} : memref<4x64x128xf32, #tpu.memory_space<vmem>>, vector<1x1x16xf32>,
        %parallel_loop3A_837 = vector.shape_cast %parallel_loop3A_836 : vector<1x1x16xf32> to vector<16xf32>
        %parallel_loop3A_838 = arith.addi %mul3A_721, %parallel_loop3A_793 : i32
        %parallel_loop3A_839 = arith.index_cast %parallel_loop3A_838 : i32 to index
        %parallel_loop3A_840 = arith.constant 32 : index
        %parallel_loop3A_841 = tpu.vector_load %arg5[%parallel_loop3A_839, %parallel_loop3A_840] {strides = array<i32>} : memref<256x128xf32, #tpu.memory_space<vmem>>, vector<1x16xf32>,
        %parallel_loop3A_842 = vector.shape_cast %parallel_loop3A_841 : vector<1x16xf32> to vector<16xf32>
        %parallel_loop3A_843 = arith.addf %parallel_loop3A_837, %parallel_loop3A_842 : vector<16xf32>
        %parallel_loop3A_844 = arith.constant 3 : i32
        %parallel_loop3A_845 = arith.index_cast %parallel_loop3A_844 : i32 to index
        %parallel_loop3A_846 = arith.index_cast %parallel_loop3A_793 : i32 to index
        %parallel_loop3A_847 = arith.constant 32 : index
        %parallel_loop3A_848 = tpu.vector_load %arg7[%parallel_loop3A_845, %parallel_loop3A_846, %parallel_loop3A_847] {strides = array<i32>} : memref<4x64x128xf32, #tpu.memory_space<vmem>>, vector<1x1x16xf32>,
        %parallel_loop3A_849 = vector.shape_cast %parallel_loop3A_848 : vector<1x1x16xf32> to vector<16xf32>
        %parallel_loop3A_850 = vector.shape_cast %parallel_loop3A_843 : vector<16xf32> to vector<1x1x16xf32>
        tpu.vector_store %arg7[%parallel_loop3A_845, %parallel_loop3A_846, %parallel_loop3A_847], %parallel_loop3A_850 {strides = array<i32>} : memref<4x64x128xf32, #tpu.memory_space<vmem>>, vector<1x1x16xf32>,
        %parallel_loop3A_851 = arith.constant 3 : i32
        %parallel_loop3A_852 = arith.index_cast %parallel_loop3A_851 : i32 to index
        %parallel_loop3A_853 = arith.index_cast %parallel_loop3A_793 : i32 to index
        %parallel_loop3A_854 = arith.constant 48 : index
        %parallel_loop3A_855 = tpu.vector_load %arg6[%parallel_loop3A_852, %parallel_loop3A_853, %parallel_loop3A_854] {strides = array<i32>} : memref<4x64x128xf32, #tpu.memory_space<vmem>>, vector<1x1x16xf32>,
        %parallel_loop3A_856 = vector.shape_cast %parallel_loop3A_855 : vector<1x1x16xf32> to vector<16xf32>
        %parallel_loop3A_857 = arith.addi %mul3A_721, %parallel_loop3A_793 : i32
        %parallel_loop3A_858 = arith.index_cast %parallel_loop3A_857 : i32 to index
        %parallel_loop3A_859 = arith.constant 48 : index
        %parallel_loop3A_860 = tpu.vector_load %arg5[%parallel_loop3A_858, %parallel_loop3A_859] {strides = array<i32>} : memref<256x128xf32, #tpu.memory_space<vmem>>, vector<1x16xf32>,
        %parallel_loop3A_861 = vector.shape_cast %parallel_loop3A_860 : vector<1x16xf32> to vector<16xf32>
        %parallel_loop3A_862 = arith.addf %parallel_loop3A_856, %parallel_loop3A_861 : vector<16xf32>
        %parallel_loop3A_863 = arith.constant 3 : i32
        %parallel_loop3A_864 = arith.index_cast %parallel_loop3A_863 : i32 to index
        %parallel_loop3A_865 = arith.index_cast %parallel_loop3A_793 : i32 to index
        %parallel_loop3A_866 = arith.constant 48 : index
        %parallel_loop3A_867 = tpu.vector_load %arg7[%parallel_loop3A_864, %parallel_loop3A_865, %parallel_loop3A_866] {strides = array<i32>} : memref<4x64x128xf32, #tpu.memory_space<vmem>>, vector<1x1x16xf32>,
        %parallel_loop3A_868 = vector.shape_cast %parallel_loop3A_867 : vector<1x1x16xf32> to vector<16xf32>
        %parallel_loop3A_869 = vector.shape_cast %parallel_loop3A_862 : vector<16xf32> to vector<1x1x16xf32>
        tpu.vector_store %arg7[%parallel_loop3A_864, %parallel_loop3A_865, %parallel_loop3A_866], %parallel_loop3A_869 {strides = array<i32>} : memref<4x64x128xf32, #tpu.memory_space<vmem>>, vector<1x1x16xf32>,
        %parallel_loop3A_870 = arith.constant 3 : i32
        %parallel_loop3A_871 = arith.index_cast %parallel_loop3A_870 : i32 to index
        %parallel_loop3A_872 = arith.index_cast %parallel_loop3A_793 : i32 to index
        %parallel_loop3A_873 = arith.constant 64 : index
        %parallel_loop3A_874 = tpu.vector_load %arg6[%parallel_loop3A_871, %parallel_loop3A_872, %parallel_loop3A_873] {strides = array<i32>} : memref<4x64x128xf32, #tpu.memory_space<vmem>>, vector<1x1x16xf32>,
        %parallel_loop3A_875 = vector.shape_cast %parallel_loop3A_874 : vector<1x1x16xf32> to vector<16xf32>
        %parallel_loop3A_876 = arith.addi %mul3A_721, %parallel_loop3A_793 : i32
        %parallel_loop3A_877 = arith.index_cast %parallel_loop3A_876 : i32 to index
        %parallel_loop3A_878 = arith.constant 64 : index
        %parallel_loop3A_879 = tpu.vector_load %arg5[%parallel_loop3A_877, %parallel_loop3A_878] {strides = array<i32>} : memref<256x128xf32, #tpu.memory_space<vmem>>, vector<1x16xf32>,
        %parallel_loop3A_880 = vector.shape_cast %parallel_loop3A_879 : vector<1x16xf32> to vector<16xf32>
        %parallel_loop3A_881 = arith.addf %parallel_loop3A_875, %parallel_loop3A_880 : vector<16xf32>
        %parallel_loop3A_882 = arith.constant 3 : i32
        %parallel_loop3A_883 = arith.index_cast %parallel_loop3A_882 : i32 to index
        %parallel_loop3A_884 = arith.index_cast %parallel_loop3A_793 : i32 to index
        %parallel_loop3A_885 = arith.constant 64 : index
        %parallel_loop3A_886 = tpu.vector_load %arg7[%parallel_loop3A_883, %parallel_loop3A_884, %parallel_loop3A_885] {strides = array<i32>} : memref<4x64x128xf32, #tpu.memory_space<vmem>>, vector<1x1x16xf32>,
        %parallel_loop3A_887 = vector.shape_cast %parallel_loop3A_886 : vector<1x1x16xf32> to vector<16xf32>
        %parallel_loop3A_888 = vector.shape_cast %parallel_loop3A_881 : vector<16xf32> to vector<1x1x16xf32>
        tpu.vector_store %arg7[%parallel_loop3A_883, %parallel_loop3A_884, %parallel_loop3A_885], %parallel_loop3A_888 {strides = array<i32>} : memref<4x64x128xf32, #tpu.memory_space<vmem>>, vector<1x1x16xf32>,
        %parallel_loop3A_889 = arith.constant 3 : i32
        %parallel_loop3A_890 = arith.index_cast %parallel_loop3A_889 : i32 to index
        %parallel_loop3A_891 = arith.index_cast %parallel_loop3A_793 : i32 to index
        %parallel_loop3A_892 = arith.constant 80 : index
        %parallel_loop3A_893 = tpu.vector_load %arg6[%parallel_loop3A_890, %parallel_loop3A_891, %parallel_loop3A_892] {strides = array<i32>} : memref<4x64x128xf32, #tpu.memory_space<vmem>>, vector<1x1x16xf32>,
        %parallel_loop3A_894 = vector.shape_cast %parallel_loop3A_893 : vector<1x1x16xf32> to vector<16xf32>
        %parallel_loop3A_895 = arith.addi %mul3A_721, %parallel_loop3A_793 : i32
        %parallel_loop3A_896 = arith.index_cast %parallel_loop3A_895 : i32 to index
        %parallel_loop3A_897 = arith.constant 80 : index
        %parallel_loop3A_898 = tpu.vector_load %arg5[%parallel_loop3A_896, %parallel_loop3A_897] {strides = array<i32>} : memref<256x128xf32, #tpu.memory_space<vmem>>, vector<1x16xf32>,
        %parallel_loop3A_899 = vector.shape_cast %parallel_loop3A_898 : vector<1x16xf32> to vector<16xf32>
        %parallel_loop3A_900 = arith.addf %parallel_loop3A_894, %parallel_loop3A_899 : vector<16xf32>
        %parallel_loop3A_901 = arith.constant 3 : i32
        %parallel_loop3A_902 = arith.index_cast %parallel_loop3A_901 : i32 to index
        %parallel_loop3A_903 = arith.index_cast %parallel_loop3A_793 : i32 to index
        %parallel_loop3A_904 = arith.constant 80 : index
        %parallel_loop3A_905 = tpu.vector_load %arg7[%parallel_loop3A_902, %parallel_loop3A_903, %parallel_loop3A_904] {strides = array<i32>} : memref<4x64x128xf32, #tpu.memory_space<vmem>>, vector<1x1x16xf32>,
        %parallel_loop3A_906 = vector.shape_cast %parallel_loop3A_905 : vector<1x1x16xf32> to vector<16xf32>
        %parallel_loop3A_907 = vector.shape_cast %parallel_loop3A_900 : vector<16xf32> to vector<1x1x16xf32>
        tpu.vector_store %arg7[%parallel_loop3A_902, %parallel_loop3A_903, %parallel_loop3A_904], %parallel_loop3A_907 {strides = array<i32>} : memref<4x64x128xf32, #tpu.memory_space<vmem>>, vector<1x1x16xf32>,
        %parallel_loop3A_908 = arith.constant 3 : i32
        %parallel_loop3A_909 = arith.index_cast %parallel_loop3A_908 : i32 to index
        %parallel_loop3A_910 = arith.index_cast %parallel_loop3A_793 : i32 to index
        %parallel_loop3A_911 = arith.constant 96 : index
        %parallel_loop3A_912 = tpu.vector_load %arg6[%parallel_loop3A_909, %parallel_loop3A_910, %parallel_loop3A_911] {strides = array<i32>} : memref<4x64x128xf32, #tpu.memory_space<vmem>>, vector<1x1x16xf32>,
        %parallel_loop3A_913 = vector.shape_cast %parallel_loop3A_912 : vector<1x1x16xf32> to vector<16xf32>
        %parallel_loop3A_914 = arith.addi %mul3A_721, %parallel_loop3A_793 : i32
        %parallel_loop3A_915 = arith.index_cast %parallel_loop3A_914 : i32 to index
        %parallel_loop3A_916 = arith.constant 96 : index
        %parallel_loop3A_917 = tpu.vector_load %arg5[%parallel_loop3A_915, %parallel_loop3A_916] {strides = array<i32>} : memref<256x128xf32, #tpu.memory_space<vmem>>, vector<1x16xf32>,
        %parallel_loop3A_918 = vector.shape_cast %parallel_loop3A_917 : vector<1x16xf32> to vector<16xf32>
        %parallel_loop3A_919 = arith.addf %parallel_loop3A_913, %parallel_loop3A_918 : vector<16xf32>
        %parallel_loop3A_920 = arith.constant 3 : i32
        %parallel_loop3A_921 = arith.index_cast %parallel_loop3A_920 : i32 to index
        %parallel_loop3A_922 = arith.index_cast %parallel_loop3A_793 : i32 to index
        %parallel_loop3A_923 = arith.constant 96 : index
        %parallel_loop3A_924 = tpu.vector_load %arg7[%parallel_loop3A_921, %parallel_loop3A_922, %parallel_loop3A_923] {strides = array<i32>} : memref<4x64x128xf32, #tpu.memory_space<vmem>>, vector<1x1x16xf32>,
        %parallel_loop3A_925 = vector.shape_cast %parallel_loop3A_924 : vector<1x1x16xf32> to vector<16xf32>
        %parallel_loop3A_926 = vector.shape_cast %parallel_loop3A_919 : vector<16xf32> to vector<1x1x16xf32>
        tpu.vector_store %arg7[%parallel_loop3A_921, %parallel_loop3A_922, %parallel_loop3A_923], %parallel_loop3A_926 {strides = array<i32>} : memref<4x64x128xf32, #tpu.memory_space<vmem>>, vector<1x1x16xf32>,
        %parallel_loop3A_927 = arith.constant 3 : i32
        %parallel_loop3A_928 = arith.index_cast %parallel_loop3A_927 : i32 to index
        %parallel_loop3A_929 = arith.index_cast %parallel_loop3A_793 : i32 to index
        %parallel_loop3A_930 = arith.constant 112 : index
        %parallel_loop3A_931 = tpu.vector_load %arg6[%parallel_loop3A_928, %parallel_loop3A_929, %parallel_loop3A_930] {strides = array<i32>} : memref<4x64x128xf32, #tpu.memory_space<vmem>>, vector<1x1x16xf32>,
        %parallel_loop3A_932 = vector.shape_cast %parallel_loop3A_931 : vector<1x1x16xf32> to vector<16xf32>
        %parallel_loop3A_933 = arith.addi %mul3A_721, %parallel_loop3A_793 : i32
        %parallel_loop3A_934 = arith.index_cast %parallel_loop3A_933 : i32 to index
        %parallel_loop3A_935 = arith.constant 112 : index
        %parallel_loop3A_936 = tpu.vector_load %arg5[%parallel_loop3A_934, %parallel_loop3A_935] {strides = array<i32>} : memref<256x128xf32, #tpu.memory_space<vmem>>, vector<1x16xf32>,
        %parallel_loop3A_937 = vector.shape_cast %parallel_loop3A_936 : vector<1x16xf32> to vector<16xf32>
        %parallel_loop3A_938 = arith.addf %parallel_loop3A_932, %parallel_loop3A_937 : vector<16xf32>
        %parallel_loop3A_939 = arith.constant 3 : i32
        %parallel_loop3A_940 = arith.index_cast %parallel_loop3A_939 : i32 to index
        %parallel_loop3A_941 = arith.index_cast %parallel_loop3A_793 : i32 to index
        %parallel_loop3A_942 = arith.constant 112 : index
        %parallel_loop3A_943 = tpu.vector_load %arg7[%parallel_loop3A_940, %parallel_loop3A_941, %parallel_loop3A_942] {strides = array<i32>} : memref<4x64x128xf32, #tpu.memory_space<vmem>>, vector<1x1x16xf32>,
        %parallel_loop3A_944 = vector.shape_cast %parallel_loop3A_943 : vector<1x1x16xf32> to vector<16xf32>
        %parallel_loop3A_945 = vector.shape_cast %parallel_loop3A_938 : vector<16xf32> to vector<1x1x16xf32>
        tpu.vector_store %arg7[%parallel_loop3A_940, %parallel_loop3A_941, %parallel_loop3A_942], %parallel_loop3A_945 {strides = array<i32>} : memref<4x64x128xf32, #tpu.memory_space<vmem>>, vector<1x1x16xf32>,
      } {sc.loop_unroll_factor = 4 : i64, sc.parallel_access}
      %jit3A_725 = arith.constant 4 : i32
      %div3A_726 = arith.divsi %add3A_637, %jit3A_725 : i32
      %sign3A_727 = arith.constant 0 : i32
      %sign3A_728 = arith.cmpi sgt, %add3A_637, %sign3A_727 : i32
      %sign3A_729 = arith.extui %sign3A_728 : i1 to i32
      %sign3A_730 = arith.constant 0 : i32
      %sign3A_731 = arith.cmpi slt, %add3A_637, %sign3A_730 : i32
      %sign3A_732 = arith.extui %sign3A_731 : i1 to i32
      %sign3A_733 = arith.subi %sign3A_729, %sign3A_732 : i32
      %sign3A_734 = arith.constant 0 : i32
      %sign3A_735 = arith.cmpi sgt, %jit3A_725, %sign3A_734 : i32
      %sign3A_736 = arith.extui %sign3A_735 : i1 to i32
      %sign3A_737 = arith.constant 0 : i32
      %sign3A_738 = arith.cmpi slt, %jit3A_725, %sign3A_737 : i32
      %sign3A_739 = arith.extui %sign3A_738 : i1 to i32
      %sign3A_740 = arith.subi %sign3A_736, %sign3A_739 : i32
      %ne3A_741 = arith.cmpi ne, %sign3A_733, %sign3A_740 : i32
      %rem3A_742 = arith.remsi %add3A_637, %jit3A_725 : i32
      %ne3A_743 = arith.constant 0 : i32
      %ne3A_744 = arith.cmpi ne, %rem3A_742, %ne3A_743 : i32
      %and3A_745 = arith.andi %ne3A_741, %ne3A_744 : i1
      %sub3A_746 = arith.constant 1 : i32
      %sub3A_747 = arith.subi %div3A_726, %sub3A_746 : i32
      %select_n3A_748 = arith.select %and3A_745, %sub3A_747, %div3A_726 : i32
      %jit3A_749 = arith.constant 4 : i32
      %eq3A_750 = arith.constant 0 : i32
      %eq3A_751 = arith.cmpi eq, %jit3A_749, %eq3A_750 : i32
      %jit3A_752 = arith.constant 1 : i32
      %select_n3A_753 = arith.select %eq3A_751, %jit3A_752, %jit3A_749 : i32
      %rem3A_754 = arith.remsi %add3A_637, %select_n3A_753 : i32
      %ne3A_755 = arith.constant 0 : i32
      %ne3A_756 = arith.cmpi ne, %rem3A_754, %ne3A_755 : i32
      %lt3A_757 = arith.constant 0 : i32
      %lt3A_758 = arith.cmpi slt, %rem3A_754, %lt3A_757 : i32
      %lt3A_759 = arith.constant 0 : i32
      %lt3A_760 = arith.cmpi slt, %select_n3A_753, %lt3A_759 : i32
      %ne3A_761 = arith.xori %lt3A_758, %lt3A_760 : i1
      %and3A_762 = arith.andi %ne3A_761, %ne3A_756 : i1
      %add3A_763 = arith.addi %rem3A_754, %select_n3A_753 : i32
      %select_n3A_764 = arith.select %and3A_762, %add3A_763, %rem3A_754 : i32
      %mul3A_765 = arith.constant 64 : i32
      %mul3A_766 = arith.muli %select_n3A_764, %mul3A_765 : i32
      %add3A_767 = arith.addi %mul3A_2, %mul3A_766 : i32
      %dma_start3A_768 = arith.constant 3 : i32
      %dma_start3A_769 = arith.constant 3 : i32
      %dma_start3A_770 = arith.constant 0 : i32
      %dma_start3A_771 = arith.constant 0 : i32
      %dma_start3A_772 = tpu.memref_slice %arg7[%dma_start3A_768, %dma_start3A_770, %dma_start3A_771] : memref<4x64x128xf32, #tpu.memory_space<vmem>> -> memref<1x64x128xf32, #tpu.memory_space<vmem>>
      %dma_start3A_773 = tpu.memref_squeeze %dma_start3A_772 : memref<1x64x128xf32, #tpu.memory_space<vmem>> -> memref<64x128xf32, #tpu.memory_space<vmem>>
      %dma_start3A_774 = arith.constant 0 : i32
      %dma_start3A_775 = tpu.memref_slice %arg4[%select_n3A_748, %add3A_767, %dma_start3A_774] : memref<4x8192x128xf32, #tpu.memory_space<hbm>> -> memref<1x64x128xf32, #tpu.memory_space<hbm>>
      %dma_start3A_776 = tpu.memref_squeeze %dma_start3A_775 : memref<1x64x128xf32, #tpu.memory_space<hbm>> -> memref<64x128xf32, #tpu.memory_space<hbm>>
      %dma_start3A_777 = tpu.memref_slice %arg9[%dma_start3A_769] : memref<4x!tpu.dma_semaphore, #tpu.memory_space<semaphore_mem>> -> memref<1x!tpu.dma_semaphore, #tpu.memory_space<semaphore_mem>>
      %dma_start3A_778 = tpu.memref_squeeze %dma_start3A_777 : memref<1x!tpu.dma_semaphore, #tpu.memory_space<semaphore_mem>> -> memref<!tpu.dma_semaphore, #tpu.memory_space<semaphore_mem>>
      %dma_start3A_779 = arith.constant 0 : i32
      %dma_start3A_780 = tpu.memref_slice %arg4[%select_n3A_748, %add3A_767, %dma_start3A_779] : memref<4x8192x128xf32, #tpu.memory_space<hbm>> -> memref<1x64x128xf32, #tpu.memory_space<hbm>>
      %dma_start3A_781 = tpu.memref_squeeze %dma_start3A_780 : memref<1x64x128xf32, #tpu.memory_space<hbm>> -> memref<64x128xf32, #tpu.memory_space<hbm>>
      %dma_start3A_782 = arith.constant 0 : i32
      %dma_start3A_783 = arith.constant 0 : i32
      %dma_start3A_784 = tpu.memref_slice %arg7[%dma_start3A_768, %dma_start3A_782, %dma_start3A_783] : memref<4x64x128xf32, #tpu.memory_space<vmem>> -> memref<1x64x128xf32, #tpu.memory_space<vmem>>
      %dma_start3A_785 = tpu.memref_squeeze %dma_start3A_784 : memref<1x64x128xf32, #tpu.memory_space<vmem>> -> memref<64x128xf32, #tpu.memory_space<vmem>>
      tpu.enqueue_dma source(%dma_start3A_785 : memref<64x128xf32, #tpu.memory_space<vmem>>) target(%dma_start3A_781 : memref<64x128xf32, #tpu.memory_space<hbm>>) target_semaphore(%dma_start3A_778 : memref<!tpu.dma_semaphore, #tpu.memory_space<semaphore_mem>>)
      %add3A_786 = arith.constant 4 : i32
      %add3A_787 = arith.addi %add3A_177, %add3A_786 : i32
      %lt3A_788 = arith.constant 16 : i32
      %lt3A_789 = arith.cmpi slt, %add3A_787, %lt3A_788 : i32
      %convert_element_type3A_790 = arith.extui %lt3A_789 : i1 to i32
      %cond3A_791 = arith.constant 0 : i32
      %cond3A_792 = arith.cmpi ne, %convert_element_type3A_790, %cond3A_791 : i32
      scf.if %cond3A_792 {
        %add3A_793 = arith.constant 4 : i32
        %add3A_794 = arith.addi %add3A_637, %add3A_793 : i32
        %jit3A_795 = arith.constant 4 : i32
        %div3A_796 = arith.divsi %add3A_794, %jit3A_795 : i32
        %sign3A_797 = arith.constant 0 : i32
        %sign3A_798 = arith.cmpi sgt, %add3A_794, %sign3A_797 : i32
        %sign3A_799 = arith.extui %sign3A_798 : i1 to i32
        %sign3A_800 = arith.constant 0 : i32
        %sign3A_801 = arith.cmpi slt, %add3A_794, %sign3A_800 : i32
        %sign3A_802 = arith.extui %sign3A_801 : i1 to i32
        %sign3A_803 = arith.subi %sign3A_799, %sign3A_802 : i32
        %sign3A_804 = arith.constant 0 : i32
        %sign3A_805 = arith.cmpi sgt, %jit3A_795, %sign3A_804 : i32
        %sign3A_806 = arith.extui %sign3A_805 : i1 to i32
        %sign3A_807 = arith.constant 0 : i32
        %sign3A_808 = arith.cmpi slt, %jit3A_795, %sign3A_807 : i32
        %sign3A_809 = arith.extui %sign3A_808 : i1 to i32
        %sign3A_810 = arith.subi %sign3A_806, %sign3A_809 : i32
        %ne3A_811 = arith.cmpi ne, %sign3A_803, %sign3A_810 : i32
        %rem3A_812 = arith.remsi %add3A_794, %jit3A_795 : i32
        %ne3A_813 = arith.constant 0 : i32
        %ne3A_814 = arith.cmpi ne, %rem3A_812, %ne3A_813 : i32
        %and3A_815 = arith.andi %ne3A_811, %ne3A_814 : i1
        %sub3A_816 = arith.constant 1 : i32
        %sub3A_817 = arith.subi %div3A_796, %sub3A_816 : i32
        %select_n3A_818 = arith.select %and3A_815, %sub3A_817, %div3A_796 : i32
        %jit3A_819 = arith.constant 4 : i32
        %eq3A_820 = arith.constant 0 : i32
        %eq3A_821 = arith.cmpi eq, %jit3A_819, %eq3A_820 : i32
        %jit3A_822 = arith.constant 1 : i32
        %select_n3A_823 = arith.select %eq3A_821, %jit3A_822, %jit3A_819 : i32
        %rem3A_824 = arith.remsi %add3A_794, %select_n3A_823 : i32
        %ne3A_825 = arith.constant 0 : i32
        %ne3A_826 = arith.cmpi ne, %rem3A_824, %ne3A_825 : i32
        %lt3A_827 = arith.constant 0 : i32
        %lt3A_828 = arith.cmpi slt, %rem3A_824, %lt3A_827 : i32
        %lt3A_829 = arith.constant 0 : i32
        %lt3A_830 = arith.cmpi slt, %select_n3A_823, %lt3A_829 : i32
        %ne3A_831 = arith.xori %lt3A_828, %lt3A_830 : i1
        %and3A_832 = arith.andi %ne3A_831, %ne3A_826 : i1
        %add3A_833 = arith.addi %rem3A_824, %select_n3A_823 : i32
        %select_n3A_834 = arith.select %and3A_832, %add3A_833, %rem3A_824 : i32
        %mul3A_835 = arith.constant 64 : i32
        %mul3A_836 = arith.muli %select_n3A_834, %mul3A_835 : i32
        %add3A_837 = arith.addi %mul3A_2, %mul3A_836 : i32
        %dma_start3A_838 = arith.constant 3 : i32
        %dma_start3A_839 = arith.constant 3 : i32
        %dma_start3A_840 = arith.constant 0 : i32
        %dma_start3A_841 = arith.constant 0 : i32
        %dma_start3A_842 = tpu.memref_slice %arg6[%dma_start3A_838, %dma_start3A_840, %dma_start3A_841] : memref<4x64x128xf32, #tpu.memory_space<vmem>> -> memref<1x64x128xf32, #tpu.memory_space<vmem>>
        %dma_start3A_843 = tpu.memref_squeeze %dma_start3A_842 : memref<1x64x128xf32, #tpu.memory_space<vmem>> -> memref<64x128xf32, #tpu.memory_space<vmem>>
        %dma_start3A_844 = arith.constant 0 : i32
        %dma_start3A_845 = tpu.memref_slice %arg2[%select_n3A_818, %add3A_837, %dma_start3A_844] : memref<4x8192x128xf32, #tpu.memory_space<hbm>> -> memref<1x64x128xf32, #tpu.memory_space<hbm>>
        %dma_start3A_846 = tpu.memref_squeeze %dma_start3A_845 : memref<1x64x128xf32, #tpu.memory_space<hbm>> -> memref<64x128xf32, #tpu.memory_space<hbm>>
        %dma_start3A_847 = tpu.memref_slice %arg8[%dma_start3A_839] : memref<4x!tpu.dma_semaphore, #tpu.memory_space<semaphore_mem>> -> memref<1x!tpu.dma_semaphore, #tpu.memory_space<semaphore_mem>>
        %dma_start3A_848 = tpu.memref_squeeze %dma_start3A_847 : memref<1x!tpu.dma_semaphore, #tpu.memory_space<semaphore_mem>> -> memref<!tpu.dma_semaphore, #tpu.memory_space<semaphore_mem>>
        %dma_start3A_849 = arith.constant 0 : i32
        %dma_start3A_850 = arith.constant 0 : i32
        %dma_start3A_851 = tpu.memref_slice %arg6[%dma_start3A_838, %dma_start3A_849, %dma_start3A_850] : memref<4x64x128xf32, #tpu.memory_space<vmem>> -> memref<1x64x128xf32, #tpu.memory_space<vmem>>
        %dma_start3A_852 = tpu.memref_squeeze %dma_start3A_851 : memref<1x64x128xf32, #tpu.memory_space<vmem>> -> memref<64x128xf32, #tpu.memory_space<vmem>>
        %dma_start3A_853 = arith.constant 0 : i32
        %dma_start3A_854 = tpu.memref_slice %arg2[%select_n3A_818, %add3A_837, %dma_start3A_853] : memref<4x8192x128xf32, #tpu.memory_space<hbm>> -> memref<1x64x128xf32, #tpu.memory_space<hbm>>
        %dma_start3A_855 = tpu.memref_squeeze %dma_start3A_854 : memref<1x64x128xf32, #tpu.memory_space<hbm>> -> memref<64x128xf32, #tpu.memory_space<hbm>>
        tpu.enqueue_dma source(%dma_start3A_855 : memref<64x128xf32, #tpu.memory_space<hbm>>) target(%dma_start3A_852 : memref<64x128xf32, #tpu.memory_space<vmem>>) target_semaphore(%dma_start3A_848 : memref<!tpu.dma_semaphore, #tpu.memory_space<semaphore_mem>>)
      } else {
      }
    }
    %scan3A_89 = arith.constant 4 : i32
    %add3A_90 = arith.constant 0 : i32
    %add3A_91 = arith.addi %mul3A_2, %add3A_90 : i32
    %dma_wait3A = arith.constant 0 : i32
    %dma_wait3A_92 = arith.constant 3 : i32
    %dma_wait3A_93 = arith.constant 0 : i32
    %dma_wait3A_94 = arith.constant 0 : i32
    %dma_wait3A_95 = arith.constant 0 : i32
    %dma_wait3A_96 = tpu.memref_slice %arg7[%dma_wait3A, %dma_wait3A_94, %dma_wait3A_95] : memref<4x64x128xf32, #tpu.memory_space<vmem>> -> memref<1x64x128xf32, #tpu.memory_space<vmem>>
    %dma_wait3A_97 = tpu.memref_squeeze %dma_wait3A_96 : memref<1x64x128xf32, #tpu.memory_space<vmem>> -> memref<64x128xf32, #tpu.memory_space<vmem>>
    %dma_wait3A_98 = arith.constant 0 : i32
    %dma_wait3A_99 = tpu.memref_slice %arg4[%dma_wait3A_92, %add3A_91, %dma_wait3A_98] : memref<4x8192x128xf32, #tpu.memory_space<hbm>> -> memref<1x64x128xf32, #tpu.memory_space<hbm>>
    %dma_wait3A_100 = tpu.memref_squeeze %dma_wait3A_99 : memref<1x64x128xf32, #tpu.memory_space<hbm>> -> memref<64x128xf32, #tpu.memory_space<hbm>>
    %dma_wait3A_101 = tpu.memref_slice %arg9[%dma_wait3A_93] : memref<4x!tpu.dma_semaphore, #tpu.memory_space<semaphore_mem>> -> memref<1x!tpu.dma_semaphore, #tpu.memory_space<semaphore_mem>>
    %dma_wait3A_102 = tpu.memref_squeeze %dma_wait3A_101 : memref<1x!tpu.dma_semaphore, #tpu.memory_space<semaphore_mem>> -> memref<!tpu.dma_semaphore, #tpu.memory_space<semaphore_mem>>
    %dma_wait3A_103 = arith.constant 0 : i32
    %dma_wait3A_104 = tpu.memref_slice %arg4[%dma_wait3A_92, %add3A_91, %dma_wait3A_103] : memref<4x8192x128xf32, #tpu.memory_space<hbm>> -> memref<1x64x128xf32, #tpu.memory_space<hbm>>
    %dma_wait3A_105 = tpu.memref_squeeze %dma_wait3A_104 : memref<1x64x128xf32, #tpu.memory_space<hbm>> -> memref<64x128xf32, #tpu.memory_space<hbm>>
    %dma_wait3A_106 = arith.constant 0 : i32
    %dma_wait3A_107 = arith.constant 0 : i32
    %dma_wait3A_108 = tpu.memref_slice %arg7[%dma_wait3A, %dma_wait3A_106, %dma_wait3A_107] : memref<4x64x128xf32, #tpu.memory_space<vmem>> -> memref<1x64x128xf32, #tpu.memory_space<vmem>>
    %dma_wait3A_109 = tpu.memref_squeeze %dma_wait3A_108 : memref<1x64x128xf32, #tpu.memory_space<vmem>> -> memref<64x128xf32, #tpu.memory_space<vmem>>
    tpu.wait_dma2 semaphore(%dma_wait3A_102 : memref<!tpu.dma_semaphore, #tpu.memory_space<semaphore_mem>>) src(%dma_wait3A_109 : memref<64x128xf32, #tpu.memory_space<vmem>>) dst(%dma_wait3A_105 : memref<64x128xf32, #tpu.memory_space<hbm>>)
    %add3A_110 = arith.constant 64 : i32
    %add3A_111 = arith.addi %mul3A_2, %add3A_110 : i32
    %dma_wait3A_112 = arith.constant 1 : i32
    %dma_wait3A_113 = arith.constant 3 : i32
    %dma_wait3A_114 = arith.constant 1 : i32
    %dma_wait3A_115 = arith.constant 0 : i32
    %dma_wait3A_116 = arith.constant 0 : i32
    %dma_wait3A_117 = tpu.memref_slice %arg7[%dma_wait3A_112, %dma_wait3A_115, %dma_wait3A_116] : memref<4x64x128xf32, #tpu.memory_space<vmem>> -> memref<1x64x128xf32, #tpu.memory_space<vmem>>
    %dma_wait3A_118 = tpu.memref_squeeze %dma_wait3A_117 : memref<1x64x128xf32, #tpu.memory_space<vmem>> -> memref<64x128xf32, #tpu.memory_space<vmem>>
    %dma_wait3A_119 = arith.constant 0 : i32
    %dma_wait3A_120 = tpu.memref_slice %arg4[%dma_wait3A_113, %add3A_111, %dma_wait3A_119] : memref<4x8192x128xf32, #tpu.memory_space<hbm>> -> memref<1x64x128xf32, #tpu.memory_space<hbm>>
    %dma_wait3A_121 = tpu.memref_squeeze %dma_wait3A_120 : memref<1x64x128xf32, #tpu.memory_space<hbm>> -> memref<64x128xf32, #tpu.memory_space<hbm>>
    %dma_wait3A_122 = tpu.memref_slice %arg9[%dma_wait3A_114] : memref<4x!tpu.dma_semaphore, #tpu.memory_space<semaphore_mem>> -> memref<1x!tpu.dma_semaphore, #tpu.memory_space<semaphore_mem>>
    %dma_wait3A_123 = tpu.memref_squeeze %dma_wait3A_122 : memref<1x!tpu.dma_semaphore, #tpu.memory_space<semaphore_mem>> -> memref<!tpu.dma_semaphore, #tpu.memory_space<semaphore_mem>>
    %dma_wait3A_124 = arith.constant 0 : i32
    %dma_wait3A_125 = tpu.memref_slice %arg4[%dma_wait3A_113, %add3A_111, %dma_wait3A_124] : memref<4x8192x128xf32, #tpu.memory_space<hbm>> -> memref<1x64x128xf32, #tpu.memory_space<hbm>>
    %dma_wait3A_126 = tpu.memref_squeeze %dma_wait3A_125 : memref<1x64x128xf32, #tpu.memory_space<hbm>> -> memref<64x128xf32, #tpu.memory_space<hbm>>
    %dma_wait3A_127 = arith.constant 0 : i32
    %dma_wait3A_128 = arith.constant 0 : i32
    %dma_wait3A_129 = tpu.memref_slice %arg7[%dma_wait3A_112, %dma_wait3A_127, %dma_wait3A_128] : memref<4x64x128xf32, #tpu.memory_space<vmem>> -> memref<1x64x128xf32, #tpu.memory_space<vmem>>
    %dma_wait3A_130 = tpu.memref_squeeze %dma_wait3A_129 : memref<1x64x128xf32, #tpu.memory_space<vmem>> -> memref<64x128xf32, #tpu.memory_space<vmem>>
    tpu.wait_dma2 semaphore(%dma_wait3A_123 : memref<!tpu.dma_semaphore, #tpu.memory_space<semaphore_mem>>) src(%dma_wait3A_130 : memref<64x128xf32, #tpu.memory_space<vmem>>) dst(%dma_wait3A_126 : memref<64x128xf32, #tpu.memory_space<hbm>>)
    %add3A_131 = arith.constant 128 : i32
    %add3A_132 = arith.addi %mul3A_2, %add3A_131 : i32
    %dma_wait3A_133 = arith.constant 2 : i32
    %dma_wait3A_134 = arith.constant 3 : i32
    %dma_wait3A_135 = arith.constant 2 : i32
    %dma_wait3A_136 = arith.constant 0 : i32
    %dma_wait3A_137 = arith.constant 0 : i32
    %dma_wait3A_138 = tpu.memref_slice %arg7[%dma_wait3A_133, %dma_wait3A_136, %dma_wait3A_137] : memref<4x64x128xf32, #tpu.memory_space<vmem>> -> memref<1x64x128xf32, #tpu.memory_space<vmem>>
    %dma_wait3A_139 = tpu.memref_squeeze %dma_wait3A_138 : memref<1x64x128xf32, #tpu.memory_space<vmem>> -> memref<64x128xf32, #tpu.memory_space<vmem>>
    %dma_wait3A_140 = arith.constant 0 : i32
    %dma_wait3A_141 = tpu.memref_slice %arg4[%dma_wait3A_134, %add3A_132, %dma_wait3A_140] : memref<4x8192x128xf32, #tpu.memory_space<hbm>> -> memref<1x64x128xf32, #tpu.memory_space<hbm>>
    %dma_wait3A_142 = tpu.memref_squeeze %dma_wait3A_141 : memref<1x64x128xf32, #tpu.memory_space<hbm>> -> memref<64x128xf32, #tpu.memory_space<hbm>>
    %dma_wait3A_143 = tpu.memref_slice %arg9[%dma_wait3A_135] : memref<4x!tpu.dma_semaphore, #tpu.memory_space<semaphore_mem>> -> memref<1x!tpu.dma_semaphore, #tpu.memory_space<semaphore_mem>>
    %dma_wait3A_144 = tpu.memref_squeeze %dma_wait3A_143 : memref<1x!tpu.dma_semaphore, #tpu.memory_space<semaphore_mem>> -> memref<!tpu.dma_semaphore, #tpu.memory_space<semaphore_mem>>
    %dma_wait3A_145 = arith.constant 0 : i32
    %dma_wait3A_146 = tpu.memref_slice %arg4[%dma_wait3A_134, %add3A_132, %dma_wait3A_145] : memref<4x8192x128xf32, #tpu.memory_space<hbm>> -> memref<1x64x128xf32, #tpu.memory_space<hbm>>
    %dma_wait3A_147 = tpu.memref_squeeze %dma_wait3A_146 : memref<1x64x128xf32, #tpu.memory_space<hbm>> -> memref<64x128xf32, #tpu.memory_space<hbm>>
    %dma_wait3A_148 = arith.constant 0 : i32
    %dma_wait3A_149 = arith.constant 0 : i32
    %dma_wait3A_150 = tpu.memref_slice %arg7[%dma_wait3A_133, %dma_wait3A_148, %dma_wait3A_149] : memref<4x64x128xf32, #tpu.memory_space<vmem>> -> memref<1x64x128xf32, #tpu.memory_space<vmem>>
    %dma_wait3A_151 = tpu.memref_squeeze %dma_wait3A_150 : memref<1x64x128xf32, #tpu.memory_space<vmem>> -> memref<64x128xf32, #tpu.memory_space<vmem>>
    tpu.wait_dma2 semaphore(%dma_wait3A_144 : memref<!tpu.dma_semaphore, #tpu.memory_space<semaphore_mem>>) src(%dma_wait3A_151 : memref<64x128xf32, #tpu.memory_space<vmem>>) dst(%dma_wait3A_147 : memref<64x128xf32, #tpu.memory_space<hbm>>)
    %add3A_152 = arith.constant 192 : i32
    %add3A_153 = arith.addi %mul3A_2, %add3A_152 : i32
    %dma_wait3A_154 = arith.constant 3 : i32
    %dma_wait3A_155 = arith.constant 3 : i32
    %dma_wait3A_156 = arith.constant 3 : i32
    %dma_wait3A_157 = arith.constant 0 : i32
    %dma_wait3A_158 = arith.constant 0 : i32
    %dma_wait3A_159 = tpu.memref_slice %arg7[%dma_wait3A_154, %dma_wait3A_157, %dma_wait3A_158] : memref<4x64x128xf32, #tpu.memory_space<vmem>> -> memref<1x64x128xf32, #tpu.memory_space<vmem>>
    %dma_wait3A_160 = tpu.memref_squeeze %dma_wait3A_159 : memref<1x64x128xf32, #tpu.memory_space<vmem>> -> memref<64x128xf32, #tpu.memory_space<vmem>>
    %dma_wait3A_161 = arith.constant 0 : i32
    %dma_wait3A_162 = tpu.memref_slice %arg4[%dma_wait3A_155, %add3A_153, %dma_wait3A_161] : memref<4x8192x128xf32, #tpu.memory_space<hbm>> -> memref<1x64x128xf32, #tpu.memory_space<hbm>>
    %dma_wait3A_163 = tpu.memref_squeeze %dma_wait3A_162 : memref<1x64x128xf32, #tpu.memory_space<hbm>> -> memref<64x128xf32, #tpu.memory_space<hbm>>
    %dma_wait3A_164 = tpu.memref_slice %arg9[%dma_wait3A_156] : memref<4x!tpu.dma_semaphore, #tpu.memory_space<semaphore_mem>> -> memref<1x!tpu.dma_semaphore, #tpu.memory_space<semaphore_mem>>
    %dma_wait3A_165 = tpu.memref_squeeze %dma_wait3A_164 : memref<1x!tpu.dma_semaphore, #tpu.memory_space<semaphore_mem>> -> memref<!tpu.dma_semaphore, #tpu.memory_space<semaphore_mem>>
    %dma_wait3A_166 = arith.constant 0 : i32
    %dma_wait3A_167 = tpu.memref_slice %arg4[%dma_wait3A_155, %add3A_153, %dma_wait3A_166] : memref<4x8192x128xf32, #tpu.memory_space<hbm>> -> memref<1x64x128xf32, #tpu.memory_space<hbm>>
    %dma_wait3A_168 = tpu.memref_squeeze %dma_wait3A_167 : memref<1x64x128xf32, #tpu.memory_space<hbm>> -> memref<64x128xf32, #tpu.memory_space<hbm>>
    %dma_wait3A_169 = arith.constant 0 : i32
    %dma_wait3A_170 = arith.constant 0 : i32
    %dma_wait3A_171 = tpu.memref_slice %arg7[%dma_wait3A_154, %dma_wait3A_169, %dma_wait3A_170] : memref<4x64x128xf32, #tpu.memory_space<vmem>> -> memref<1x64x128xf32, #tpu.memory_space<vmem>>
    %dma_wait3A_172 = tpu.memref_squeeze %dma_wait3A_171 : memref<1x64x128xf32, #tpu.memory_space<vmem>> -> memref<64x128xf32, #tpu.memory_space<vmem>>
    tpu.wait_dma2 semaphore(%dma_wait3A_165 : memref<!tpu.dma_semaphore, #tpu.memory_space<semaphore_mem>>) src(%dma_wait3A_172 : memref<64x128xf32, #tpu.memory_space<vmem>>) dst(%dma_wait3A_168 : memref<64x128xf32, #tpu.memory_space<hbm>>)
    return
  }
}

</mosaic_0001>

<sc_bundles>
// kernel: kernel.3.cloned.1.call-start
scs
__scs_entry_jumppad:
0x0: {  	(pc) =	sbr.rel $0x88, $3  }
0x1: {  	(tag) =	ssettag $0x0;
	lr =	simm.s32 $0x1  }
0x2: {  	[smem:$0x3F9F] =	sst lr;
	_ =	strace $0xD0000000  }
0x3: {  	_ = 	snop  }
0x4: {  	_ = 	snop  }
0x5: {  	_ = 	snop  }
0x6: {  	_ = 	snop  }
0x7: {  	_ = 	snop  }
__scs_overlays_trampoline_lowered:
0x8: {  	[smem:$0x3FAE] =	sst s0  }
0x9: {  	[smem:$0x3FAF] =	sst s1  }
0xa: {  	[smem:$0x3FB0] =	sst s2  }
0xb: {  	[smem:$0x3FB1] =	sst s3  }
0xc: {  	[smem:$0x3FB2] =	sst s4  }
0xd: {  	[smem:$0x3FB3] =	sst s5  }
0xe: {  	[smem:$0x3FB4] =	sst s6  }
0xf: {  	[smem:$0x3FB5] =	sst s7  }
0x10: {  	[smem:$0x3FB6] =	sst s8  }
0x11: {  	[smem:$0x3FB7] =	sst s9;
	s0 =	simm.s32 @!p0 $0x0  }
0x12: {  	s1 =	sld [smem:$0x3F9D];
	s0 =	simm.s32 @p0 $0x1  }
0x13: {  	[smem:$0x3FB8] =	sst s0;
	s0 =	simm.s32 @!p1 $0x0  }
0x14: {  	s2 =	sld [smem:$0x3F9C];
	s0 =	simm.s32 @p1 $0x1  }
0x15: {  	[smem:$0x3FB9] =	sst s0;
	s0 =	simm.s32 @!p2 $0x0  }
0x16: {  	s3 =	sld [smem:$0x3FDB];
	s0 =	simm.s32 @p2 $0x1  }
0x17: {  	s4 =	simm.s32 $0x1BF5;
	[smem:$0x3FBB] =	sst s0  }
0x18: {  	s0 =	sld [smem:$0x3F9E];
	_ =	swait.ge [sflag:s4], $0x0  }
0x19: {  	s7 =	sld [smem:$0x3F9F]  }
0x1a: {  	s8 =	sadd.s32 $0xFFFFE003, lr  }
0x1b: {  	s9 =	sadd.s32 $0xFFFFFEF7, lr;
	s5 =	simm.s32 $0xFFFFFFFF;
	p2 =	slt.u32 s8, $0xFFFFF086  }
0x1c: {  	p1 =	slt.u32 s9, $0xF7A;
	s5 =	simm.s32 @!p2 $0x0  }
0x1d: {  	s5 =	simm.s32 @p1 $0x1;
	p0 =	seq.s32 s7, s2  }
0x1e: {  	s7 =	smul.u32 @!p0 $0xF7A, s2;
	p2 =	seq.s32 @!p0 s5, $0x0  }
0x1f: {  	s9 =	smul.u32 $0xF7A, s1;
	s8 =	simm.s32 @!p0 $0x1BF5;
	p2 =	por !p2, p0  }
0x20: {  	[sflag:s8] =	ssyncset.s32 @!p0 $0xFFFFF086;
	s6 =	sadd.s32 @!p0 s3, s7;
	s7 =	simm.s32 @!p0 $0x108  }
0x21: {  	s3 =	sadd.s32 s3, s9;
	s6 =	sadd.s32 @!p0 $0x88, s6;
	s7 =	simm.s32 @p2 $0x1082  }
0x22: {  	[simem:s7], [sflag:s8] =	dma.local @!p0 [hbm:s6], $0xF7A  }
0x23: {  	s9 =	sor.u32 $0xD0000000, s2;
	s6 =	simm.s32 $0x108;
	_ =	swait.ge @!p0 [sflag:s8], $0x0  }
0x24: {  	s3 =	sadd.s32 $0x88, s3;
	s6 =	simm.s32 @!p1 $0x1082;
	[sflag:s4] =	ssyncset.s32 $0xFFFFF086  }
0x25: {  	[simem:s6], [sflag:s4] =	dma.local [hbm:s3], $0xF7A  }
0x26: {  	[smem:$0x3F9F] =	sst s1;
	(tag) =	ssettag s2;
	_ =	strace s9  }
0x27: {  	s1 =	sld [smem:$0x3FAF]  }
0x28: {  	s2 =	sld [smem:$0x3FB0]  }
0x29: {  	s4 =	sld [smem:$0x3FB2]  }
0x2a: {  	p0 =	seq.s32 s5, $0x0;
	s5 =	sld [smem:$0x3FB3]  }
0x2b: {  	s6 =	sld [smem:$0x3FB4]  }
0x2c: {  	s7 =	sld [smem:$0x3FB5]  }
0x2d: {  	s3 =	simm.s32 $0x108;
	s8 =	sld [smem:$0x3FB6]  }
0x2e: {  	s3 =	simm.s32 @!p0 $0x1082;
	s9 =	sld [smem:$0x3FB7]  }
0x2f: {  	lr =	sadd.s32 s0, s3;
	s0 =	sld [smem:$0x3FAE]  }
0x30: {  	s3 =	sld [smem:$0x3FB1]  }
0x31: {  	[smem:$0x3FBA] =	sst s10  }
0x32: {  	s10 =	sld [smem:$0x3FB8];
	_ =	sdelay $0x3  }
0x33: {  	p0 =	seq.s32 s10, $0x1;
	s10 =	sld [smem:$0x3FBA];
	_ =	sdelay $0x3  }
0x34: {  	[smem:$0x3FBA] =	sst s10  }
0x35: {  	s10 =	sld [smem:$0x3FB9];
	_ =	sdelay $0x3  }
0x36: {  	p1 =	seq.s32 s10, $0x1;
	s10 =	sld [smem:$0x3FBA];
	_ =	sdelay $0x3  }
0x37: {  	[smem:$0x3FBA] =	sst s10  }
0x38: {  	s10 =	sld [smem:$0x3FBB]  }
0x39: {  	_ = 	snop;
	(pc) =	sbr.ind lr, $3  }
0x3a: {  	_ = 	snop  }
0x3b: {  	_ = 	snop  }
0x3c: {  	p2 =	seq.s32 s10, $0x1;
	s10 =	sld [smem:$0x3FBA]  }
0x3d: {  	_ =	shalt  }
0x3e: {  	_ =	shalt  }
0x3f: {  	_ =	shalt  }
0x40: {  	_ =	shalt  }
0x41: {  	_ =	shalt  }
0x42: {  	_ =	shalt  }
0x43: {  	_ =	shalt  }
0x44: {  	_ =	shalt  }
0x45: {  	_ =	shalt  }
0x46: {  	_ =	shalt  }
0x47: {  	_ =	shalt  }
0x48: {  	_ =	shalt  }
0x49: {  	_ =	shalt  }
0x4a: {  	_ =	shalt  }
0x4b: {  	_ =	shalt  }
0x4c: {  	_ =	shalt  }
0x4d: {  	_ =	shalt  }
0x4e: {  	_ =	shalt  }
0x4f: {  	_ =	shalt  }
0x50: {  	_ =	shalt  }
0x51: {  	_ =	shalt  }
0x52: {  	_ =	shalt  }
0x53: {  	_ =	shalt  }
0x54: {  	_ =	shalt  }
0x55: {  	_ =	shalt  }
0x56: {  	_ =	shalt  }
0x57: {  	_ =	shalt  }
0x58: {  	_ =	shalt  }
0x59: {  	_ =	shalt  }
0x5a: {  	_ =	shalt  }
0x5b: {  	_ =	shalt  }
0x5c: {  	_ =	shalt  }
0x5d: {  	_ =	shalt  }
0x5e: {  	_ =	shalt  }
0x5f: {  	_ =	shalt  }
0x60: {  	_ =	shalt  }
0x61: {  	_ =	shalt  }
0x62: {  	_ =	shalt  }
0x63: {  	_ =	shalt  }
0x64: {  	_ =	shalt  }
0x65: {  	_ =	shalt  }
0x66: {  	_ =	shalt  }
0x67: {  	_ =	shalt  }
0x68: {  	_ =	shalt  }
0x69: {  	_ =	shalt  }
0x6a: {  	_ =	shalt  }
0x6b: {  	_ =	shalt  }
0x6c: {  	_ =	shalt  }
0x6d: {  	_ =	shalt  }
0x6e: {  	_ =	shalt  }
0x6f: {  	_ =	shalt  }
0x70: {  	_ =	shalt  }
0x71: {  	_ =	shalt  }
0x72: {  	_ =	shalt  }
0x73: {  	_ =	shalt  }
0x74: {  	_ =	shalt  }
0x75: {  	_ =	shalt  }
0x76: {  	_ =	shalt  }
0x77: {  	_ =	shalt  }
0x78: {  	_ =	shalt  }
0x79: {  	_ =	shalt  }
0x7a: {  	_ =	shalt  }
0x7b: {  	_ =	shalt  }
0x7c: {  	_ =	shalt  }
0x7d: {  	_ =	shalt  }
0x7e: {  	_ =	shalt  }
0x7f: {  	_ =	shalt  }
0x80: {  	_ =	shalt  }
0x81: {  	_ =	shalt  }
0x82: {  	_ =	shalt  }
0x83: {  	_ =	shalt  }
0x84: {  	_ =	shalt  }
0x85: {  	_ =	shalt  }
0x86: {  	_ =	shalt  }
0x87: {  	_ =	shalt  }
.Lfunc_end0:
.L_simem_size_0:
called_computation_lowered:
.L_overlay_start_0:
0x88: {  	s2 =	sld [smem:$0x3FD9]  }
0x89: {  	s3 =	sld [smem:$0x3FFE];
	_ =	sdelay $0x1  }
0x8a: {  	s1 =	srdreg.scid  }
0x8b: {  	s0 =	sand.u32 $0x1, s1  }
0x8c: {  	s18 =	sshll.u32 s0, $0xA;
	s2 =	sadd.s32 s3, s2  }
0x8d: {  	s2 =	sadd.s32 s2, s18  }
0x8e: {  	[smem:$0x3FC6] =	sst s2  }
0x8f: {  	_ = 	snop  }
0x90: {  	s2 =	sld [smem:$0x3FC9]  }
0x91: {  	s19 =	sld [smem:$0x3FC8]  }
0x92: {  	s4 =	sld [smem:$0x3FD0];
	(tm) =	ssettm $0x1  }
0x93: {  	s5 =	sld [smem:$0x3FFB];
	_ =	sdelay $0x3  }
0x94: {  	_ =	strace s5  }
0x95: {  	s5 =	sld [smem:$0x3FFC];
	_ =	sdelay $0x3  }
0x96: {  	_ =	strace s5  }
0x97: {  	s5 =	sld [smem:$0x3FFD];
	_ =	sdelay $0x3  }
0x98: {  	_ =	strace s5  }
0x99: {  	_ =	strace $0x8FFFFFFF  }
0x9a: {  	s20 =	sld [smem:$0x3FDB];
	_ =	sdelay $0x1  }
0x9b: {  	s6 =	simm.s32 $_scs_section_size  }
0x9c: {  	s7 =	simm.s32 $_size__tile_overlayer_lowered;
	s8 =	simm.s32 $_tile_overlayer_lowered  }
0x9d: {  	s23 =	simm.s32 $0x1BFF;
	s22 =	sshll.u32 s8, $0x1;
	s5 =	sadd.s32 s6, s20  }
0x9e: {  	s9 =	simm.s32 $0x0;
	s21 =	sshll.u32 s7, $0x1;
	s7 =	sadd.s32 s22, s5  }
0x9f: {  	[timem:s9], [sflag:s23] =	dma.local [hbm:s7], s21  }
0xa0: {  	_ =	swait.ge [sflag:s23], s21  }
0xa1: {  	s6 =	ssub.s32 $0x0, s21;
	[sflag:s23] =	ssyncset.done $0x0  }
0xa2: {  	[sflag:s23] =	ssyncadd.s32 s6;
	_ =	sdelay $0x1  }
0xa3: {  	s24 =	simm.s32 $0x1B8B  }
0xa4: {  	_ =	swait.ge [sflag:s24], $0x1  }
0xa5: {  	[sflag:s24] =	ssyncset.done $0x0  }
0xa6: {  	s25 =	simm.s32 $0x1B8E;
	[sflag:s24] =	ssyncadd.s32 $0xFFFFFFFF  }
0xa7: {  	s26 =	simm.s32 $execute0_lowered;
	[smem:$0x3FD2] =	sst s25  }
0xa8: {  	s6 =	sshll.u32 s26, $0x1;
	_ =	strace $0x80000046;
	[dreg:$0x1] =	wrdreg $0xFFFFFFFF  }
0xa9: {  	s28 =	simm.s32 $_size_execute0_lowered;
	s5 =	sadd.s32 s5, s6;
	[dreg:$0x0] =	wrdreg $0x0  }
0xaa: {  	s6 =	sshll.u32 s28, $0x1;
	[dreg:$0x2] =	wrdreg s5  }
0xab: {  	[dreg:$0x3] =	wrdreg s6  }
0xac: {  	[dreg:$0x4] =	wrdreg $0xC0  }
0xad: {  	_ =	task [dreg:s9], $0x5FFFF  }
0xae: {  	[dreg:$0x1] =	wrdreg $0xFFFFFFFF  }
0xaf: {  	[dreg:$0x0] =	wrdreg $0x60  }
0xb0: {  	[dreg:$0x2] =	wrdreg s2  }
0xb1: {  	[dreg:$0x3] =	wrdreg s19  }
0xb2: {  	[dreg:$0x4] =	wrdreg s4  }
0xb3: {  	[dreg:$0x5] =	wrdreg $0x9  }
0xb4: {  	_ =	task.clear_ibuf [dreg:s9], $0x6FFFF;
	_ =	strace $0x90000046  }
0xb5: {  	s29 =	simm.s32 $0x9;
	_ =	strace $0x80000048  }
0xb6: {  	_ =	swait.ge [sflag:s29], $0x1  }
0xb7: {  	[sflag:s29] =	ssyncadd.s32 $0xFFFFFFFF  }
0xb8: {  	_ =	strace $0x90000048  }
0xb9: {  	_ =	sfence  }
0xba: {  	s30 =	sld [smem:$0x0];
	_ =	sdelay $0x2  }
0xbb: {  	s31 =	sshll.u32 s1, $0xD;
	s1 =	sshrl.u32 s1, $0x2  }
0xbc: {  	s3 =	sand.u32 $0x4000, s31;
	s1 =	sadd.s32 s1, s30  }
0xbd: {  	s0 =	sor.u32 s3, s0;
	s1 =	sshll.u32 s1, $0x11  }
0xbe: {  	s0 =	sor.u32 s1, s0  }
0xbf: {  	s0 =	sadd.s32 $0x8F2B, s0  }
0xc0: {  	[sflag:s0] =	ssyncadd.remote.s32 $0x1  }
0xc1: {  	_ =	sfence.sel $0xFFFF  }
0xc2: {  	[dreg:$0x0] =	wrdreg $0xFFFFFFFF;
	(pc) =	sbr.abs _section_cstart, $3  }
0xc3: {  	[dreg:$0x1] =	wrdreg $0xFFFFFFFF  }
0xc4: {  	_ =	task.clear_ibuf [dreg:s9], $0x2FFFF;
	_ =	strace $0x9FFFFFFF  }
0xc5: {  	(tm) =	ssettm $0x7FFFFFFF  }
tec
execute0_lowered:
.L_overlay_start_1:
0x0: {  	(tag) =	ssettag $0x1  }
0x1: {  	s0 =	rddreg [dreg:$0x0]  }
0x2: {  	s1 =	rddreg [dreg:$0x1]  }
0x3: {  	s3 =	rddreg [dreg:$0x2]  }
0x4: {  	s2 =	srdreg.scid;
	s5 =	stileid.u32;
	s28 =	simm.s32 $0x3  }
0x5: {  	s29 =	simm.s32 $0x7;
	s30 =	simm.s32 $0x14000;
	s31 =	simm.s32 $0x4  }
0x6: {  	s4 =	sand.u32 $0x1, s2;
	s2 =	simm.s32 $0x0;
	s5 =	sshll.u32 s5, $0xD  }
0x7: {  	s6 =	sshll.u32 s4, $0xC;
	[smem:$0x7FF] =	sst s2;
	s4 =	ssub.s32 $0x2, s4  }
0x8: {  	s5 =	sor.u32 s6, s5;
	_ =	strace $0x80000047;
	s19 =	sshrl.u32 s4, $0x1  }
0x9: {  	s7 =	sadd.s32 s0, s5;
	s4 =	ssub.s32 s4, s19;
	s1 =	sadd.s32 s1, s5  }
0xa: {  	s0 =	sadd.s32 $0x20000, s0;
	s8 =	sadd.s32 s3, s5;
	s23 =	sor.u32 $0x400, s5  }
0xb: {  	s24 =	sor.u32 $0x800, s5;
	s25 =	sor.u32 $0xC00, s5;
	s19 =	simm.s32 $0xC000  }
0xc: {  	s20 =	sadd.s32 $0x400, s7;
	s21 =	sadd.s32 $0x800, s7;
	[dreg:$0x4] =	wrdreg s7  }
0xd: {  	s22 =	sadd.s32 $0xC00, s7;
	[dreg:$0x8] =	wrdreg s1;
	s9 =	sadd.s32 s5, s0  }
0xe: {  	s10 =	sadd.s32 s3, s23;
	s11 =	sadd.s32 s23, s0;
	s12 =	sadd.s32 s3, s24  }
0xf: {  	s13 =	sadd.s32 s24, s0;
	s14 =	sadd.s32 s3, s25;
	s15 =	sadd.s32 s25, s0  }
.Ltmp0:
0x10: {  	s26 =	smax.u32 s4, $0x1;
	[dreg:$0x5] =	wrdreg s20;
	(pc) =	sbr.rel .LBB2_1-.Ltmp0, $4  }
0x11: {  	s23 =	simm.s32 $0x10000;
	s24 =	simm.s32 $0x2;
	[dreg:$0x6] =	wrdreg s21  }
0x12: {  	s25 =	simm.s32 $0x6;
	s0 =	simm.s32 $0x8;
	[dreg:$0x7] =	wrdreg s22  }
0x13: {  	s1 =	simm.s32 $0x16000;
	s4 =	simm.s32 $0x0;
	[dreg:$0x9] =	wrdreg s26  }
0x14: {  	s20 =	simm.s32 $0xE000;
	s22 =	simm.s32 $0x1;
	s26 =	simm.s32 $0x12000  }
.LBB2_24:
0x15: {  	s3 =	simm.s32 $0x5  }
0x16: {  	_ =	swait.ge [sflag:s3], $0x2000  }
0x17: {  	[sflag:s3] =	ssyncset.done $0x0  }
0x18: {  	[sflag:s3] =	ssyncadd.s32 $0xFFFFE000  }
0x19: {  	_ =	swait.ge [sflag:s25], $0x2000  }
0x1a: {  	[sflag:s25] =	ssyncset.done $0x0  }
0x1b: {  	[sflag:s25] =	ssyncadd.s32 $0xFFFFE000  }
0x1c: {  	_ =	swait.ge [sflag:s29], $0x2000  }
0x1d: {  	[sflag:s29] =	ssyncset.done $0x0  }
0x1e: {  	[sflag:s29] =	ssyncadd.s32 $0xFFFFE000  }
0x1f: {  	_ =	swait.ge [sflag:s0], $0x2000  }
0x20: {  	s4 =	rddreg [dreg:$0xa]  }
0x21: {  	s21 =	rddreg [dreg:$0x9];
	s4 =	sadd.s32 $0x1, s4  }
0x22: {  	p0 =	sne.s32 s4, s21  }
.Ltmp1:
0x23: {  	_ = 	snop;
	(pc) =	sbr.rel @!p0 .LBB2_25-.Ltmp1, $3  }
0x24: {  	_ =	sdelay $0x1  }
0x25: {  	[sflag:s0] =	ssyncset.done $0x0  }
0x26: {  	[sflag:s0] =	ssyncadd.s32 $0xFFFFE000  }
.LBB2_1:
0x27: {  	[dreg:$0xa] =	wrdreg s4  }
0x28: {  	s3 =	rddreg [dreg:$0x4];
	s5 =	simm.s32 $0x8000  }
0x29: {  	[tilespmem:s5], [sflag:$0x1] =	stream.linear.gather [hbm4b:s3+s2], $0x2000, $0x38;
	[tilespmem:$0x18000] =	vst v63  }
0x2a: {  	s6 =	rddreg [dreg:$0x5];
	s7 =	simm.s32 $0xA000  }
0x2b: {  	[tilespmem:s7], [sflag:$0x2] =	stream.linear.gather [hbm4b:s6+s2], $0x2000, $0x38;
	[tilespmem:$0x18000] =	vst v63  }
0x2c: {  	s16 =	rddreg [dreg:$0x6]  }
0x2d: {  	[tilespmem:s19], [sflag:$0x3] =	stream.linear.gather [hbm4b:s16+s2], $0x2000, $0x38;
	[tilespmem:$0x18000] =	vst v63  }
0x2e: {  	s17 =	rddreg [dreg:$0x7]  }
0x2f: {  	[tilespmem:s20], [sflag:$0x4] =	stream.linear.gather [hbm4b:s17+s2], $0x2000, $0x38;
	[tilespmem:$0x18000] =	vst v63  }
0x30: {  	s18 =	rddreg [dreg:$0x8];
	s21 =	simm.s32 $0x9  }
0x31: {  	[tilespmem:s2], [sflag:$0x9] =	stream.linear.gather [hbm4b:s18+s2], $0x8000, $0x38;
	[tilespmem:$0x18000] =	vst v63  }
0x32: {  	_ =	swait.ge [sflag:s21], $0x8000  }
0x33: {  	[sflag:s21] =	ssyncset.done $0x0  }
0x34: {  	s6 =	simm.s32 $0x0;
	[sflag:s21] =	ssyncadd.s32 $0xFFFF8000  }
.LBB2_2:
0x35: {  	_ =	swait.ge [sflag:s22], $0x2000  }
0x36: {  	p0 =	seq.s32 s6, $0x0;
	[sflag:s22] =	ssyncset.done $0x0  }
0x37: {  	s3 =	simm.s32 @!p0 $0x5;
	[sflag:s22] =	ssyncadd.s32 $0xFFFFE000  }
0x38: {  	_ =	swait.ge @!p0 [sflag:s3], $0x2000  }
0x39: {  	[sflag:s3] =	ssyncset.done @!p0 $0x0  }
0x3a: {  	s7 =	simm.s32 $0x8100;
	[sflag:s3] =	ssyncadd.s32 @!p0 $0xFFFFE000  }
0x3b: {  	s16 =	simm.s32 $0x100;
	v0 =	vld [tilespmem:s7+$0x80]  }
0x3c: {  	v1 =	vld [tilespmem:s16+$0x80];
	_ =	sdelay $0x2  }
0x3d: {  	v2 =	vld [tilespmem:s7+$0xFFFFFF80]  }
0x3e: {  	v3 =	vld [tilespmem:s16+$0xFFFFFF80]  }
0x3f: {  	v4 =	vld [tilespmem:s16+$0xFFFFFF00];
	v0 =	vadd.f32 v1, v0  }
0x40: {  	s3 =	simm.s32 $0x10100;
	v1 =	vld [tilespmem:s7+$0xFFFFFF00]  }
0x41: {  	[tilespmem:s3+$0x80] =	vst v0  }
0x42: {  	v0 =	vld [tilespmem:s7+$0x90]  }
0x43: {  	v2 =	vadd.f32 v3, v2;
	v3 =	vld [tilespmem:s16+$0x90]  }
0x44: {  	v5 =	vld [tilespmem:s7+$0x0]  }
0x45: {  	v6 =	vld [tilespmem:s16+$0x0];
	[tilespmem:s3+$0xFFFFFF80] =	vst v2;
	v1 =	vadd.f32 v4, v1  }
0x46: {  	v2 =	vld [tilespmem:s7+$0xFFFFFF90]  }
0x47: {  	v4 =	vld [tilespmem:s16+$0xFFFFFF90];
	[tilespmem:s3+$0xFFFFFF00] =	vst v1  }
0x48: {  	v1 =	vld [tilespmem:s7+$0xFFFFFF10];
	v0 =	vadd.f32 v3, v0  }
0x49: {  	v3 =	vld [tilespmem:s16+$0xFFFFFF10]  }
0x4a: {  	v5 =	vadd.f32 v6, v5;
	[tilespmem:s3+$0x90] =	vst v0  }
0x4b: {  	v0 =	vld [tilespmem:s7+$0xA0]  }
0x4c: {  	[tilespmem:s3+$0x0] =	vst v5;
	v2 =	vadd.f32 v4, v2;
	v4 =	vld [tilespmem:s16+$0xA0]  }
0x4d: {  	v5 =	vld [tilespmem:s7+$0x10]  }
0x4e: {  	v6 =	vld [tilespmem:s16+$0x10];
	[tilespmem:s3+$0xFFFFFF90] =	vst v2;
	v1 =	vadd.f32 v3, v1  }
0x4f: {  	v2 =	vld [tilespmem:s7+$0xFFFFFFA0]  }
0x50: {  	v3 =	vld [tilespmem:s16+$0xFFFFFFA0];
	[tilespmem:s3+$0xFFFFFF10] =	vst v1  }
0x51: {  	v1 =	vld [tilespmem:s7+$0xFFFFFF20];
	v0 =	vadd.f32 v4, v0  }
0x52: {  	v4 =	vld [tilespmem:s16+$0xFFFFFF20]  }
0x53: {  	v5 =	vadd.f32 v6, v5;
	[tilespmem:s3+$0xA0] =	vst v0  }
0x54: {  	v0 =	vld [tilespmem:s7+$0xB0]  }
0x55: {  	[tilespmem:s3+$0x10] =	vst v5;
	v2 =	vadd.f32 v3, v2;
	v3 =	vld [tilespmem:s16+$0xB0]  }
0x56: {  	v5 =	vld [tilespmem:s7+$0x20]  }
0x57: {  	[tilespmem:s3+$0xFFFFFFA0] =	vst v2;
	v2 =	vld [tilespmem:s16+$0x20];
	v1 =	vadd.f32 v4, v1  }
0x58: {  	v4 =	vld [tilespmem:s7+$0xFFFFFFB0]  }
0x59: {  	v6 =	vld [tilespmem:s16+$0xFFFFFFB0];
	[tilespmem:s3+$0xFFFFFF20] =	vst v1  }
0x5a: {  	v1 =	vld [tilespmem:s7+$0xFFFFFF30];
	v0 =	vadd.f32 v3, v0  }
0x5b: {  	v3 =	vld [tilespmem:s16+$0xFFFFFF30]  }
0x5c: {  	v2 =	vadd.f32 v2, v5;
	[tilespmem:s3+$0xB0] =	vst v0  }
0x5d: {  	v0 =	vld [tilespmem:s7+$0xC0]  }
0x5e: {  	v4 =	vadd.f32 v6, v4;
	[tilespmem:s3+$0x20] =	vst v2;
	v2 =	vld [tilespmem:s16+$0xC0]  }
0x5f: {  	v5 =	vld [tilespmem:s7+$0x30]  }
0x60: {  	[tilespmem:s3+$0xFFFFFFB0] =	vst v4;
	v1 =	vadd.f32 v3, v1;
	v3 =	vld [tilespmem:s16+$0x30]  }
0x61: {  	v4 =	vld [tilespmem:s7+$0xFFFFFFC0]  }
0x62: {  	[tilespmem:s3+$0xFFFFFF30] =	vst v1;
	v1 =	vld [tilespmem:s16+$0xFFFFFFC0]  }
0x63: {  	v6 =	vld [tilespmem:s7+$0xFFFFFF40];
	v0 =	vadd.f32 v2, v0  }
0x64: {  	v2 =	vld [tilespmem:s16+$0xFFFFFF40]  }
0x65: {  	v3 =	vadd.f32 v3, v5;
	[tilespmem:s3+$0xC0] =	vst v0  }
0x66: {  	v0 =	vld [tilespmem:s7+$0xD0]  }
0x67: {  	v1 =	vadd.f32 v1, v4;
	[tilespmem:s3+$0x30] =	vst v3;
	v3 =	vld [tilespmem:s16+$0xD0]  }
0x68: {  	v4 =	vld [tilespmem:s7+$0x40]  }
0x69: {  	v2 =	vadd.f32 v2, v6;
	[tilespmem:s3+$0xFFFFFFC0] =	vst v1;
	v1 =	vld [tilespmem:s16+$0x40]  }
0x6a: {  	v5 =	vld [tilespmem:s7+$0xFFFFFFD0]  }
0x6b: {  	[tilespmem:s3+$0xFFFFFF40] =	vst v2;
	v2 =	vld [tilespmem:s16+$0xFFFFFFD0]  }
0x6c: {  	v6 =	vld [tilespmem:s7+$0xFFFFFF50];
	v0 =	vadd.f32 v3, v0  }
0x6d: {  	v3 =	vld [tilespmem:s16+$0xFFFFFF50]  }
0x6e: {  	v1 =	vadd.f32 v1, v4;
	[tilespmem:s3+$0xD0] =	vst v0  }
0x6f: {  	v7 =	vld [tilespmem:s7+$0xE0]  }
0x70: {  	v0 =	vadd.f32 v2, v5;
	v5 =	vld [tilespmem:s16+$0xE0];
	[tilespmem:s3+$0x40] =	vst v1  }
0x71: {  	v1 =	vld [tilespmem:s7+$0x50]  }
0x72: {  	v2 =	vadd.f32 v3, v6;
	[tilespmem:s3+$0xFFFFFFD0] =	vst v0;
	v4 =	vld [tilespmem:s16+$0x50]  }
0x73: {  	v0 =	vld [tilespmem:s7+$0xFFFFFFE0]  }
0x74: {  	v3 =	vld [tilespmem:s16+$0xFFFFFFE0];
	[tilespmem:s3+$0xFFFFFF50] =	vst v2  }
0x75: {  	s4 =	simm.s32 $0x0;
	v2 =	vld [tilespmem:s7+$0xFFFFFF60];
	v6 =	vadd.f32 v5, v7  }
0x76: {  	s5 =	simm.s32 $0x8300;
	s17 =	simm.s32 $0x100;
	s21 =	simm.s32 $0x10100;
	v5 =	vld [tilespmem:s16+$0xFFFFFF60]  }
.LBB2_3:
0x77: {  	v7 =	vld [tilespmem:s5+$0x80];
	v1 =	vadd.f32 v4, v1;
	[tilespmem:s3+$0xE0] =	vst v6  }
0x78: {  	v4 =	vld [tilespmem:s7+$0xF0]  }
0x79: {  	s17 =	sadd.s32 $0x200, s17;
	v0 =	vadd.f32 v3, v0;
	[tilespmem:s3+$0x50] =	vst v1;
	v1 =	vld [tilespmem:s16+$0xF0]  }
0x7a: {  	v3 =	vld [tilespmem:s17+$0x80]  }
0x7b: {  	v6 =	vld [tilespmem:s17+$0xFFFFFF00];
	v2 =	vadd.f32 v5, v2;
	[tilespmem:s3+$0xFFFFFFE0] =	vst v0  }
0x7c: {  	v0 =	vld [tilespmem:s5+$0xFFFFFF80]  }
0x7d: {  	v5 =	vld [tilespmem:s17+$0xFFFFFF80];
	[tilespmem:s3+$0xFFFFFF60] =	vst v2  }
0x7e: {  	v2 =	vld [tilespmem:s5+$0x0];
	v1 =	vadd.f32 v1, v4  }
0x7f: {  	v4 =	vld [tilespmem:s17+$0x0];
	v3 =	vadd.f32 v3, v7  }
0x80: {  	s3 =	sadd.s32 $0x200, s3;
	v7 =	vld [tilespmem:s5+$0xFFFFFF00];
	[tilespmem:s21+$0xF0] =	vst v1  }
0x81: {  	s4 =	sadd.s32 $0x4, s4;
	[tilespmem:s3+$0x80] =	vst v3;
	v1 =	vld [tilespmem:s7+$0x60]  }
0x82: {  	p1 =	slt.u32 s4, $0x3C;
	v0 =	vadd.f32 v5, v0;
	v3 =	vld [tilespmem:s5+$0x90]  }
0x83: {  	v5 =	vld [tilespmem:s17+$0x90]  }
0x84: {  	[tilespmem:s3+$0xFFFFFF80] =	vst v0;
	v0 =	vadd.f32 v4, v2;
	v2 =	vld [tilespmem:s16+$0x60]  }
0x85: {  	v4 =	vadd.f32 v6, v7;
	v6 =	vld [tilespmem:s5+$0xFFFFFF90]  }
0x86: {  	v7 =	vld [tilespmem:s17+$0xFFFFFF90];
	[tilespmem:s3+$0x0] =	vst v0  }
0x87: {  	[tilespmem:s3+$0xFFFFFF00] =	vst v4;
	v0 =	vld [tilespmem:s5+$0x10]  }
0x88: {  	v4 =	vld [tilespmem:s5+$0xFFFFFF10];
	v3 =	vadd.f32 v5, v3  }
0x89: {  	v5 =	vld [tilespmem:s17+$0xFFFFFF10];
	v1 =	vadd.f32 v2, v1  }
0x8a: {  	v2 =	vld [tilespmem:s17+$0x10];
	[tilespmem:s3+$0x90] =	vst v3  }
0x8b: {  	v3 =	vadd.f32 v7, v6;
	v6 =	vld [tilespmem:s5+$0xA0];
	[tilespmem:s21+$0x60] =	vst v1  }
0x8c: {  	v1 =	vld [tilespmem:s17+$0xA0]  }
0x8d: {  	[tilespmem:s3+$0xFFFFFF90] =	vst v3;
	v3 =	vld [tilespmem:s7+$0xFFFFFF70]  }
0x8e: {  	v4 =	vadd.f32 v5, v4;
	v5 =	vld [tilespmem:s5+$0xFFFFFFA0]  }
0x8f: {  	v7 =	vld [tilespmem:s17+$0xFFFFFFA0];
	v0 =	vadd.f32 v2, v0  }
0x90: {  	[tilespmem:s3+$0xFFFFFF10] =	vst v4;
	v2 =	vld [tilespmem:s16+$0xFFFFFF70]  }
0x91: {  	v4 =	vld [tilespmem:s5+$0xFFFFFF20];
	[tilespmem:s3+$0x10] =	vst v0;
	v0 =	vadd.f32 v1, v6  }
0x92: {  	v1 =	vld [tilespmem:s17+$0xFFFFFF20]  }
0x93: {  	v6 =	vld [tilespmem:s5+$0x20];
	[tilespmem:s3+$0xA0] =	vst v0  }
0x94: {  	v0 =	vadd.f32 v7, v5;
	v5 =	vld [tilespmem:s5+$0xB0]  }
0x95: {  	v7 =	vld [tilespmem:s17+$0xB0];
	v2 =	vadd.f32 v2, v3  }
0x96: {  	[tilespmem:s3+$0xFFFFFFA0] =	vst v0;
	v0 =	vld [tilespmem:s17+$0x20]  }
0x97: {  	v1 =	vadd.f32 v1, v4;
	v3 =	vld [tilespmem:s5+$0xFFFFFFB0];
	[tilespmem:s21+$0xFFFFFF70] =	vst v2  }
0x98: {  	v2 =	vld [tilespmem:s17+$0xFFFFFFB0]  }
0x99: {  	[tilespmem:s3+$0xFFFFFF20] =	vst v1;
	v1 =	vld [tilespmem:s7+$0xFFFFFFF0]  }
0x9a: {  	v4 =	vld [tilespmem:s5+$0xFFFFFF30];
	v5 =	vadd.f32 v7, v5  }
0x9b: {  	v7 =	vld [tilespmem:s17+$0xFFFFFF30];
	v0 =	vadd.f32 v0, v6  }
0x9c: {  	[tilespmem:s3+$0xB0] =	vst v5;
	v5 =	vld [tilespmem:s16+$0xFFFFFFF0]  }
0x9d: {  	v2 =	vadd.f32 v2, v3;
	[tilespmem:s3+$0x20] =	vst v0;
	v0 =	vld [tilespmem:s5+$0xC0]  }
0x9e: {  	v3 =	vld [tilespmem:s17+$0xC0]  }
0x9f: {  	[tilespmem:s3+$0xFFFFFFB0] =	vst v2;
	v2 =	vld [tilespmem:s5+$0x30]  }
0xa0: {  	v4 =	vadd.f32 v7, v4;
	v6 =	vld [tilespmem:s17+$0x30]  }
0xa1: {  	v7 =	vld [tilespmem:s5+$0xFFFFFFC0];
	v1 =	vadd.f32 v5, v1  }
0xa2: {  	[tilespmem:s3+$0xFFFFFF30] =	vst v4;
	v4 =	vld [tilespmem:s17+$0xFFFFFFC0]  }
0xa3: {  	v5 =	vld [tilespmem:s5+$0xFFFFFF40];
	v0 =	vadd.f32 v3, v0;
	[tilespmem:s21+$0xFFFFFFF0] =	vst v1  }
0xa4: {  	v1 =	vld [tilespmem:s17+$0xFFFFFF40]  }
0xa5: {  	v2 =	vadd.f32 v6, v2;
	[tilespmem:s3+$0xC0] =	vst v0;
	v3 =	vld [tilespmem:s7+$0x70];
	s7 =	smov.u32 s5  }
0xa6: {  	v0 =	vld [tilespmem:s5+$0xD0]  }
0xa7: {  	v4 =	vadd.f32 v4, v7;
	[tilespmem:s3+$0x30] =	vst v2;
	v2 =	vld [tilespmem:s17+$0xD0]  }
0xa8: {  	v6 =	vld [tilespmem:s5+$0x40]  }
0xa9: {  	v1 =	vadd.f32 v1, v5;
	[tilespmem:s3+$0xFFFFFFC0] =	vst v4;
	v4 =	vld [tilespmem:s17+$0x40]  }
0xaa: {  	v5 =	vld [tilespmem:s5+$0xFFFFFFD0]  }
0xab: {  	[tilespmem:s3+$0xFFFFFF40] =	vst v1;
	v1 =	vld [tilespmem:s17+$0xFFFFFFD0]  }
0xac: {  	v7 =	vld [tilespmem:s5+$0xFFFFFF50];
	v0 =	vadd.f32 v2, v0  }
0xad: {  	v2 =	vld [tilespmem:s17+$0xFFFFFF50]  }
0xae: {  	v4 =	vadd.f32 v4, v6;
	[tilespmem:s3+$0xD0] =	vst v0;
	v6 =	vld [tilespmem:s16+$0x70];
	s16 =	smov.u32 s17  }
0xaf: {  	v8 =	vld [tilespmem:s5+$0xE0]  }
0xb0: {  	v0 =	vadd.f32 v1, v5;
	[tilespmem:s3+$0x40] =	vst v4;
	v5 =	vld [tilespmem:s17+$0xE0]  }
0xb1: {  	v1 =	vld [tilespmem:s5+$0x50]  }
.Ltmp2:
0xb2: {  	v2 =	vadd.f32 v2, v7;
	[tilespmem:s3+$0xFFFFFFD0] =	vst v0;
	v4 =	vld [tilespmem:s17+$0x50];
	(pc) =	sbr.rel @p1 .LBB2_3-.Ltmp2, $4  }
0xb3: {  	v0 =	vld [tilespmem:s5+$0xFFFFFFE0];
	v7 =	vadd.f32 v6, v3  }
0xb4: {  	[tilespmem:s3+$0xFFFFFF50] =	vst v2;
	v3 =	vld [tilespmem:s17+$0xFFFFFFE0]  }
0xb5: {  	v2 =	vld [tilespmem:s5+$0xFFFFFF60];
	v6 =	vadd.f32 v5, v8;
	[tilespmem:s21+$0x70] =	vst v7;
	s21 =	smov.u32 s3  }
0xb6: {  	s5 =	sadd.s32 $0x200, s5;
	v5 =	vld [tilespmem:s17+$0xFFFFFF60]  }
0xb7: {  	v1 =	vadd.f32 v4, v1;
	_ =	sdelay $0x1  }
0xb8: {  	[tilespmem:s3+$0x50] =	vst v1  }
0xb9: {  	v1 =	vld [tilespmem:s7+$0x60]  }
0xba: {  	v55 =	vld [tilespmem:s16+$0x60]  }
0xbb: {  	[tilespmem:s3+$0xE0] =	vst v6;
	v0 =	vadd.f32 v3, v0  }
0xbc: {  	v56 =	vld [tilespmem:s7+$0xF0]  }
0xbd: {  	v57 =	vld [tilespmem:s16+$0xF0];
	v2 =	vadd.f32 v5, v2;
	[tilespmem:s3+$0xFFFFFFE0] =	vst v0  }
0xbe: {  	v60 =	vld [tilespmem:s7+$0xFFFFFFF0]  }
0xbf: {  	v61 =	vld [tilespmem:s16+$0xFFFFFFF0];
	[tilespmem:s3+$0xFFFFFF60] =	vst v2;
	v58 =	vadd.f32 v55, v1  }
0xc0: {  	v2 =	vld [tilespmem:s7+$0xFFFFFF70]  }
0xc1: {  	v59 =	vld [tilespmem:s16+$0xFFFFFF70];
	[tilespmem:s21+$0x60] =	vst v58  }
0xc2: {  	v62 =	vld [tilespmem:s7+$0x70]  }
0xc3: {  	v7 =	vld [tilespmem:s16+$0x70];
	_ =	sdelay $0x1  }
0xc4: {  	v3 =	vadd.f32 v57, v56  }
0xc5: {  	p1 =	sne.s32 s6, $0x3;
	v0 =	vadd.f32 v61, v60  }
.Ltmp3:
0xc6: {  	[tilespmem:s21+$0xF0] =	vst v3;
	v1 =	vadd.f32 v59, v2;
	(pc) =	sbr.rel @p1 .LBB2_6-.Ltmp3, $4  }
0xc7: {  	[tilespmem:s21+$0xFFFFFFF0] =	vst v0;
	v63 =	vadd.f32 v7, v62  }
0xc8: {  	s7 =	sshll.u32 s6, $0x11;
	[tilespmem:s21+$0xFFFFFF70] =	vst v1  }
0xc9: {  	[tilespmem:s21+$0x70] =	vst v63;
	s21 =	sadd.s32 s7, s8  }
0xca: {  	[hbm4b:s21+s2] =	stream.linear.scatter [tilespmem:s23], [sflag:$0x5], $0x2000, $0x38;
	[tilespmem:$0x18000] =	vst v63  }
.Ltmp4:
0xcb: {  	(pc) =	sbr.rel .LBB2_7-.Ltmp4, $4  }
0xcc: {  	_ = 	snop  }
0xcd: {  	_ =	swait.ge [sflag:s24], $0x2000  }
0xce: {  	[sflag:s24] =	ssyncset.done $0x0  }
0xcf: {  	[sflag:s24] =	ssyncadd.s32 $0xFFFFE000  }
.LBB2_6:
.Ltmp5:
0xd0: {  	s3 =	sadd.s32 s7, s9;
	s4 =	simm.s32 $0x8000;
	(pc) =	sbr.rel @p0 .LBB2_8-.Ltmp5, $4  }
0xd1: {  	[tilespmem:s4], [sflag:$0x1] =	stream.linear.gather [hbm4b:s3+s2], $0x2000, $0x38;
	[tilespmem:$0x18000] =	vst v63  }
0xd2: {  	_ =	swait.ge [sflag:s24], $0x2000  }
0xd3: {  	[sflag:s24] =	ssyncset.done $0x0  }
0xd4: {  	[sflag:s24] =	ssyncadd.s32 $0xFFFFE000  }
.LBB2_7:
0xd5: {  	_ =	swait.ge [sflag:s25], $0x2000  }
0xd6: {  	[sflag:s25] =	ssyncset.done $0x0  }
0xd7: {  	[sflag:s25] =	ssyncadd.s32 $0xFFFFE000  }
.LBB2_8:
0xd8: {  	s16 =	simm.s32 $0xA1F0  }
0xd9: {  	s3 =	simm.s32 $0x21F0;
	v0 =	vld [tilespmem:s16+$0xFFFFFF90]  }
0xda: {  	v1 =	vld [tilespmem:s3+$0xFFFFFF90];
	_ =	sdelay $0x2  }
0xdb: {  	v2 =	vld [tilespmem:s16+$0xFFFFFE90]  }
0xdc: {  	v3 =	vld [tilespmem:s3+$0xFFFFFE90]  }
0xdd: {  	v4 =	vld [tilespmem:s3+$0xFFFFFE10];
	v0 =	vadd.f32 v1, v0  }
0xde: {  	s21 =	simm.s32 $0x121F0;
	v1 =	vld [tilespmem:s16+$0xFFFFFE10]  }
0xdf: {  	[tilespmem:s21+$0xFFFFFF90] =	vst v0  }
0xe0: {  	v0 =	vld [tilespmem:s16+$0xFFFFFFA0]  }
0xe1: {  	v2 =	vadd.f32 v3, v2;
	v3 =	vld [tilespmem:s3+$0xFFFFFFA0]  }
0xe2: {  	v5 =	vld [tilespmem:s16+$0xFFFFFF10]  }
0xe3: {  	v6 =	vld [tilespmem:s3+$0xFFFFFF10];
	[tilespmem:s21+$0xFFFFFE90] =	vst v2;
	v1 =	vadd.f32 v4, v1  }
0xe4: {  	v2 =	vld [tilespmem:s16+$0xFFFFFEA0]  }
0xe5: {  	v4 =	vld [tilespmem:s3+$0xFFFFFEA0];
	[tilespmem:s21+$0xFFFFFE10] =	vst v1  }
0xe6: {  	v1 =	vld [tilespmem:s16+$0xFFFFFE20];
	v0 =	vadd.f32 v3, v0  }
0xe7: {  	v3 =	vld [tilespmem:s3+$0xFFFFFE20]  }
0xe8: {  	v5 =	vadd.f32 v6, v5;
	[tilespmem:s21+$0xFFFFFFA0] =	vst v0  }
0xe9: {  	v0 =	vld [tilespmem:s16+$0xFFFFFFB0]  }
0xea: {  	[tilespmem:s21+$0xFFFFFF10] =	vst v5;
	v2 =	vadd.f32 v4, v2;
	v4 =	vld [tilespmem:s3+$0xFFFFFFB0]  }
0xeb: {  	v5 =	vld [tilespmem:s16+$0xFFFFFF20]  }
0xec: {  	v6 =	vld [tilespmem:s3+$0xFFFFFF20];
	[tilespmem:s21+$0xFFFFFEA0] =	vst v2;
	v1 =	vadd.f32 v3, v1  }
0xed: {  	v2 =	vld [tilespmem:s16+$0xFFFFFEB0]  }
0xee: {  	v3 =	vld [tilespmem:s3+$0xFFFFFEB0];
	[tilespmem:s21+$0xFFFFFE20] =	vst v1  }
0xef: {  	v1 =	vld [tilespmem:s16+$0xFFFFFE30];
	v0 =	vadd.f32 v4, v0  }
0xf0: {  	v4 =	vld [tilespmem:s3+$0xFFFFFE30]  }
0xf1: {  	v5 =	vadd.f32 v6, v5;
	[tilespmem:s21+$0xFFFFFFB0] =	vst v0  }
0xf2: {  	v0 =	vld [tilespmem:s16+$0xFFFFFFC0]  }
0xf3: {  	[tilespmem:s21+$0xFFFFFF20] =	vst v5;
	v2 =	vadd.f32 v3, v2;
	v3 =	vld [tilespmem:s3+$0xFFFFFFC0]  }
0xf4: {  	v5 =	vld [tilespmem:s16+$0xFFFFFF30]  }
0xf5: {  	[tilespmem:s21+$0xFFFFFEB0] =	vst v2;
	v2 =	vld [tilespmem:s3+$0xFFFFFF30];
	v1 =	vadd.f32 v4, v1  }
0xf6: {  	v4 =	vld [tilespmem:s16+$0xFFFFFEC0]  }
0xf7: {  	v6 =	vld [tilespmem:s3+$0xFFFFFEC0];
	[tilespmem:s21+$0xFFFFFE30] =	vst v1  }
0xf8: {  	v1 =	vld [tilespmem:s16+$0xFFFFFE40];
	v0 =	vadd.f32 v3, v0  }
0xf9: {  	v3 =	vld [tilespmem:s3+$0xFFFFFE40]  }
0xfa: {  	v2 =	vadd.f32 v2, v5;
	[tilespmem:s21+$0xFFFFFFC0] =	vst v0  }
0xfb: {  	v0 =	vld [tilespmem:s16+$0xFFFFFFD0]  }
0xfc: {  	v4 =	vadd.f32 v6, v4;
	[tilespmem:s21+$0xFFFFFF30] =	vst v2;
	v2 =	vld [tilespmem:s3+$0xFFFFFFD0]  }
0xfd: {  	v5 =	vld [tilespmem:s16+$0xFFFFFF40]  }
0xfe: {  	[tilespmem:s21+$0xFFFFFEC0] =	vst v4;
	v1 =	vadd.f32 v3, v1;
	v3 =	vld [tilespmem:s3+$0xFFFFFF40]  }
0xff: {  	v4 =	vld [tilespmem:s16+$0xFFFFFED0]  }
0x100: {  	[tilespmem:s21+$0xFFFFFE40] =	vst v1;
	v1 =	vld [tilespmem:s3+$0xFFFFFED0]  }
0x101: {  	v6 =	vld [tilespmem:s16+$0xFFFFFE50];
	v0 =	vadd.f32 v2, v0  }
0x102: {  	v2 =	vld [tilespmem:s3+$0xFFFFFE50]  }
0x103: {  	v3 =	vadd.f32 v3, v5;
	[tilespmem:s21+$0xFFFFFFD0] =	vst v0  }
0x104: {  	v0 =	vld [tilespmem:s16+$0xFFFFFFE0]  }
0x105: {  	v1 =	vadd.f32 v1, v4;
	[tilespmem:s21+$0xFFFFFF40] =	vst v3;
	v3 =	vld [tilespmem:s3+$0xFFFFFFE0]  }
0x106: {  	v4 =	vld [tilespmem:s16+$0xFFFFFF50]  }
0x107: {  	v2 =	vadd.f32 v2, v6;
	[tilespmem:s21+$0xFFFFFED0] =	vst v1;
	v1 =	vld [tilespmem:s3+$0xFFFFFF50]  }
0x108: {  	v5 =	vld [tilespmem:s16+$0xFFFFFEE0]  }
0x109: {  	[tilespmem:s21+$0xFFFFFE50] =	vst v2;
	v2 =	vld [tilespmem:s3+$0xFFFFFEE0]  }
0x10a: {  	v6 =	vld [tilespmem:s16+$0xFFFFFE60];
	v0 =	vadd.f32 v3, v0  }
0x10b: {  	v3 =	vld [tilespmem:s3+$0xFFFFFE60]  }
0x10c: {  	v1 =	vadd.f32 v1, v4;
	[tilespmem:s21+$0xFFFFFFE0] =	vst v0  }
0x10d: {  	v7 =	vld [tilespmem:s16+$0xFFFFFFF0]  }
0x10e: {  	v0 =	vadd.f32 v2, v5;
	v5 =	vld [tilespmem:s3+$0xFFFFFFF0];
	[tilespmem:s21+$0xFFFFFF50] =	vst v1  }
0x10f: {  	v1 =	vld [tilespmem:s16+$0xFFFFFF60]  }
0x110: {  	v2 =	vadd.f32 v3, v6;
	[tilespmem:s21+$0xFFFFFEE0] =	vst v0;
	v4 =	vld [tilespmem:s3+$0xFFFFFF60]  }
0x111: {  	v0 =	vld [tilespmem:s16+$0xFFFFFEF0]  }
0x112: {  	v3 =	vld [tilespmem:s3+$0xFFFFFEF0];
	[tilespmem:s21+$0xFFFFFE60] =	vst v2  }
0x113: {  	s5 =	simm.s32 $0x0;
	v2 =	vld [tilespmem:s16+$0xFFFFFE70];
	v6 =	vadd.f32 v5, v7  }
0x114: {  	s17 =	simm.s32 $0xA3F0;
	s18 =	simm.s32 $0x21F0;
	s4 =	simm.s32 $0x121F0;
	v5 =	vld [tilespmem:s3+$0xFFFFFE70]  }
.LBB2_9:
0x115: {  	v7 =	vld [tilespmem:s17+$0xFFFFFF90];
	v1 =	vadd.f32 v4, v1;
	[tilespmem:s21+$0xFFFFFFF0] =	vst v6  }
0x116: {  	v4 =	vld [tilespmem:s16+$0x0]  }
0x117: {  	s18 =	sadd.s32 $0x200, s18;
	v0 =	vadd.f32 v3, v0;
	[tilespmem:s21+$0xFFFFFF60] =	vst v1;
	v1 =	vld [tilespmem:s3+$0x0]  }
0x118: {  	v3 =	vld [tilespmem:s18+$0xFFFFFF90]  }
0x119: {  	v6 =	vld [tilespmem:s18+$0xFFFFFE10];
	v2 =	vadd.f32 v5, v2;
	[tilespmem:s21+$0xFFFFFEF0] =	vst v0  }
0x11a: {  	v0 =	vld [tilespmem:s17+$0xFFFFFE90]  }
0x11b: {  	v5 =	vld [tilespmem:s18+$0xFFFFFE90];
	[tilespmem:s21+$0xFFFFFE70] =	vst v2  }
0x11c: {  	v2 =	vld [tilespmem:s17+$0xFFFFFF10];
	v1 =	vadd.f32 v1, v4  }
0x11d: {  	v4 =	vld [tilespmem:s18+$0xFFFFFF10];
	v3 =	vadd.f32 v3, v7  }
0x11e: {  	s21 =	sadd.s32 $0x200, s21;
	v7 =	vld [tilespmem:s17+$0xFFFFFE10];
	[tilespmem:s4+$0x0] =	vst v1  }
0x11f: {  	s5 =	sadd.s32 $0x4, s5;
	[tilespmem:s21+$0xFFFFFF90] =	vst v3;
	v1 =	vld [tilespmem:s16+$0xFFFFFF70]  }
0x120: {  	p2 =	slt.u32 s5, $0x3C;
	v0 =	vadd.f32 v5, v0;
	v3 =	vld [tilespmem:s17+$0xFFFFFFA0]  }
0x121: {  	v5 =	vld [tilespmem:s18+$0xFFFFFFA0]  }
0x122: {  	[tilespmem:s21+$0xFFFFFE90] =	vst v0;
	v0 =	vadd.f32 v4, v2;
	v2 =	vld [tilespmem:s3+$0xFFFFFF70]  }
0x123: {  	v4 =	vadd.f32 v6, v7;
	v6 =	vld [tilespmem:s17+$0xFFFFFEA0]  }
0x124: {  	v7 =	vld [tilespmem:s18+$0xFFFFFEA0];
	[tilespmem:s21+$0xFFFFFF10] =	vst v0  }
0x125: {  	[tilespmem:s21+$0xFFFFFE10] =	vst v4;
	v0 =	vld [tilespmem:s17+$0xFFFFFF20]  }
0x126: {  	v4 =	vld [tilespmem:s17+$0xFFFFFE20];
	v3 =	vadd.f32 v5, v3  }
0x127: {  	v5 =	vld [tilespmem:s18+$0xFFFFFE20];
	v1 =	vadd.f32 v2, v1  }
0x128: {  	v2 =	vld [tilespmem:s18+$0xFFFFFF20];
	[tilespmem:s21+$0xFFFFFFA0] =	vst v3  }
0x129: {  	v3 =	vadd.f32 v7, v6;
	v6 =	vld [tilespmem:s17+$0xFFFFFFB0];
	[tilespmem:s4+$0xFFFFFF70] =	vst v1  }
0x12a: {  	v1 =	vld [tilespmem:s18+$0xFFFFFFB0]  }
0x12b: {  	[tilespmem:s21+$0xFFFFFEA0] =	vst v3;
	v3 =	vld [tilespmem:s16+$0xFFFFFE80]  }
0x12c: {  	v4 =	vadd.f32 v5, v4;
	v5 =	vld [tilespmem:s17+$0xFFFFFEB0]  }
0x12d: {  	v7 =	vld [tilespmem:s18+$0xFFFFFEB0];
	v0 =	vadd.f32 v2, v0  }
0x12e: {  	[tilespmem:s21+$0xFFFFFE20] =	vst v4;
	v2 =	vld [tilespmem:s3+$0xFFFFFE80]  }
0x12f: {  	v4 =	vld [tilespmem:s17+$0xFFFFFE30];
	[tilespmem:s21+$0xFFFFFF20] =	vst v0;
	v0 =	vadd.f32 v1, v6  }
0x130: {  	v1 =	vld [tilespmem:s18+$0xFFFFFE30]  }
0x131: {  	v6 =	vld [tilespmem:s17+$0xFFFFFF30];
	[tilespmem:s21+$0xFFFFFFB0] =	vst v0  }
0x132: {  	v0 =	vadd.f32 v7, v5;
	v5 =	vld [tilespmem:s17+$0xFFFFFFC0]  }
0x133: {  	v7 =	vld [tilespmem:s18+$0xFFFFFFC0];
	v2 =	vadd.f32 v2, v3  }
0x134: {  	[tilespmem:s21+$0xFFFFFEB0] =	vst v0;
	v0 =	vld [tilespmem:s18+$0xFFFFFF30]  }
0x135: {  	v1 =	vadd.f32 v1, v4;
	v3 =	vld [tilespmem:s17+$0xFFFFFEC0];
	[tilespmem:s4+$0xFFFFFE80] =	vst v2  }
0x136: {  	v2 =	vld [tilespmem:s18+$0xFFFFFEC0]  }
0x137: {  	[tilespmem:s21+$0xFFFFFE30] =	vst v1;
	v1 =	vld [tilespmem:s16+$0xFFFFFF00]  }
0x138: {  	v4 =	vld [tilespmem:s17+$0xFFFFFE40];
	v5 =	vadd.f32 v7, v5  }
0x139: {  	v7 =	vld [tilespmem:s18+$0xFFFFFE40];
	v0 =	vadd.f32 v0, v6  }
0x13a: {  	[tilespmem:s21+$0xFFFFFFC0] =	vst v5;
	v5 =	vld [tilespmem:s3+$0xFFFFFF00]  }
0x13b: {  	v2 =	vadd.f32 v2, v3;
	[tilespmem:s21+$0xFFFFFF30] =	vst v0;
	v0 =	vld [tilespmem:s17+$0xFFFFFFD0]  }
0x13c: {  	v3 =	vld [tilespmem:s18+$0xFFFFFFD0]  }
0x13d: {  	[tilespmem:s21+$0xFFFFFEC0] =	vst v2;
	v2 =	vld [tilespmem:s17+$0xFFFFFF40]  }
0x13e: {  	v4 =	vadd.f32 v7, v4;
	v6 =	vld [tilespmem:s18+$0xFFFFFF40]  }
0x13f: {  	v7 =	vld [tilespmem:s17+$0xFFFFFED0];
	v1 =	vadd.f32 v5, v1  }
0x140: {  	[tilespmem:s21+$0xFFFFFE40] =	vst v4;
	v4 =	vld [tilespmem:s18+$0xFFFFFED0]  }
0x141: {  	v5 =	vld [tilespmem:s17+$0xFFFFFE50];
	v0 =	vadd.f32 v3, v0;
	[tilespmem:s4+$0xFFFFFF00] =	vst v1  }
0x142: {  	v1 =	vld [tilespmem:s18+$0xFFFFFE50]  }
0x143: {  	v2 =	vadd.f32 v6, v2;
	[tilespmem:s21+$0xFFFFFFD0] =	vst v0;
	v3 =	vld [tilespmem:s16+$0xFFFFFF80];
	s16 =	smov.u32 s17  }
0x144: {  	v0 =	vld [tilespmem:s17+$0xFFFFFFE0]  }
0x145: {  	v4 =	vadd.f32 v4, v7;
	[tilespmem:s21+$0xFFFFFF40] =	vst v2;
	v2 =	vld [tilespmem:s18+$0xFFFFFFE0]  }
0x146: {  	v6 =	vld [tilespmem:s17+$0xFFFFFF50]  }
0x147: {  	v1 =	vadd.f32 v1, v5;
	[tilespmem:s21+$0xFFFFFED0] =	vst v4;
	v4 =	vld [tilespmem:s18+$0xFFFFFF50]  }
0x148: {  	v5 =	vld [tilespmem:s17+$0xFFFFFEE0]  }
0x149: {  	[tilespmem:s21+$0xFFFFFE50] =	vst v1;
	v1 =	vld [tilespmem:s18+$0xFFFFFEE0]  }
0x14a: {  	v7 =	vld [tilespmem:s17+$0xFFFFFE60];
	v0 =	vadd.f32 v2, v0  }
0x14b: {  	v2 =	vld [tilespmem:s18+$0xFFFFFE60]  }
0x14c: {  	v4 =	vadd.f32 v4, v6;
	[tilespmem:s21+$0xFFFFFFE0] =	vst v0;
	v6 =	vld [tilespmem:s3+$0xFFFFFF80];
	s3 =	smov.u32 s18  }
0x14d: {  	v8 =	vld [tilespmem:s17+$0xFFFFFFF0]  }
0x14e: {  	v0 =	vadd.f32 v1, v5;
	[tilespmem:s21+$0xFFFFFF50] =	vst v4;
	v5 =	vld [tilespmem:s18+$0xFFFFFFF0]  }
0x14f: {  	v1 =	vld [tilespmem:s17+$0xFFFFFF60]  }
.Ltmp6:
0x150: {  	v2 =	vadd.f32 v2, v7;
	[tilespmem:s21+$0xFFFFFEE0] =	vst v0;
	v4 =	vld [tilespmem:s18+$0xFFFFFF60];
	(pc) =	sbr.rel @p2 .LBB2_9-.Ltmp6, $4  }
0x151: {  	v0 =	vld [tilespmem:s17+$0xFFFFFEF0];
	v7 =	vadd.f32 v6, v3  }
0x152: {  	[tilespmem:s21+$0xFFFFFE60] =	vst v2;
	v3 =	vld [tilespmem:s18+$0xFFFFFEF0]  }
0x153: {  	v2 =	vld [tilespmem:s17+$0xFFFFFE70];
	v6 =	vadd.f32 v5, v8;
	[tilespmem:s4+$0xFFFFFF80] =	vst v7;
	s4 =	smov.u32 s21  }
0x154: {  	s17 =	sadd.s32 $0x200, s17;
	v5 =	vld [tilespmem:s18+$0xFFFFFE70]  }
0x155: {  	v1 =	vadd.f32 v4, v1;
	_ =	sdelay $0x1  }
0x156: {  	[tilespmem:s21+$0xFFFFFF60] =	vst v1  }
0x157: {  	v1 =	vld [tilespmem:s16+$0xFFFFFF70]  }
0x158: {  	v55 =	vld [tilespmem:s3+$0xFFFFFF70]  }
0x159: {  	[tilespmem:s21+$0xFFFFFFF0] =	vst v6;
	v0 =	vadd.f32 v3, v0  }
0x15a: {  	v56 =	vld [tilespmem:s16+$0x0]  }
0x15b: {  	v57 =	vld [tilespmem:s3+$0x0];
	v2 =	vadd.f32 v5, v2;
	[tilespmem:s21+$0xFFFFFEF0] =	vst v0  }
0x15c: {  	v60 =	vld [tilespmem:s16+$0xFFFFFF00]  }
0x15d: {  	v61 =	vld [tilespmem:s3+$0xFFFFFF00];
	[tilespmem:s21+$0xFFFFFE70] =	vst v2;
	v58 =	vadd.f32 v55, v1  }
0x15e: {  	v2 =	vld [tilespmem:s16+$0xFFFFFE80]  }
0x15f: {  	v59 =	vld [tilespmem:s3+$0xFFFFFE80];
	[tilespmem:s4+$0xFFFFFF70] =	vst v58  }
0x160: {  	v62 =	vld [tilespmem:s16+$0xFFFFFF80]  }
0x161: {  	v7 =	vld [tilespmem:s3+$0xFFFFFF80];
	_ =	sdelay $0x1  }
0x162: {  	v3 =	vadd.f32 v57, v56  }
0x163: {  	v0 =	vadd.f32 v61, v60  }
.Ltmp7:
0x164: {  	[tilespmem:s4+$0x0] =	vst v3;
	v1 =	vadd.f32 v59, v2;
	(pc) =	sbr.rel @p1 .LBB2_12-.Ltmp7, $4  }
0x165: {  	[tilespmem:s4+$0xFFFFFF00] =	vst v0;
	v63 =	vadd.f32 v7, v62  }
0x166: {  	[tilespmem:s4+$0xFFFFFE80] =	vst v1  }
0x167: {  	s21 =	sadd.s32 s7, s10;
	[tilespmem:s4+$0xFFFFFF80] =	vst v63  }
0x168: {  	[hbm4b:s21+s2] =	stream.linear.scatter [tilespmem:s26], [sflag:$0x6], $0x2000, $0x38;
	[tilespmem:$0x18000] =	vst v63  }
.Ltmp8:
0x169: {  	(pc) =	sbr.rel .LBB2_13-.Ltmp8, $4  }
0x16a: {  	_ = 	snop  }
0x16b: {  	_ =	swait.ge [sflag:s28], $0x2000  }
0x16c: {  	[sflag:s28] =	ssyncset.done $0x0  }
0x16d: {  	[sflag:s28] =	ssyncadd.s32 $0xFFFFE000  }
.LBB2_12:
.Ltmp9:
0x16e: {  	s3 =	sadd.s32 s7, s11;
	s4 =	simm.s32 $0xA000;
	(pc) =	sbr.rel @p0 .LBB2_14-.Ltmp9, $4  }
0x16f: {  	[tilespmem:s4], [sflag:$0x2] =	stream.linear.gather [hbm4b:s3+s2], $0x2000, $0x38;
	[tilespmem:$0x18000] =	vst v63  }
0x170: {  	_ =	swait.ge [sflag:s28], $0x2000  }
0x171: {  	[sflag:s28] =	ssyncset.done $0x0  }
0x172: {  	[sflag:s28] =	ssyncadd.s32 $0xFFFFE000  }
.LBB2_13:
0x173: {  	_ =	swait.ge [sflag:s29], $0x2000  }
0x174: {  	[sflag:s29] =	ssyncset.done $0x0  }
0x175: {  	[sflag:s29] =	ssyncadd.s32 $0xFFFFE000  }
.LBB2_14:
0x176: {  	s16 =	simm.s32 $0x0  }
0x177: {  	v0 =	vld [tilespmem:s16+$0xC000]  }
0x178: {  	v1 =	vld [tilespmem:s16+$0x4000]  }
0x179: {  	v2 =	vld [tilespmem:s16+$0xC010]  }
0x17a: {  	v3 =	vld [tilespmem:s16+$0x4010]  }
0x17b: {  	v4 =	vld [tilespmem:s16+$0xC020]  }
0x17c: {  	v5 =	vld [tilespmem:s16+$0x4020]  }
0x17d: {  	v6 =	vld [tilespmem:s16+$0x4030]  }
0x17e: {  	v7 =	vld [tilespmem:s16+$0xC1F0]  }
0x17f: {  	v8 =	vld [tilespmem:s16+$0x41F0]  }
0x180: {  	v9 =	vld [tilespmem:s16+$0x4060]  }
0x181: {  	v10 =	vld [tilespmem:s16+$0xC080]  }
0x182: {  	v11 =	vld [tilespmem:s16+$0x4080]  }
0x183: {  	v12 =	vld [tilespmem:s16+$0xC090]  }
0x184: {  	v13 =	vld [tilespmem:s16+$0x4090]  }
0x185: {  	v14 =	vld [tilespmem:s16+$0xC0A0]  }
0x186: {  	v45 =	vld [tilespmem:s16+$0xC0B0]  }
0x187: {  	v15 =	vld [tilespmem:s16+$0xC070]  }
0x188: {  	v47 =	vld [tilespmem:s16+$0xC0C0]  }
0x189: {  	v48 =	vld [tilespmem:s16+$0x40C0]  }
0x18a: {  	v16 =	vld [tilespmem:s16+$0x4070]  }
0x18b: {  	v49 =	vld [tilespmem:s16+$0xC0D0]  }
0x18c: {  	v17 =	vld [tilespmem:s16+$0x40D0]  }
0x18d: {  	v18 =	vld [tilespmem:s16+$0xC100]  }
0x18e: {  	v19 =	vld [tilespmem:s16+$0x4100]  }
0x18f: {  	v20 =	vld [tilespmem:s16+$0xC110]  }
0x190: {  	v21 =	vld [tilespmem:s16+$0x4110]  }
0x191: {  	v22 =	vld [tilespmem:s16+$0xC120]  }
0x192: {  	v50 =	vld [tilespmem:s16+$0x4120]  }
0x193: {  	v51 =	vld [tilespmem:s16+$0xC130]  }
0x194: {  	v23 =	vld [tilespmem:s16+$0xC0E0]  }
0x195: {  	v53 =	vld [tilespmem:s16+$0xC140]  }
0x196: {  	v0 =	vadd.f32 v1, v0;
	v1 =	vld [tilespmem:s16+$0xC030]  }
0x197: {  	v54 =	vld [tilespmem:s16+$0x4140]  }
0x198: {  	v55 =	vld [tilespmem:s16+$0x40E0]  }
0x199: {  	v56 =	vld [tilespmem:s16+$0xC150];
	v10 =	vadd.f32 v11, v10  }
0x19a: {  	v46 =	vadd.f32 v13, v12;
	[tilespmem:s16+$0x14000] =	vst v0;
	v0 =	vadd.f32 v3, v2;
	v2 =	vld [tilespmem:s16+$0xC040]  }
0x19b: {  	[tilespmem:s16+$0x14080] =	vst v10;
	v1 =	vadd.f32 v6, v1;
	v6 =	vld [tilespmem:s16+$0x40A0]  }
0x19c: {  	v18 =	vadd.f32 v19, v18;
	v3 =	vld [tilespmem:s16+$0x4040];
	[tilespmem:s16+$0x14090] =	vst v46  }
0x19d: {  	v52 =	vadd.f32 v21, v20;
	[tilespmem:s16+$0x14010] =	vst v0;
	v0 =	vadd.f32 v5, v4;
	v4 =	vld [tilespmem:s16+$0xC050]  }
0x19e: {  	[tilespmem:s16+$0x14100] =	vst v18;
	v5 =	vld [tilespmem:s16+$0x4050]  }
0x19f: {  	v57 =	vld [tilespmem:s16+$0xC0F0];
	v7 =	vadd.f32 v8, v7;
	[tilespmem:s16+$0x14110] =	vst v52  }
0x1a0: {  	[tilespmem:s16+$0x14020] =	vst v0;
	v0 =	vld [tilespmem:s16+$0xC060];
	v6 =	vadd.f32 v6, v14  }
0x1a1: {  	v58 =	vld [tilespmem:s16+$0xC160];
	[tilespmem:s16+$0x141F0] =	vst v7  }
0x1a2: {  	v2 =	vadd.f32 v3, v2;
	[tilespmem:s16+$0x140A0] =	vst v6;
	v6 =	vld [tilespmem:s16+$0x4130]  }
0x1a3: {  	[tilespmem:s16+$0x14030] =	vst v1;
	v1 =	vld [tilespmem:s16+$0x40B0];
	v4 =	vadd.f32 v5, v4  }
0x1a4: {  	v59 =	vld [tilespmem:s16+$0x4160];
	[tilespmem:s16+$0x14040] =	vst v2;
	v14 =	vadd.f32 v50, v22  }
0x1a5: {  	v5 =	vld [tilespmem:s16+$0xC180];
	v0 =	vadd.f32 v9, v0;
	[tilespmem:s16+$0x14050] =	vst v4  }
0x1a6: {  	v2 =	vld [tilespmem:s16+$0x4180];
	v4 =	vadd.f32 v16, v15;
	[tilespmem:s16+$0x14120] =	vst v14  }
0x1a7: {  	v60 =	vld [tilespmem:s16+$0x4190];
	[tilespmem:s16+$0x14060] =	vst v0;
	v6 =	vadd.f32 v6, v51  }
0x1a8: {  	v7 =	vld [tilespmem:s16+$0xC190];
	v1 =	vadd.f32 v1, v45;
	[tilespmem:s16+$0x14070] =	vst v4  }
0x1a9: {  	v0 =	vadd.f32 v48, v47;
	[tilespmem:s16+$0x14130] =	vst v6;
	v6 =	vld [tilespmem:s16+$0x40F0]  }
0x1aa: {  	v61 =	vld [tilespmem:s16+$0xC1A0];
	v4 =	vadd.f32 v17, v49;
	[tilespmem:s16+$0x140B0] =	vst v1  }
0x1ab: {  	v63 =	vld [tilespmem:s16+$0x4170];
	v2 =	vadd.f32 v2, v5;
	[tilespmem:s16+$0x140C0] =	vst v0  }
0x1ac: {  	v1 =	vld [tilespmem:s16+$0x4150];
	v0 =	vadd.f32 v55, v23;
	[tilespmem:s16+$0x140D0] =	vst v4  }
0x1ad: {  	v3 =	vld [tilespmem:s16+$0xC170];
	[tilespmem:s16+$0x14180] =	vst v2;
	v2 =	vadd.f32 v60, v7  }
0x1ae: {  	v62 =	vld [tilespmem:s16+$0x41A0];
	[tilespmem:s16+$0x140E0] =	vst v0;
	v0 =	vadd.f32 v6, v57  }
0x1af: {  	v5 =	vld [tilespmem:s16+$0x41B0];
	[tilespmem:s16+$0x14190] =	vst v2;
	v6 =	vadd.f32 v54, v53  }
0x1b0: {  	v4 =	vld [tilespmem:s16+$0xC1B0];
	v7 =	vadd.f32 v59, v58;
	[tilespmem:s16+$0x140F0] =	vst v0  }
0x1b1: {  	v0 =	vld [tilespmem:s16+$0xC1C0];
	[tilespmem:s16+$0x14140] =	vst v6;
	v6 =	vadd.f32 v1, v56  }
0x1b2: {  	[tilespmem:s16+$0x14160] =	vst v7;
	v7 =	vadd.f32 v63, v3;
	v1 =	vld [tilespmem:s16+$0x41C0]  }
0x1b3: {  	v2 =	vld [tilespmem:s16+$0xC1D0];
	[tilespmem:s16+$0x14150] =	vst v6;
	v6 =	vadd.f32 v62, v61  }
0x1b4: {  	v3 =	vld [tilespmem:s16+$0x41D0];
	[tilespmem:s16+$0x14170] =	vst v7  }
0x1b5: {  	s3 =	simm.s32 $0x0;
	s4 =	simm.s32 $0x800;
	v5 =	vadd.f32 v5, v4;
	v4 =	vld [tilespmem:s16+$0xC1E0];
	[tilespmem:s16+$0x141A0] =	vst v6  }
.LBB2_15:
0x1b6: {  	s5 =	sshra.s32 s4, $0x2;
	v6 =	vld [tilespmem:s16+$0x41E0]  }
0x1b7: {  	s3 =	sadd.s32 $0x4, s3;
	v7 =	vld [tilespmem:s5+$0xC1F0];
	[tilespmem:s16+$0x141B0] =	vst v5;
	v0 =	vadd.f32 v1, v0  }
0x1b8: {  	p2 =	slt.u32 s3, $0x3C;
	v1 =	vld [tilespmem:s5+$0x41F0]  }
0x1b9: {  	v5 =	vld [tilespmem:s5+$0xC000];
	[tilespmem:s16+$0x141C0] =	vst v0;
	v0 =	vadd.f32 v3, v2  }
0x1ba: {  	v2 =	vld [tilespmem:s5+$0x4000]  }
0x1bb: {  	v3 =	vld [tilespmem:s5+$0xC010];
	[tilespmem:s16+$0x141D0] =	vst v0;
	v0 =	vadd.f32 v6, v4  }
0x1bc: {  	v4 =	vld [tilespmem:s5+$0x4010]  }
0x1bd: {  	v6 =	vld [tilespmem:s5+$0xC020];
	v1 =	vadd.f32 v1, v7;
	[tilespmem:s16+$0x141E0] =	vst v0;
	s16 =	smov.u32 s5  }
0x1be: {  	v0 =	vld [tilespmem:s16+$0x4020]  }
0x1bf: {  	v2 =	vadd.f32 v2, v5;
	v5 =	vld [tilespmem:s16+$0xC030];
	[tilespmem:s16+$0x141F0] =	vst v1  }
0x1c0: {  	v1 =	vld [tilespmem:s16+$0x4030]  }
0x1c1: {  	[tilespmem:s16+$0x14000] =	vst v2;
	v2 =	vadd.f32 v4, v3;
	v3 =	vld [tilespmem:s16+$0xC040]  }
0x1c2: {  	v4 =	vld [tilespmem:s16+$0x4040]  }
0x1c3: {  	[tilespmem:s16+$0x14010] =	vst v2;
	v0 =	vadd.f32 v0, v6;
	v2 =	vld [tilespmem:s16+$0xC050]  }
0x1c4: {  	v6 =	vld [tilespmem:s16+$0x4050]  }
0x1c5: {  	[tilespmem:s16+$0x14020] =	vst v0;
	v0 =	vadd.f32 v1, v5;
	v1 =	vld [tilespmem:s16+$0xC060]  }
0x1c6: {  	v5 =	vld [tilespmem:s16+$0x4060]  }
0x1c7: {  	[tilespmem:s16+$0x14030] =	vst v0;
	v0 =	vadd.f32 v4, v3;
	v3 =	vld [tilespmem:s16+$0xC070]  }
0x1c8: {  	v4 =	vld [tilespmem:s16+$0x4070]  }
0x1c9: {  	[tilespmem:s16+$0x14040] =	vst v0;
	v0 =	vadd.f32 v6, v2;
	v2 =	vld [tilespmem:s16+$0xC080]  }
0x1ca: {  	v6 =	vld [tilespmem:s16+$0x4080]  }
0x1cb: {  	[tilespmem:s16+$0x14050] =	vst v0;
	v0 =	vadd.f32 v5, v1;
	v1 =	vld [tilespmem:s16+$0xC090]  }
0x1cc: {  	v5 =	vld [tilespmem:s16+$0x4090]  }
0x1cd: {  	[tilespmem:s16+$0x14060] =	vst v0;
	v0 =	vadd.f32 v4, v3;
	v3 =	vld [tilespmem:s16+$0xC0A0]  }
0x1ce: {  	v4 =	vld [tilespmem:s16+$0x40A0]  }
0x1cf: {  	[tilespmem:s16+$0x14070] =	vst v0;
	v0 =	vadd.f32 v6, v2;
	v2 =	vld [tilespmem:s16+$0xC0B0]  }
0x1d0: {  	v6 =	vld [tilespmem:s16+$0x40B0]  }
0x1d1: {  	[tilespmem:s16+$0x14080] =	vst v0;
	v0 =	vadd.f32 v5, v1;
	v1 =	vld [tilespmem:s16+$0xC0C0]  }
0x1d2: {  	v5 =	vld [tilespmem:s16+$0x40C0]  }
0x1d3: {  	[tilespmem:s16+$0x14090] =	vst v0;
	v0 =	vadd.f32 v4, v3;
	v3 =	vld [tilespmem:s16+$0xC0D0]  }
0x1d4: {  	v4 =	vld [tilespmem:s16+$0x40D0]  }
0x1d5: {  	[tilespmem:s16+$0x140A0] =	vst v0;
	v0 =	vadd.f32 v6, v2;
	v2 =	vld [tilespmem:s16+$0xC0E0]  }
0x1d6: {  	v6 =	vld [tilespmem:s16+$0x40E0]  }
0x1d7: {  	[tilespmem:s16+$0x140B0] =	vst v0;
	v0 =	vadd.f32 v5, v1;
	v1 =	vld [tilespmem:s16+$0xC0F0]  }
0x1d8: {  	v5 =	vld [tilespmem:s16+$0x40F0]  }
0x1d9: {  	[tilespmem:s16+$0x140C0] =	vst v0;
	v0 =	vadd.f32 v4, v3;
	v3 =	vld [tilespmem:s16+$0xC100]  }
0x1da: {  	v4 =	vld [tilespmem:s16+$0x4100]  }
0x1db: {  	[tilespmem:s16+$0x140D0] =	vst v0;
	v0 =	vadd.f32 v6, v2;
	v2 =	vld [tilespmem:s16+$0xC110]  }
0x1dc: {  	v6 =	vld [tilespmem:s16+$0x4110]  }
0x1dd: {  	[tilespmem:s16+$0x140E0] =	vst v0;
	v0 =	vadd.f32 v5, v1;
	v1 =	vld [tilespmem:s16+$0xC120]  }
0x1de: {  	v5 =	vld [tilespmem:s16+$0x4120]  }
0x1df: {  	[tilespmem:s16+$0x140F0] =	vst v0;
	v0 =	vadd.f32 v4, v3;
	v3 =	vld [tilespmem:s16+$0xC130]  }
0x1e0: {  	v4 =	vld [tilespmem:s16+$0x4130]  }
0x1e1: {  	[tilespmem:s16+$0x14100] =	vst v0;
	v0 =	vadd.f32 v6, v2;
	v2 =	vld [tilespmem:s16+$0xC140]  }
0x1e2: {  	v6 =	vld [tilespmem:s16+$0x4140]  }
0x1e3: {  	[tilespmem:s16+$0x14110] =	vst v0;
	v0 =	vadd.f32 v5, v1;
	v1 =	vld [tilespmem:s16+$0xC150]  }
0x1e4: {  	v5 =	vld [tilespmem:s16+$0x4150]  }
0x1e5: {  	[tilespmem:s16+$0x14120] =	vst v0;
	v0 =	vadd.f32 v4, v3;
	v3 =	vld [tilespmem:s16+$0xC160]  }
0x1e6: {  	v4 =	vld [tilespmem:s16+$0x4160]  }
0x1e7: {  	[tilespmem:s16+$0x14130] =	vst v0;
	v0 =	vadd.f32 v6, v2;
	v2 =	vld [tilespmem:s16+$0xC170]  }
0x1e8: {  	v6 =	vld [tilespmem:s16+$0x4170]  }
0x1e9: {  	[tilespmem:s16+$0x14140] =	vst v0;
	v0 =	vadd.f32 v5, v1;
	v1 =	vld [tilespmem:s16+$0xC180]  }
0x1ea: {  	v5 =	vld [tilespmem:s16+$0x4180]  }
0x1eb: {  	[tilespmem:s16+$0x14150] =	vst v0;
	v0 =	vadd.f32 v4, v3;
	v3 =	vld [tilespmem:s16+$0xC190]  }
0x1ec: {  	v4 =	vld [tilespmem:s16+$0x4190]  }
0x1ed: {  	[tilespmem:s16+$0x14160] =	vst v0;
	v0 =	vadd.f32 v6, v2;
	v2 =	vld [tilespmem:s16+$0xC1A0]  }
0x1ee: {  	v6 =	vld [tilespmem:s16+$0x41A0]  }
0x1ef: {  	[tilespmem:s16+$0x14170] =	vst v0;
	v0 =	vadd.f32 v5, v1;
	v5 =	vld [tilespmem:s16+$0xC1B0]  }
0x1f0: {  	v7 =	vld [tilespmem:s16+$0x41B0]  }
.Ltmp10:
0x1f1: {  	[tilespmem:s16+$0x14180] =	vst v0;
	v3 =	vadd.f32 v4, v3;
	v0 =	vld [tilespmem:s16+$0xC1C0];
	(pc) =	sbr.rel @p2 .LBB2_15-.Ltmp10, $4  }
0x1f2: {  	v1 =	vld [tilespmem:s16+$0x41C0]  }
0x1f3: {  	[tilespmem:s16+$0x14190] =	vst v3;
	v4 =	vadd.f32 v6, v2;
	v2 =	vld [tilespmem:s16+$0xC1D0]  }
0x1f4: {  	v3 =	vld [tilespmem:s16+$0x41D0]  }
0x1f5: {  	s4 =	sadd.s32 $0x800, s4;
	[tilespmem:s16+$0x141A0] =	vst v4;
	v5 =	vadd.f32 v7, v5;
	v4 =	vld [tilespmem:s16+$0xC1E0]  }
0x1f6: {  	v6 =	vld [tilespmem:s16+$0x41E0];
	_ =	sdelay $0x2  }
0x1f7: {  	v0 =	vadd.f32 v1, v0  }
.Ltmp11:
0x1f8: {  	[tilespmem:s16+$0x141B0] =	vst v5;
	v62 =	vadd.f32 v3, v2;
	(pc) =	sbr.rel @p1 .LBB2_18-.Ltmp11, $4  }
0x1f9: {  	[tilespmem:s16+$0x141C0] =	vst v0;
	v63 =	vadd.f32 v6, v4  }
0x1fa: {  	[tilespmem:s16+$0x141D0] =	vst v62  }
0x1fb: {  	s3 =	sadd.s32 s7, s12;
	[tilespmem:s16+$0x141E0] =	vst v63  }
0x1fc: {  	[hbm4b:s3+s2] =	stream.linear.scatter [tilespmem:s30], [sflag:$0x7], $0x2000, $0x38;
	[tilespmem:$0x18000] =	vst v63  }
.Ltmp12:
0x1fd: {  	(pc) =	sbr.rel .LBB2_19-.Ltmp12, $4  }
0x1fe: {  	_ = 	snop  }
0x1ff: {  	_ =	swait.ge [sflag:s31], $0x2000  }
0x200: {  	[sflag:s31] =	ssyncset.done $0x0  }
0x201: {  	[sflag:s31] =	ssyncadd.s32 $0xFFFFE000  }
.LBB2_18:
.Ltmp13:
0x202: {  	s3 =	sadd.s32 s7, s13;
	(pc) =	sbr.rel @p0 .LBB2_20-.Ltmp13, $4  }
0x203: {  	[tilespmem:s19], [sflag:$0x3] =	stream.linear.gather [hbm4b:s3+s2], $0x2000, $0x38;
	[tilespmem:$0x18000] =	vst v63  }
0x204: {  	_ =	swait.ge [sflag:s31], $0x2000  }
0x205: {  	[sflag:s31] =	ssyncset.done $0x0  }
0x206: {  	[sflag:s31] =	ssyncadd.s32 $0xFFFFE000  }
.LBB2_19:
0x207: {  	_ =	swait.ge [sflag:s0], $0x2000  }
0x208: {  	[sflag:s0] =	ssyncset.done $0x0  }
0x209: {  	[sflag:s0] =	ssyncadd.s32 $0xFFFFE000  }
.LBB2_20:
0x20a: {  	s16 =	simm.s32 $0x0  }
0x20b: {  	v0 =	vld [tilespmem:s16+$0xE000]  }
0x20c: {  	v1 =	vld [tilespmem:s16+$0x6000]  }
0x20d: {  	v2 =	vld [tilespmem:s16+$0xE010]  }
0x20e: {  	v3 =	vld [tilespmem:s16+$0x6010]  }
0x20f: {  	v4 =	vld [tilespmem:s16+$0xE020]  }
0x210: {  	v5 =	vld [tilespmem:s16+$0x6020]  }
0x211: {  	v6 =	vld [tilespmem:s16+$0x6030]  }
0x212: {  	v7 =	vld [tilespmem:s16+$0xE1F0]  }
0x213: {  	v8 =	vld [tilespmem:s16+$0x61F0]  }
0x214: {  	v9 =	vld [tilespmem:s16+$0x6060]  }
0x215: {  	v10 =	vld [tilespmem:s16+$0xE080]  }
0x216: {  	v11 =	vld [tilespmem:s16+$0x6080]  }
0x217: {  	v12 =	vld [tilespmem:s16+$0xE090]  }
0x218: {  	v13 =	vld [tilespmem:s16+$0x6090]  }
0x219: {  	v14 =	vld [tilespmem:s16+$0xE0A0]  }
0x21a: {  	v45 =	vld [tilespmem:s16+$0xE0B0]  }
0x21b: {  	v15 =	vld [tilespmem:s16+$0xE070]  }
0x21c: {  	v47 =	vld [tilespmem:s16+$0xE0C0]  }
0x21d: {  	v48 =	vld [tilespmem:s16+$0x60C0]  }
0x21e: {  	v16 =	vld [tilespmem:s16+$0x6070]  }
0x21f: {  	v49 =	vld [tilespmem:s16+$0xE0D0]  }
0x220: {  	v17 =	vld [tilespmem:s16+$0x60D0]  }
0x221: {  	v18 =	vld [tilespmem:s16+$0xE100]  }
0x222: {  	v19 =	vld [tilespmem:s16+$0x6100]  }
0x223: {  	v20 =	vld [tilespmem:s16+$0xE110]  }
0x224: {  	v21 =	vld [tilespmem:s16+$0x6110]  }
0x225: {  	v22 =	vld [tilespmem:s16+$0xE120]  }
0x226: {  	v50 =	vld [tilespmem:s16+$0x6120]  }
0x227: {  	v51 =	vld [tilespmem:s16+$0xE130]  }
0x228: {  	v23 =	vld [tilespmem:s16+$0xE0E0]  }
0x229: {  	v53 =	vld [tilespmem:s16+$0xE140]  }
0x22a: {  	v0 =	vadd.f32 v1, v0;
	v1 =	vld [tilespmem:s16+$0xE030]  }
0x22b: {  	v54 =	vld [tilespmem:s16+$0x6140]  }
0x22c: {  	v55 =	vld [tilespmem:s16+$0x60E0]  }
0x22d: {  	v56 =	vld [tilespmem:s16+$0xE150];
	v10 =	vadd.f32 v11, v10  }
0x22e: {  	v46 =	vadd.f32 v13, v12;
	[tilespmem:s16+$0x16000] =	vst v0;
	v0 =	vadd.f32 v3, v2;
	v2 =	vld [tilespmem:s16+$0xE040]  }
0x22f: {  	[tilespmem:s16+$0x16080] =	vst v10;
	v1 =	vadd.f32 v6, v1;
	v6 =	vld [tilespmem:s16+$0x60A0]  }
0x230: {  	v18 =	vadd.f32 v19, v18;
	v3 =	vld [tilespmem:s16+$0x6040];
	[tilespmem:s16+$0x16090] =	vst v46  }
0x231: {  	v52 =	vadd.f32 v21, v20;
	[tilespmem:s16+$0x16010] =	vst v0;
	v0 =	vadd.f32 v5, v4;
	v4 =	vld [tilespmem:s16+$0xE050]  }
0x232: {  	[tilespmem:s16+$0x16100] =	vst v18;
	v5 =	vld [tilespmem:s16+$0x6050]  }
0x233: {  	v57 =	vld [tilespmem:s16+$0xE0F0];
	v7 =	vadd.f32 v8, v7;
	[tilespmem:s16+$0x16110] =	vst v52  }
0x234: {  	[tilespmem:s16+$0x16020] =	vst v0;
	v0 =	vld [tilespmem:s16+$0xE060];
	v6 =	vadd.f32 v6, v14  }
0x235: {  	v58 =	vld [tilespmem:s16+$0xE160];
	[tilespmem:s16+$0x161F0] =	vst v7  }
0x236: {  	v2 =	vadd.f32 v3, v2;
	[tilespmem:s16+$0x160A0] =	vst v6;
	v6 =	vld [tilespmem:s16+$0x6130]  }
0x237: {  	[tilespmem:s16+$0x16030] =	vst v1;
	v1 =	vld [tilespmem:s16+$0x60B0];
	v4 =	vadd.f32 v5, v4  }
0x238: {  	v59 =	vld [tilespmem:s16+$0x6160];
	[tilespmem:s16+$0x16040] =	vst v2;
	v14 =	vadd.f32 v50, v22  }
0x239: {  	v5 =	vld [tilespmem:s16+$0xE180];
	v0 =	vadd.f32 v9, v0;
	[tilespmem:s16+$0x16050] =	vst v4  }
0x23a: {  	v2 =	vld [tilespmem:s16+$0x6180];
	v4 =	vadd.f32 v16, v15;
	[tilespmem:s16+$0x16120] =	vst v14  }
0x23b: {  	v60 =	vld [tilespmem:s16+$0x6190];
	[tilespmem:s16+$0x16060] =	vst v0;
	v6 =	vadd.f32 v6, v51  }
0x23c: {  	v7 =	vld [tilespmem:s16+$0xE190];
	v1 =	vadd.f32 v1, v45;
	[tilespmem:s16+$0x16070] =	vst v4  }
0x23d: {  	v0 =	vadd.f32 v48, v47;
	[tilespmem:s16+$0x16130] =	vst v6;
	v6 =	vld [tilespmem:s16+$0x60F0]  }
0x23e: {  	v61 =	vld [tilespmem:s16+$0xE1A0];
	v4 =	vadd.f32 v17, v49;
	[tilespmem:s16+$0x160B0] =	vst v1  }
0x23f: {  	v63 =	vld [tilespmem:s16+$0x6170];
	v2 =	vadd.f32 v2, v5;
	[tilespmem:s16+$0x160C0] =	vst v0  }
0x240: {  	v1 =	vld [tilespmem:s16+$0x6150];
	v0 =	vadd.f32 v55, v23;
	[tilespmem:s16+$0x160D0] =	vst v4  }
0x241: {  	v3 =	vld [tilespmem:s16+$0xE170];
	[tilespmem:s16+$0x16180] =	vst v2;
	v2 =	vadd.f32 v60, v7  }
0x242: {  	v62 =	vld [tilespmem:s16+$0x61A0];
	[tilespmem:s16+$0x160E0] =	vst v0;
	v0 =	vadd.f32 v6, v57  }
0x243: {  	v5 =	vld [tilespmem:s16+$0x61B0];
	[tilespmem:s16+$0x16190] =	vst v2;
	v6 =	vadd.f32 v54, v53  }
0x244: {  	v4 =	vld [tilespmem:s16+$0xE1B0];
	v7 =	vadd.f32 v59, v58;
	[tilespmem:s16+$0x160F0] =	vst v0  }
0x245: {  	v0 =	vld [tilespmem:s16+$0xE1C0];
	[tilespmem:s16+$0x16140] =	vst v6;
	v6 =	vadd.f32 v1, v56  }
0x246: {  	[tilespmem:s16+$0x16160] =	vst v7;
	v7 =	vadd.f32 v63, v3;
	v1 =	vld [tilespmem:s16+$0x61C0]  }
0x247: {  	v2 =	vld [tilespmem:s16+$0xE1D0];
	[tilespmem:s16+$0x16150] =	vst v6;
	v6 =	vadd.f32 v62, v61  }
0x248: {  	v3 =	vld [tilespmem:s16+$0x61D0];
	[tilespmem:s16+$0x16170] =	vst v7  }
0x249: {  	s3 =	simm.s32 $0x0;
	s4 =	simm.s32 $0x800;
	v5 =	vadd.f32 v5, v4;
	v4 =	vld [tilespmem:s16+$0xE1E0];
	[tilespmem:s16+$0x161A0] =	vst v6  }
.LBB2_21:
0x24a: {  	s5 =	sshra.s32 s4, $0x2;
	v6 =	vld [tilespmem:s16+$0x61E0]  }
0x24b: {  	s3 =	sadd.s32 $0x4, s3;
	v7 =	vld [tilespmem:s5+$0xE1F0];
	[tilespmem:s16+$0x161B0] =	vst v5;
	v0 =	vadd.f32 v1, v0  }
0x24c: {  	p0 =	slt.u32 s3, $0x3C;
	v1 =	vld [tilespmem:s5+$0x61F0]  }
0x24d: {  	v5 =	vld [tilespmem:s5+$0xE000];
	[tilespmem:s16+$0x161C0] =	vst v0;
	v0 =	vadd.f32 v3, v2  }
0x24e: {  	v2 =	vld [tilespmem:s5+$0x6000]  }
0x24f: {  	v3 =	vld [tilespmem:s5+$0xE010];
	[tilespmem:s16+$0x161D0] =	vst v0;
	v0 =	vadd.f32 v6, v4  }
0x250: {  	v4 =	vld [tilespmem:s5+$0x6010]  }
0x251: {  	v6 =	vld [tilespmem:s5+$0xE020];
	v1 =	vadd.f32 v1, v7;
	[tilespmem:s16+$0x161E0] =	vst v0;
	s16 =	smov.u32 s5  }
0x252: {  	v0 =	vld [tilespmem:s16+$0x6020]  }
0x253: {  	v2 =	vadd.f32 v2, v5;
	v5 =	vld [tilespmem:s16+$0xE030];
	[tilespmem:s16+$0x161F0] =	vst v1  }
0x254: {  	v1 =	vld [tilespmem:s16+$0x6030]  }
0x255: {  	[tilespmem:s16+$0x16000] =	vst v2;
	v2 =	vadd.f32 v4, v3;
	v3 =	vld [tilespmem:s16+$0xE040]  }
0x256: {  	v4 =	vld [tilespmem:s16+$0x6040]  }
0x257: {  	[tilespmem:s16+$0x16010] =	vst v2;
	v0 =	vadd.f32 v0, v6;
	v2 =	vld [tilespmem:s16+$0xE050]  }
0x258: {  	v6 =	vld [tilespmem:s16+$0x6050]  }
0x259: {  	[tilespmem:s16+$0x16020] =	vst v0;
	v0 =	vadd.f32 v1, v5;
	v1 =	vld [tilespmem:s16+$0xE060]  }
0x25a: {  	v5 =	vld [tilespmem:s16+$0x6060]  }
0x25b: {  	[tilespmem:s16+$0x16030] =	vst v0;
	v0 =	vadd.f32 v4, v3;
	v3 =	vld [tilespmem:s16+$0xE070]  }
0x25c: {  	v4 =	vld [tilespmem:s16+$0x6070]  }
0x25d: {  	[tilespmem:s16+$0x16040] =	vst v0;
	v0 =	vadd.f32 v6, v2;
	v2 =	vld [tilespmem:s16+$0xE080]  }
0x25e: {  	v6 =	vld [tilespmem:s16+$0x6080]  }
0x25f: {  	[tilespmem:s16+$0x16050] =	vst v0;
	v0 =	vadd.f32 v5, v1;
	v1 =	vld [tilespmem:s16+$0xE090]  }
0x260: {  	v5 =	vld [tilespmem:s16+$0x6090]  }
0x261: {  	[tilespmem:s16+$0x16060] =	vst v0;
	v0 =	vadd.f32 v4, v3;
	v3 =	vld [tilespmem:s16+$0xE0A0]  }
0x262: {  	v4 =	vld [tilespmem:s16+$0x60A0]  }
0x263: {  	[tilespmem:s16+$0x16070] =	vst v0;
	v0 =	vadd.f32 v6, v2;
	v2 =	vld [tilespmem:s16+$0xE0B0]  }
0x264: {  	v6 =	vld [tilespmem:s16+$0x60B0]  }
0x265: {  	[tilespmem:s16+$0x16080] =	vst v0;
	v0 =	vadd.f32 v5, v1;
	v1 =	vld [tilespmem:s16+$0xE0C0]  }
0x266: {  	v5 =	vld [tilespmem:s16+$0x60C0]  }
0x267: {  	[tilespmem:s16+$0x16090] =	vst v0;
	v0 =	vadd.f32 v4, v3;
	v3 =	vld [tilespmem:s16+$0xE0D0]  }
0x268: {  	v4 =	vld [tilespmem:s16+$0x60D0]  }
0x269: {  	[tilespmem:s16+$0x160A0] =	vst v0;
	v0 =	vadd.f32 v6, v2;
	v2 =	vld [tilespmem:s16+$0xE0E0]  }
0x26a: {  	v6 =	vld [tilespmem:s16+$0x60E0]  }
0x26b: {  	[tilespmem:s16+$0x160B0] =	vst v0;
	v0 =	vadd.f32 v5, v1;
	v1 =	vld [tilespmem:s16+$0xE0F0]  }
0x26c: {  	v5 =	vld [tilespmem:s16+$0x60F0]  }
0x26d: {  	[tilespmem:s16+$0x160C0] =	vst v0;
	v0 =	vadd.f32 v4, v3;
	v3 =	vld [tilespmem:s16+$0xE100]  }
0x26e: {  	v4 =	vld [tilespmem:s16+$0x6100]  }
0x26f: {  	[tilespmem:s16+$0x160D0] =	vst v0;
	v0 =	vadd.f32 v6, v2;
	v2 =	vld [tilespmem:s16+$0xE110]  }
0x270: {  	v6 =	vld [tilespmem:s16+$0x6110]  }
0x271: {  	[tilespmem:s16+$0x160E0] =	vst v0;
	v0 =	vadd.f32 v5, v1;
	v1 =	vld [tilespmem:s16+$0xE120]  }
0x272: {  	v5 =	vld [tilespmem:s16+$0x6120]  }
0x273: {  	[tilespmem:s16+$0x160F0] =	vst v0;
	v0 =	vadd.f32 v4, v3;
	v3 =	vld [tilespmem:s16+$0xE130]  }
0x274: {  	v4 =	vld [tilespmem:s16+$0x6130]  }
0x275: {  	[tilespmem:s16+$0x16100] =	vst v0;
	v0 =	vadd.f32 v6, v2;
	v2 =	vld [tilespmem:s16+$0xE140]  }
0x276: {  	v6 =	vld [tilespmem:s16+$0x6140]  }
0x277: {  	[tilespmem:s16+$0x16110] =	vst v0;
	v0 =	vadd.f32 v5, v1;
	v1 =	vld [tilespmem:s16+$0xE150]  }
0x278: {  	v5 =	vld [tilespmem:s16+$0x6150]  }
0x279: {  	[tilespmem:s16+$0x16120] =	vst v0;
	v0 =	vadd.f32 v4, v3;
	v3 =	vld [tilespmem:s16+$0xE160]  }
0x27a: {  	v4 =	vld [tilespmem:s16+$0x6160]  }
0x27b: {  	[tilespmem:s16+$0x16130] =	vst v0;
	v0 =	vadd.f32 v6, v2;
	v2 =	vld [tilespmem:s16+$0xE170]  }
0x27c: {  	v6 =	vld [tilespmem:s16+$0x6170]  }
0x27d: {  	[tilespmem:s16+$0x16140] =	vst v0;
	v0 =	vadd.f32 v5, v1;
	v1 =	vld [tilespmem:s16+$0xE180]  }
0x27e: {  	v5 =	vld [tilespmem:s16+$0x6180]  }
0x27f: {  	[tilespmem:s16+$0x16150] =	vst v0;
	v0 =	vadd.f32 v4, v3;
	v3 =	vld [tilespmem:s16+$0xE190]  }
0x280: {  	v4 =	vld [tilespmem:s16+$0x6190]  }
0x281: {  	[tilespmem:s16+$0x16160] =	vst v0;
	v0 =	vadd.f32 v6, v2;
	v2 =	vld [tilespmem:s16+$0xE1A0]  }
0x282: {  	v6 =	vld [tilespmem:s16+$0x61A0]  }
0x283: {  	[tilespmem:s16+$0x16170] =	vst v0;
	v0 =	vadd.f32 v5, v1;
	v5 =	vld [tilespmem:s16+$0xE1B0]  }
0x284: {  	v7 =	vld [tilespmem:s16+$0x61B0]  }
.Ltmp14:
0x285: {  	[tilespmem:s16+$0x16180] =	vst v0;
	v3 =	vadd.f32 v4, v3;
	v0 =	vld [tilespmem:s16+$0xE1C0];
	(pc) =	sbr.rel @p0 .LBB2_21-.Ltmp14, $4  }
0x286: {  	v1 =	vld [tilespmem:s16+$0x61C0]  }
0x287: {  	[tilespmem:s16+$0x16190] =	vst v3;
	v4 =	vadd.f32 v6, v2;
	v2 =	vld [tilespmem:s16+$0xE1D0]  }
0x288: {  	v3 =	vld [tilespmem:s16+$0x61D0]  }
0x289: {  	s4 =	sadd.s32 $0x800, s4;
	[tilespmem:s16+$0x161A0] =	vst v4;
	v5 =	vadd.f32 v7, v5;
	v4 =	vld [tilespmem:s16+$0xE1E0]  }
0x28a: {  	v6 =	vld [tilespmem:s16+$0x61E0];
	_ =	sdelay $0x2  }
0x28b: {  	p0 =	seq.s32 s6, $0x3;
	v0 =	vadd.f32 v1, v0  }
.Ltmp15:
0x28c: {  	[tilespmem:s16+$0x161B0] =	vst v5;
	v62 =	vadd.f32 v3, v2;
	(pc) =	sbr.rel @p0 .LBB2_24-.Ltmp15, $4  }
0x28d: {  	[tilespmem:s16+$0x161C0] =	vst v0;
	v63 =	vadd.f32 v6, v4  }
0x28e: {  	[tilespmem:s16+$0x161D0] =	vst v62  }
0x28f: {  	s3 =	sadd.s32 s7, s14;
	[tilespmem:s16+$0x161E0] =	vst v63  }
0x290: {  	[hbm4b:s3+s2] =	stream.linear.scatter [tilespmem:s1], [sflag:$0x8], $0x2000, $0x38;
	[tilespmem:$0x18000] =	vst v63  }
.Ltmp16:
0x291: {  	(pc) =	sbr.rel .LBB2_2-.Ltmp16, $3  }
0x292: {  	_ =	sdelay $0x1  }
0x293: {  	s3 =	sadd.s32 s7, s15;
	s6 =	sadd.s32 $0x1, s6  }
0x294: {  	[tilespmem:s20], [sflag:$0x4] =	stream.linear.gather [hbm4b:s3+s2], $0x2000, $0x38;
	[tilespmem:$0x18000] =	vst v63  }
.LBB2_25:
0x295: {  	_ =	sfence.sel $0x180000  }
0x296: {  	[bflag:$0x0] =	sbarrier.arrive $0xFFFF  }
0x297: {  	_ =	strace $0x90000047  }
0x298: {  	s0 =	stileid.u32;
	[bflag:$0x2] =	sbarrier.arrive $0xFFFF  }
0x299: {  	p0 =	sne.s32 s0, $0x0;
	s0 =	rddreg [dreg:$0x3]  }
0x29a: {  	s0 =	sadd.s32 @!p0 $0x100000, s0  }
0x29b: {  	[sflag:s0] =	ssyncadd.tile.s32 @!p0 $0x1;
	_ =	shalt  }
.Lfunc_end2:
_tile_overlayer_lowered:
.L_overlay_start_2:
0x29c: {  	(tag) =	ssettag $0x2  }
0x29d: {  	s0 =	rddreg [dreg:$0x0];
	s2 =	stileid.u32  }
0x29e: {  	s1 =	rddreg [dreg:$0x1];
	p0 =	sne.s32 s2, $0x0  }
0x29f: {  	s3 =	rddreg [dreg:$0x2];
	[bflag:$0x3] =	sbarrier.arrive $0xFFFF;
	s2 =	simm.s32 @!p0 $0x1C09  }
0x2a0: {  	[timem:s3], [sflag:s2] =	dma.local @!p0 [hbm:s0], s1  }
0x2a1: {  	s0 =	simm.s32 @!p0 $0x9  }
0x2a2: {  	_ =	swait.ge @!p0 [sflag:s0], s1  }
0x2a3: {  	s1 =	ssub.s32 @!p0 $0x0, s1;
	[sflag:s0] =	ssyncset.done @!p0 $0x0  }
0x2a4: {  	[sflag:s0] =	ssyncadd.s32 @!p0 s1  }
0x2a5: {  	[bflag:$0x3] =	sbarrier.arrive $0xFFFF  }
0x2a6: {  	_ =	shalt  }

</sc_bundles>
